<compile_context>
chip_gen: v7x
topology: tpu7x:2x2x1
jax: 0.10.2.dev20260603
libtpu: 0.0.44.dev20260713+nightly
codegen_flags: <defaults>
</compile_context>

<pallas_src>
import jax
import jax.numpy as jnp
from jax import lax
from jax.experimental import pallas as pl
from jax.experimental.pallas import tpu as pltpu
from jax.experimental.pallas import tpu_sc as plsc

B, C, H, W = 4, 384, 224, 224
P = B * H * W
NG = C // 16

_info = plsc.get_sparse_core_info()
_NC = _info.num_cores
_NS = _info.num_subcores
NW = _NC * _NS
PPW = P // NW
PCH = 32
NCHUNK = PPW // PCH
NSLOT = 4


def _sc_body(in_hbm, out_hbm, *rest):
    bins = rest[:NSLOT]
    bouts = rest[NSLOT:2 * NSLOT]
    gsem = rest[2 * NSLOT:3 * NSLOT]
    ssem = rest[3 * NSLOT:4 * NSLOT]

    wid = lax.axis_index("s") * _NC + lax.axis_index("c")
    pix0 = wid * PPW

    def gather(t, slot):
        pltpu.async_copy(in_hbm.at[pl.ds(pix0 + t * PCH, PCH)], bins[slot],
                         gsem[slot])

    for k in range(NSLOT):
        gather(k, k)

    @pl.loop(0, NCHUNK, step=NSLOT)
    def _(t0):
        for slot in range(NSLOT):
            t = t0 + slot
            src = in_hbm.at[pl.ds(pix0 + t * PCH, PCH)]
            dst = out_hbm.at[pl.ds(pix0 + t * PCH, PCH)]
            pltpu.make_async_copy(src, bins[slot], gsem[slot]).wait()

            @pl.when(t >= NSLOT)
            def _():
                pltpu.make_async_copy(bouts[slot], dst, ssem[slot]).wait()

            @plsc.parallel_loop(0, PCH)
            def _(p):
                for j in range(NG):
                    v = bins[slot][p, pl.ds(16 * (NG - 1 - j), 16)]
                    bouts[slot][p, pl.ds(16 * j, 16)] = lax.rev(v, (0,))

            pltpu.async_copy(bouts[slot], dst, ssem[slot])

            @pl.when(t + NSLOT < NCHUNK)
            def _():
                gather(t + NSLOT, slot)

    for slot in range(NSLOT):
        t = NCHUNK - NSLOT + slot
        dst = out_hbm.at[pl.ds(pix0 + t * PCH, PCH)]
        pltpu.make_async_copy(bouts[slot], dst, ssem[slot]).wait()


_sc_kernel = pl.kernel(
    _sc_body,
    out_type=jax.ShapeDtypeStruct((P, C), jnp.float32),
    mesh=plsc.VectorSubcoreMesh(core_axis_name="c", subcore_axis_name="s"),
    scratch_types=(
        [pltpu.VMEM((PCH, C), jnp.float32) for _ in range(2 * NSLOT)]
        + [pltpu.SemaphoreType.DMA for _ in range(2 * NSLOT)]
    ),
)


@jax.jit
def kernel(input):
    xt = jnp.transpose(input, (0, 2, 3, 1)).reshape(P, C)
    yt = _sc_kernel(xt)
    return jnp.transpose(yt.reshape(B, H, W, C), (0, 3, 1, 2))

# --- scband reference (transcript-rebuilt; emitter-appended) ---
"""Pipeline reference for scband-permute2d-6983616824443 (READ-ONLY COPY).

The authoritative reference and input builder live on the scoring server;
editing this copy changes nothing except your own understanding.
"""

import jax, jax.numpy as jnp
import numpy as np

NUM_DIM = 384

def _make_indices():
    # shuffle=False: indices = arange(num_dim-1, -1, -1)
    indices = jnp.arange(NUM_DIM - 1, -1, -1, dtype=jnp.int32)
    return indices

def setup_inputs(seed: int = 0) -> dict:
    key = jax.random.key(seed)
    x = jax.random.normal(key, (4, 384, 224, 224), dtype=jnp.float32)
    return {"input": x}

def reference(input) -> jnp.ndarray:
    # Permute2d.forward with reverse=False: input[:, indices, :, :]
    indices = _make_indices()
    return jnp.take(input, indices, axis=1)

if __name__ == "__main__":
    import jax
    _d = setup_inputs()
    print(jax.jit(kernel)(*tuple(_d.values())))

</pallas_src>

<mosaic_0001>
#map = affine_map<(d0, d1) -> (0, 0)>
module attributes {stable_mosaic.version = 14 : i64} {
  func.func @_sc_body(%arg0: i32, %arg1: i32, %arg2: memref<200704x384xf32, #tpu.memory_space<hbm>>, %arg3: memref<200704x384xf32, #tpu.memory_space<hbm>>, %arg4: memref<32x384xf32, #tpu.memory_space<vmem>>, %arg5: memref<32x384xf32, #tpu.memory_space<vmem>>, %arg6: memref<32x384xf32, #tpu.memory_space<vmem>>, %arg7: memref<32x384xf32, #tpu.memory_space<vmem>>, %arg8: memref<32x384xf32, #tpu.memory_space<vmem>>, %arg9: memref<32x384xf32, #tpu.memory_space<vmem>>, %arg10: memref<32x384xf32, #tpu.memory_space<vmem>>, %arg11: memref<32x384xf32, #tpu.memory_space<vmem>>, %arg12: memref<!tpu.dma_semaphore, #tpu.memory_space<semaphore_mem>>, %arg13: memref<!tpu.dma_semaphore, #tpu.memory_space<semaphore_mem>>, %arg14: memref<!tpu.dma_semaphore, #tpu.memory_space<semaphore_mem>>, %arg15: memref<!tpu.dma_semaphore, #tpu.memory_space<semaphore_mem>>, %arg16: memref<!tpu.dma_semaphore, #tpu.memory_space<semaphore_mem>>, %arg17: memref<!tpu.dma_semaphore, #tpu.memory_space<semaphore_mem>>, %arg18: memref<!tpu.dma_semaphore, #tpu.memory_space<semaphore_mem>>, %arg19: memref<!tpu.dma_semaphore, #tpu.memory_space<semaphore_mem>>) attributes {dimension_semantics = [#tpu.dimension_semantics<core_parallel>, #tpu.dimension_semantics<subcore_parallel>], iteration_bounds = array<i64: 2, 16>, scalar_prefetch = 0 : i64, scratch_operands = 16 : i64, tpu.core_type = #tpu.core_type<sc_vector_subcore>, window_params = [{transform_indices = #map}, {transform_indices = #map}]} {
    %mul3A = arith.constant 2 : i32
    %mul3A_0 = arith.muli %arg1, %mul3A : i32
    %add3A = arith.addi %mul3A_0, %arg0 : i32
    %mul3A_1 = arith.constant 6272 : i32
    %mul3A_2 = arith.muli %add3A, %mul3A_1 : i32
    %add3A_3 = arith.constant 0 : i32
    %add3A_4 = arith.addi %mul3A_2, %add3A_3 : i32
    %dma_start3A = arith.constant 0 : i32
    %dma_start3A_5 = tpu.memref_slice %arg2[%add3A_4, %dma_start3A] : memref<200704x384xf32, #tpu.memory_space<hbm>> -> memref<32x384xf32, #tpu.memory_space<hbm>>
    %dma_start3A_6 = arith.constant 0 : i32
    %dma_start3A_7 = tpu.memref_slice %arg2[%add3A_4, %dma_start3A_6] : memref<200704x384xf32, #tpu.memory_space<hbm>> -> memref<32x384xf32, #tpu.memory_space<hbm>>
    tpu.enqueue_dma source(%dma_start3A_7 : memref<32x384xf32, #tpu.memory_space<hbm>>) target(%arg4 : memref<32x384xf32, #tpu.memory_space<vmem>>) target_semaphore(%arg12 : memref<!tpu.dma_semaphore, #tpu.memory_space<semaphore_mem>>)
    %add3A_8 = arith.constant 32 : i32
    %add3A_9 = arith.addi %mul3A_2, %add3A_8 : i32
    %dma_start3A_10 = arith.constant 0 : i32
    %dma_start3A_11 = tpu.memref_slice %arg2[%add3A_9, %dma_start3A_10] : memref<200704x384xf32, #tpu.memory_space<hbm>> -> memref<32x384xf32, #tpu.memory_space<hbm>>
    %dma_start3A_12 = arith.constant 0 : i32
    %dma_start3A_13 = tpu.memref_slice %arg2[%add3A_9, %dma_start3A_12] : memref<200704x384xf32, #tpu.memory_space<hbm>> -> memref<32x384xf32, #tpu.memory_space<hbm>>
    tpu.enqueue_dma source(%dma_start3A_13 : memref<32x384xf32, #tpu.memory_space<hbm>>) target(%arg5 : memref<32x384xf32, #tpu.memory_space<vmem>>) target_semaphore(%arg13 : memref<!tpu.dma_semaphore, #tpu.memory_space<semaphore_mem>>)
    %add3A_14 = arith.constant 64 : i32
    %add3A_15 = arith.addi %mul3A_2, %add3A_14 : i32
    %dma_start3A_16 = arith.constant 0 : i32
    %dma_start3A_17 = tpu.memref_slice %arg2[%add3A_15, %dma_start3A_16] : memref<200704x384xf32, #tpu.memory_space<hbm>> -> memref<32x384xf32, #tpu.memory_space<hbm>>
    %dma_start3A_18 = arith.constant 0 : i32
    %dma_start3A_19 = tpu.memref_slice %arg2[%add3A_15, %dma_start3A_18] : memref<200704x384xf32, #tpu.memory_space<hbm>> -> memref<32x384xf32, #tpu.memory_space<hbm>>
    tpu.enqueue_dma source(%dma_start3A_19 : memref<32x384xf32, #tpu.memory_space<hbm>>) target(%arg6 : memref<32x384xf32, #tpu.memory_space<vmem>>) target_semaphore(%arg14 : memref<!tpu.dma_semaphore, #tpu.memory_space<semaphore_mem>>)
    %add3A_20 = arith.constant 96 : i32
    %add3A_21 = arith.addi %mul3A_2, %add3A_20 : i32
    %dma_start3A_22 = arith.constant 0 : i32
    %dma_start3A_23 = tpu.memref_slice %arg2[%add3A_21, %dma_start3A_22] : memref<200704x384xf32, #tpu.memory_space<hbm>> -> memref<32x384xf32, #tpu.memory_space<hbm>>
    %dma_start3A_24 = arith.constant 0 : i32
    %dma_start3A_25 = tpu.memref_slice %arg2[%add3A_21, %dma_start3A_24] : memref<200704x384xf32, #tpu.memory_space<hbm>> -> memref<32x384xf32, #tpu.memory_space<hbm>>
    tpu.enqueue_dma source(%dma_start3A_25 : memref<32x384xf32, #tpu.memory_space<hbm>>) target(%arg7 : memref<32x384xf32, #tpu.memory_space<vmem>>) target_semaphore(%arg15 : memref<!tpu.dma_semaphore, #tpu.memory_space<semaphore_mem>>)
    %scan3A = arith.constant 0 : i32
    %scan3A_26 = arith.constant 49 : i32
    %scan3A_27 = arith.addi %scan3A, %scan3A_26 : i32
    %scan3A_28 = arith.constant 1 : i32
    scf.for %scan3A_53 = %scan3A to %scan3A_27 step %scan3A_28  : i32 {
      %mul3A_54 = arith.constant 4 : i32
      %mul3A_55 = arith.muli %scan3A_53, %mul3A_54 : i32
      %add3A_56 = arith.constant 0 : i32
      %add3A_57 = arith.addi %add3A_56, %mul3A_55 : i32
      %add3A_58 = arith.constant 0 : i32
      %add3A_59 = arith.addi %add3A_57, %add3A_58 : i32
      %mul3A_60 = arith.constant 32 : i32
      %mul3A_61 = arith.muli %add3A_59, %mul3A_60 : i32
      %add3A_62 = arith.addi %mul3A_2, %mul3A_61 : i32
      %mul3A_63 = arith.constant 32 : i32
      %mul3A_64 = arith.muli %add3A_59, %mul3A_63 : i32
      %add3A_65 = arith.addi %mul3A_2, %mul3A_64 : i32
      %dma_wait3A_66 = arith.constant 0 : i32
      %dma_wait3A_67 = tpu.memref_slice %arg2[%add3A_62, %dma_wait3A_66] : memref<200704x384xf32, #tpu.memory_space<hbm>> -> memref<32x384xf32, #tpu.memory_space<hbm>>
      %dma_wait3A_68 = arith.constant 0 : i32
      %dma_wait3A_69 = tpu.memref_slice %arg2[%add3A_62, %dma_wait3A_68] : memref<200704x384xf32, #tpu.memory_space<hbm>> -> memref<32x384xf32, #tpu.memory_space<hbm>>
      tpu.wait_dma2 semaphore(%arg12 : memref<!tpu.dma_semaphore, #tpu.memory_space<semaphore_mem>>) src(%dma_wait3A_69 : memref<32x384xf32, #tpu.memory_space<hbm>>) dst(%arg4 : memref<32x384xf32, #tpu.memory_space<vmem>>)
      %ge3A = arith.constant 4 : i32
      %ge3A_70 = arith.cmpi sge, %add3A_59, %ge3A : i32
      %convert_element_type3A = arith.extui %ge3A_70 : i1 to i32
      %cond3A = arith.constant 0 : i32
      %cond3A_71 = arith.cmpi ne, %convert_element_type3A, %cond3A : i32
      scf.if %cond3A_71 {
        %dma_wait3A_177 = arith.constant 0 : i32
        %dma_wait3A_178 = tpu.memref_slice %arg3[%add3A_65, %dma_wait3A_177] : memref<200704x384xf32, #tpu.memory_space<hbm>> -> memref<32x384xf32, #tpu.memory_space<hbm>>
        %dma_wait3A_179 = arith.constant 0 : i32
        %dma_wait3A_180 = tpu.memref_slice %arg3[%add3A_65, %dma_wait3A_179] : memref<200704x384xf32, #tpu.memory_space<hbm>> -> memref<32x384xf32, #tpu.memory_space<hbm>>
        tpu.wait_dma2 semaphore(%arg16 : memref<!tpu.dma_semaphore, #tpu.memory_space<semaphore_mem>>) src(%arg8 : memref<32x384xf32, #tpu.memory_space<vmem>>) dst(%dma_wait3A_180 : memref<32x384xf32, #tpu.memory_space<hbm>>)
      } else {
      }
      %parallel_loop3A = arith.constant 0 : i32
      %parallel_loop3A_72 = arith.constant 32 : i32
      %parallel_loop3A_73 = arith.constant 1 : i32
      scf.for %parallel_loop3A_177 = %parallel_loop3A to %parallel_loop3A_72 step %parallel_loop3A_73  : i32 {
        %parallel_loop3A_178 = arith.index_cast %parallel_loop3A_177 : i32 to index
        %parallel_loop3A_179 = arith.constant 368 : index
        %parallel_loop3A_180 = tpu.vector_load %arg4[%parallel_loop3A_178, %parallel_loop3A_179] {strides = array<i32>} : memref<32x384xf32, #tpu.memory_space<vmem>>, vector<1x16xf32>,
        %parallel_loop3A_181 = vector.shape_cast %parallel_loop3A_180 : vector<1x16xf32> to vector<16xf32>
        %parallel_loop3A_182 = arith.constant 15 : i32
        %parallel_loop3A_183 = vector.broadcast %parallel_loop3A_182 : i32 to vector<16xi32>
        %parallel_loop3A_184 = tpu.iota {dimensions = array<i32: 0>} : vector<16xi32>
        %parallel_loop3A_185 = arith.subi %parallel_loop3A_183, %parallel_loop3A_184 : vector<16xi32>
        %parallel_loop3A_186 = tpu.dynamic_gather %parallel_loop3A_181[%parallel_loop3A_185] in [0] : vector<16xf32>, vector<16xi32> -> vector<16xf32>
        %parallel_loop3A_187 = arith.index_cast %parallel_loop3A_177 : i32 to index
        %parallel_loop3A_188 = arith.constant 0 : index
        %parallel_loop3A_189 = tpu.vector_load %arg8[%parallel_loop3A_187, %parallel_loop3A_188] {strides = array<i32>} : memref<32x384xf32, #tpu.memory_space<vmem>>, vector<1x16xf32>,
        %parallel_loop3A_190 = vector.shape_cast %parallel_loop3A_189 : vector<1x16xf32> to vector<16xf32>
        %parallel_loop3A_191 = vector.shape_cast %parallel_loop3A_186 : vector<16xf32> to vector<1x16xf32>
        tpu.vector_store %arg8[%parallel_loop3A_187, %parallel_loop3A_188], %parallel_loop3A_191 {strides = array<i32>} : memref<32x384xf32, #tpu.memory_space<vmem>>, vector<1x16xf32>,
        %parallel_loop3A_192 = arith.index_cast %parallel_loop3A_177 : i32 to index
        %parallel_loop3A_193 = arith.constant 352 : index
        %parallel_loop3A_194 = tpu.vector_load %arg4[%parallel_loop3A_192, %parallel_loop3A_193] {strides = array<i32>} : memref<32x384xf32, #tpu.memory_space<vmem>>, vector<1x16xf32>,
        %parallel_loop3A_195 = vector.shape_cast %parallel_loop3A_194 : vector<1x16xf32> to vector<16xf32>
        %parallel_loop3A_196 = arith.constant 15 : i32
        %parallel_loop3A_197 = vector.broadcast %parallel_loop3A_196 : i32 to vector<16xi32>
        %parallel_loop3A_198 = tpu.iota {dimensions = array<i32: 0>} : vector<16xi32>
        %parallel_loop3A_199 = arith.subi %parallel_loop3A_197, %parallel_loop3A_198 : vector<16xi32>
        %parallel_loop3A_200 = tpu.dynamic_gather %parallel_loop3A_195[%parallel_loop3A_199] in [0] : vector<16xf32>, vector<16xi32> -> vector<16xf32>
        %parallel_loop3A_201 = arith.index_cast %parallel_loop3A_177 : i32 to index
        %parallel_loop3A_202 = arith.constant 16 : index
        %parallel_loop3A_203 = tpu.vector_load %arg8[%parallel_loop3A_201, %parallel_loop3A_202] {strides = array<i32>} : memref<32x384xf32, #tpu.memory_space<vmem>>, vector<1x16xf32>,
        %parallel_loop3A_204 = vector.shape_cast %parallel_loop3A_203 : vector<1x16xf32> to vector<16xf32>
        %parallel_loop3A_205 = vector.shape_cast %parallel_loop3A_200 : vector<16xf32> to vector<1x16xf32>
        tpu.vector_store %arg8[%parallel_loop3A_201, %parallel_loop3A_202], %parallel_loop3A_205 {strides = array<i32>} : memref<32x384xf32, #tpu.memory_space<vmem>>, vector<1x16xf32>,
        %parallel_loop3A_206 = arith.index_cast %parallel_loop3A_177 : i32 to index
        %parallel_loop3A_207 = arith.constant 336 : index
        %parallel_loop3A_208 = tpu.vector_load %arg4[%parallel_loop3A_206, %parallel_loop3A_207] {strides = array<i32>} : memref<32x384xf32, #tpu.memory_space<vmem>>, vector<1x16xf32>,
        %parallel_loop3A_209 = vector.shape_cast %parallel_loop3A_208 : vector<1x16xf32> to vector<16xf32>
        %parallel_loop3A_210 = arith.constant 15 : i32
        %parallel_loop3A_211 = vector.broadcast %parallel_loop3A_210 : i32 to vector<16xi32>
        %parallel_loop3A_212 = tpu.iota {dimensions = array<i32: 0>} : vector<16xi32>
        %parallel_loop3A_213 = arith.subi %parallel_loop3A_211, %parallel_loop3A_212 : vector<16xi32>
        %parallel_loop3A_214 = tpu.dynamic_gather %parallel_loop3A_209[%parallel_loop3A_213] in [0] : vector<16xf32>, vector<16xi32> -> vector<16xf32>
        %parallel_loop3A_215 = arith.index_cast %parallel_loop3A_177 : i32 to index
        %parallel_loop3A_216 = arith.constant 32 : index
        %parallel_loop3A_217 = tpu.vector_load %arg8[%parallel_loop3A_215, %parallel_loop3A_216] {strides = array<i32>} : memref<32x384xf32, #tpu.memory_space<vmem>>, vector<1x16xf32>,
        %parallel_loop3A_218 = vector.shape_cast %parallel_loop3A_217 : vector<1x16xf32> to vector<16xf32>
        %parallel_loop3A_219 = vector.shape_cast %parallel_loop3A_214 : vector<16xf32> to vector<1x16xf32>
        tpu.vector_store %arg8[%parallel_loop3A_215, %parallel_loop3A_216], %parallel_loop3A_219 {strides = array<i32>} : memref<32x384xf32, #tpu.memory_space<vmem>>, vector<1x16xf32>,
        %parallel_loop3A_220 = arith.index_cast %parallel_loop3A_177 : i32 to index
        %parallel_loop3A_221 = arith.constant 320 : index
        %parallel_loop3A_222 = tpu.vector_load %arg4[%parallel_loop3A_220, %parallel_loop3A_221] {strides = array<i32>} : memref<32x384xf32, #tpu.memory_space<vmem>>, vector<1x16xf32>,
        %parallel_loop3A_223 = vector.shape_cast %parallel_loop3A_222 : vector<1x16xf32> to vector<16xf32>
        %parallel_loop3A_224 = arith.constant 15 : i32
        %parallel_loop3A_225 = vector.broadcast %parallel_loop3A_224 : i32 to vector<16xi32>
        %parallel_loop3A_226 = tpu.iota {dimensions = array<i32: 0>} : vector<16xi32>
        %parallel_loop3A_227 = arith.subi %parallel_loop3A_225, %parallel_loop3A_226 : vector<16xi32>
        %parallel_loop3A_228 = tpu.dynamic_gather %parallel_loop3A_223[%parallel_loop3A_227] in [0] : vector<16xf32>, vector<16xi32> -> vector<16xf32>
        %parallel_loop3A_229 = arith.index_cast %parallel_loop3A_177 : i32 to index
        %parallel_loop3A_230 = arith.constant 48 : index
        %parallel_loop3A_231 = tpu.vector_load %arg8[%parallel_loop3A_229, %parallel_loop3A_230] {strides = array<i32>} : memref<32x384xf32, #tpu.memory_space<vmem>>, vector<1x16xf32>,
        %parallel_loop3A_232 = vector.shape_cast %parallel_loop3A_231 : vector<1x16xf32> to vector<16xf32>
        %parallel_loop3A_233 = vector.shape_cast %parallel_loop3A_228 : vector<16xf32> to vector<1x16xf32>
        tpu.vector_store %arg8[%parallel_loop3A_229, %parallel_loop3A_230], %parallel_loop3A_233 {strides = array<i32>} : memref<32x384xf32, #tpu.memory_space<vmem>>, vector<1x16xf32>,
        %parallel_loop3A_234 = arith.index_cast %parallel_loop3A_177 : i32 to index
        %parallel_loop3A_235 = arith.constant 304 : index
        %parallel_loop3A_236 = tpu.vector_load %arg4[%parallel_loop3A_234, %parallel_loop3A_235] {strides = array<i32>} : memref<32x384xf32, #tpu.memory_space<vmem>>, vector<1x16xf32>,
        %parallel_loop3A_237 = vector.shape_cast %parallel_loop3A_236 : vector<1x16xf32> to vector<16xf32>
        %parallel_loop3A_238 = arith.constant 15 : i32
        %parallel_loop3A_239 = vector.broadcast %parallel_loop3A_238 : i32 to vector<16xi32>
        %parallel_loop3A_240 = tpu.iota {dimensions = array<i32: 0>} : vector<16xi32>
        %parallel_loop3A_241 = arith.subi %parallel_loop3A_239, %parallel_loop3A_240 : vector<16xi32>
        %parallel_loop3A_242 = tpu.dynamic_gather %parallel_loop3A_237[%parallel_loop3A_241] in [0] : vector<16xf32>, vector<16xi32> -> vector<16xf32>
        %parallel_loop3A_243 = arith.index_cast %parallel_loop3A_177 : i32 to index
        %parallel_loop3A_244 = arith.constant 64 : index
        %parallel_loop3A_245 = tpu.vector_load %arg8[%parallel_loop3A_243, %parallel_loop3A_244] {strides = array<i32>} : memref<32x384xf32, #tpu.memory_space<vmem>>, vector<1x16xf32>,
        %parallel_loop3A_246 = vector.shape_cast %parallel_loop3A_245 : vector<1x16xf32> to vector<16xf32>
        %parallel_loop3A_247 = vector.shape_cast %parallel_loop3A_242 : vector<16xf32> to vector<1x16xf32>
        tpu.vector_store %arg8[%parallel_loop3A_243, %parallel_loop3A_244], %parallel_loop3A_247 {strides = array<i32>} : memref<32x384xf32, #tpu.memory_space<vmem>>, vector<1x16xf32>,
        %parallel_loop3A_248 = arith.index_cast %parallel_loop3A_177 : i32 to index
        %parallel_loop3A_249 = arith.constant 288 : index
        %parallel_loop3A_250 = tpu.vector_load %arg4[%parallel_loop3A_248, %parallel_loop3A_249] {strides = array<i32>} : memref<32x384xf32, #tpu.memory_space<vmem>>, vector<1x16xf32>,
        %parallel_loop3A_251 = vector.shape_cast %parallel_loop3A_250 : vector<1x16xf32> to vector<16xf32>
        %parallel_loop3A_252 = arith.constant 15 : i32
        %parallel_loop3A_253 = vector.broadcast %parallel_loop3A_252 : i32 to vector<16xi32>
        %parallel_loop3A_254 = tpu.iota {dimensions = array<i32: 0>} : vector<16xi32>
        %parallel_loop3A_255 = arith.subi %parallel_loop3A_253, %parallel_loop3A_254 : vector<16xi32>
        %parallel_loop3A_256 = tpu.dynamic_gather %parallel_loop3A_251[%parallel_loop3A_255] in [0] : vector<16xf32>, vector<16xi32> -> vector<16xf32>
        %parallel_loop3A_257 = arith.index_cast %parallel_loop3A_177 : i32 to index
        %parallel_loop3A_258 = arith.constant 80 : index
        %parallel_loop3A_259 = tpu.vector_load %arg8[%parallel_loop3A_257, %parallel_loop3A_258] {strides = array<i32>} : memref<32x384xf32, #tpu.memory_space<vmem>>, vector<1x16xf32>,
        %parallel_loop3A_260 = vector.shape_cast %parallel_loop3A_259 : vector<1x16xf32> to vector<16xf32>
        %parallel_loop3A_261 = vector.shape_cast %parallel_loop3A_256 : vector<16xf32> to vector<1x16xf32>
        tpu.vector_store %arg8[%parallel_loop3A_257, %parallel_loop3A_258], %parallel_loop3A_261 {strides = array<i32>} : memref<32x384xf32, #tpu.memory_space<vmem>>, vector<1x16xf32>,
        %parallel_loop3A_262 = arith.index_cast %parallel_loop3A_177 : i32 to index
        %parallel_loop3A_263 = arith.constant 272 : index
        %parallel_loop3A_264 = tpu.vector_load %arg4[%parallel_loop3A_262, %parallel_loop3A_263] {strides = array<i32>} : memref<32x384xf32, #tpu.memory_space<vmem>>, vector<1x16xf32>,
        %parallel_loop3A_265 = vector.shape_cast %parallel_loop3A_264 : vector<1x16xf32> to vector<16xf32>
        %parallel_loop3A_266 = arith.constant 15 : i32
        %parallel_loop3A_267 = vector.broadcast %parallel_loop3A_266 : i32 to vector<16xi32>
        %parallel_loop3A_268 = tpu.iota {dimensions = array<i32: 0>} : vector<16xi32>
        %parallel_loop3A_269 = arith.subi %parallel_loop3A_267, %parallel_loop3A_268 : vector<16xi32>
        %parallel_loop3A_270 = tpu.dynamic_gather %parallel_loop3A_265[%parallel_loop3A_269] in [0] : vector<16xf32>, vector<16xi32> -> vector<16xf32>
        %parallel_loop3A_271 = arith.index_cast %parallel_loop3A_177 : i32 to index
        %parallel_loop3A_272 = arith.constant 96 : index
        %parallel_loop3A_273 = tpu.vector_load %arg8[%parallel_loop3A_271, %parallel_loop3A_272] {strides = array<i32>} : memref<32x384xf32, #tpu.memory_space<vmem>>, vector<1x16xf32>,
        %parallel_loop3A_274 = vector.shape_cast %parallel_loop3A_273 : vector<1x16xf32> to vector<16xf32>
        %parallel_loop3A_275 = vector.shape_cast %parallel_loop3A_270 : vector<16xf32> to vector<1x16xf32>
        tpu.vector_store %arg8[%parallel_loop3A_271, %parallel_loop3A_272], %parallel_loop3A_275 {strides = array<i32>} : memref<32x384xf32, #tpu.memory_space<vmem>>, vector<1x16xf32>,
        %parallel_loop3A_276 = arith.index_cast %parallel_loop3A_177 : i32 to index
        %parallel_loop3A_277 = arith.constant 256 : index
        %parallel_loop3A_278 = tpu.vector_load %arg4[%parallel_loop3A_276, %parallel_loop3A_277] {strides = array<i32>} : memref<32x384xf32, #tpu.memory_space<vmem>>, vector<1x16xf32>,
        %parallel_loop3A_279 = vector.shape_cast %parallel_loop3A_278 : vector<1x16xf32> to vector<16xf32>
        %parallel_loop3A_280 = arith.constant 15 : i32
        %parallel_loop3A_281 = vector.broadcast %parallel_loop3A_280 : i32 to vector<16xi32>
        %parallel_loop3A_282 = tpu.iota {dimensions = array<i32: 0>} : vector<16xi32>
        %parallel_loop3A_283 = arith.subi %parallel_loop3A_281, %parallel_loop3A_282 : vector<16xi32>
        %parallel_loop3A_284 = tpu.dynamic_gather %parallel_loop3A_279[%parallel_loop3A_283] in [0] : vector<16xf32>, vector<16xi32> -> vector<16xf32>
        %parallel_loop3A_285 = arith.index_cast %parallel_loop3A_177 : i32 to index
        %parallel_loop3A_286 = arith.constant 112 : index
        %parallel_loop3A_287 = tpu.vector_load %arg8[%parallel_loop3A_285, %parallel_loop3A_286] {strides = array<i32>} : memref<32x384xf32, #tpu.memory_space<vmem>>, vector<1x16xf32>,
        %parallel_loop3A_288 = vector.shape_cast %parallel_loop3A_287 : vector<1x16xf32> to vector<16xf32>
        %parallel_loop3A_289 = vector.shape_cast %parallel_loop3A_284 : vector<16xf32> to vector<1x16xf32>
        tpu.vector_store %arg8[%parallel_loop3A_285, %parallel_loop3A_286], %parallel_loop3A_289 {strides = array<i32>} : memref<32x384xf32, #tpu.memory_space<vmem>>, vector<1x16xf32>,
        %parallel_loop3A_290 = arith.index_cast %parallel_loop3A_177 : i32 to index
        %parallel_loop3A_291 = arith.constant 240 : index
        %parallel_loop3A_292 = tpu.vector_load %arg4[%parallel_loop3A_290, %parallel_loop3A_291] {strides = array<i32>} : memref<32x384xf32, #tpu.memory_space<vmem>>, vector<1x16xf32>,
        %parallel_loop3A_293 = vector.shape_cast %parallel_loop3A_292 : vector<1x16xf32> to vector<16xf32>
        %parallel_loop3A_294 = arith.constant 15 : i32
        %parallel_loop3A_295 = vector.broadcast %parallel_loop3A_294 : i32 to vector<16xi32>
        %parallel_loop3A_296 = tpu.iota {dimensions = array<i32: 0>} : vector<16xi32>
        %parallel_loop3A_297 = arith.subi %parallel_loop3A_295, %parallel_loop3A_296 : vector<16xi32>
        %parallel_loop3A_298 = tpu.dynamic_gather %parallel_loop3A_293[%parallel_loop3A_297] in [0] : vector<16xf32>, vector<16xi32> -> vector<16xf32>
        %parallel_loop3A_299 = arith.index_cast %parallel_loop3A_177 : i32 to index
        %parallel_loop3A_300 = arith.constant 128 : index
        %parallel_loop3A_301 = tpu.vector_load %arg8[%parallel_loop3A_299, %parallel_loop3A_300] {strides = array<i32>} : memref<32x384xf32, #tpu.memory_space<vmem>>, vector<1x16xf32>,
        %parallel_loop3A_302 = vector.shape_cast %parallel_loop3A_301 : vector<1x16xf32> to vector<16xf32>
        %parallel_loop3A_303 = vector.shape_cast %parallel_loop3A_298 : vector<16xf32> to vector<1x16xf32>
        tpu.vector_store %arg8[%parallel_loop3A_299, %parallel_loop3A_300], %parallel_loop3A_303 {strides = array<i32>} : memref<32x384xf32, #tpu.memory_space<vmem>>, vector<1x16xf32>,
        %parallel_loop3A_304 = arith.index_cast %parallel_loop3A_177 : i32 to index
        %parallel_loop3A_305 = arith.constant 224 : index
        %parallel_loop3A_306 = tpu.vector_load %arg4[%parallel_loop3A_304, %parallel_loop3A_305] {strides = array<i32>} : memref<32x384xf32, #tpu.memory_space<vmem>>, vector<1x16xf32>,
        %parallel_loop3A_307 = vector.shape_cast %parallel_loop3A_306 : vector<1x16xf32> to vector<16xf32>
        %parallel_loop3A_308 = arith.constant 15 : i32
        %parallel_loop3A_309 = vector.broadcast %parallel_loop3A_308 : i32 to vector<16xi32>
        %parallel_loop3A_310 = tpu.iota {dimensions = array<i32: 0>} : vector<16xi32>
        %parallel_loop3A_311 = arith.subi %parallel_loop3A_309, %parallel_loop3A_310 : vector<16xi32>
        %parallel_loop3A_312 = tpu.dynamic_gather %parallel_loop3A_307[%parallel_loop3A_311] in [0] : vector<16xf32>, vector<16xi32> -> vector<16xf32>
        %parallel_loop3A_313 = arith.index_cast %parallel_loop3A_177 : i32 to index
        %parallel_loop3A_314 = arith.constant 144 : index
        %parallel_loop3A_315 = tpu.vector_load %arg8[%parallel_loop3A_313, %parallel_loop3A_314] {strides = array<i32>} : memref<32x384xf32, #tpu.memory_space<vmem>>, vector<1x16xf32>,
        %parallel_loop3A_316 = vector.shape_cast %parallel_loop3A_315 : vector<1x16xf32> to vector<16xf32>
        %parallel_loop3A_317 = vector.shape_cast %parallel_loop3A_312 : vector<16xf32> to vector<1x16xf32>
        tpu.vector_store %arg8[%parallel_loop3A_313, %parallel_loop3A_314], %parallel_loop3A_317 {strides = array<i32>} : memref<32x384xf32, #tpu.memory_space<vmem>>, vector<1x16xf32>,
        %parallel_loop3A_318 = arith.index_cast %parallel_loop3A_177 : i32 to index
        %parallel_loop3A_319 = arith.constant 208 : index
        %parallel_loop3A_320 = tpu.vector_load %arg4[%parallel_loop3A_318, %parallel_loop3A_319] {strides = array<i32>} : memref<32x384xf32, #tpu.memory_space<vmem>>, vector<1x16xf32>,
        %parallel_loop3A_321 = vector.shape_cast %parallel_loop3A_320 : vector<1x16xf32> to vector<16xf32>
        %parallel_loop3A_322 = arith.constant 15 : i32
        %parallel_loop3A_323 = vector.broadcast %parallel_loop3A_322 : i32 to vector<16xi32>
        %parallel_loop3A_324 = tpu.iota {dimensions = array<i32: 0>} : vector<16xi32>
        %parallel_loop3A_325 = arith.subi %parallel_loop3A_323, %parallel_loop3A_324 : vector<16xi32>
        %parallel_loop3A_326 = tpu.dynamic_gather %parallel_loop3A_321[%parallel_loop3A_325] in [0] : vector<16xf32>, vector<16xi32> -> vector<16xf32>
        %parallel_loop3A_327 = arith.index_cast %parallel_loop3A_177 : i32 to index
        %parallel_loop3A_328 = arith.constant 160 : index
        %parallel_loop3A_329 = tpu.vector_load %arg8[%parallel_loop3A_327, %parallel_loop3A_328] {strides = array<i32>} : memref<32x384xf32, #tpu.memory_space<vmem>>, vector<1x16xf32>,
        %parallel_loop3A_330 = vector.shape_cast %parallel_loop3A_329 : vector<1x16xf32> to vector<16xf32>
        %parallel_loop3A_331 = vector.shape_cast %parallel_loop3A_326 : vector<16xf32> to vector<1x16xf32>
        tpu.vector_store %arg8[%parallel_loop3A_327, %parallel_loop3A_328], %parallel_loop3A_331 {strides = array<i32>} : memref<32x384xf32, #tpu.memory_space<vmem>>, vector<1x16xf32>,
        %parallel_loop3A_332 = arith.index_cast %parallel_loop3A_177 : i32 to index
        %parallel_loop3A_333 = arith.constant 192 : index
        %parallel_loop3A_334 = tpu.vector_load %arg4[%parallel_loop3A_332, %parallel_loop3A_333] {strides = array<i32>} : memref<32x384xf32, #tpu.memory_space<vmem>>, vector<1x16xf32>,
        %parallel_loop3A_335 = vector.shape_cast %parallel_loop3A_334 : vector<1x16xf32> to vector<16xf32>
        %parallel_loop3A_336 = arith.constant 15 : i32
        %parallel_loop3A_337 = vector.broadcast %parallel_loop3A_336 : i32 to vector<16xi32>
        %parallel_loop3A_338 = tpu.iota {dimensions = array<i32: 0>} : vector<16xi32>
        %parallel_loop3A_339 = arith.subi %parallel_loop3A_337, %parallel_loop3A_338 : vector<16xi32>
        %parallel_loop3A_340 = tpu.dynamic_gather %parallel_loop3A_335[%parallel_loop3A_339] in [0] : vector<16xf32>, vector<16xi32> -> vector<16xf32>
        %parallel_loop3A_341 = arith.index_cast %parallel_loop3A_177 : i32 to index
        %parallel_loop3A_342 = arith.constant 176 : index
        %parallel_loop3A_343 = tpu.vector_load %arg8[%parallel_loop3A_341, %parallel_loop3A_342] {strides = array<i32>} : memref<32x384xf32, #tpu.memory_space<vmem>>, vector<1x16xf32>,
        %parallel_loop3A_344 = vector.shape_cast %parallel_loop3A_343 : vector<1x16xf32> to vector<16xf32>
        %parallel_loop3A_345 = vector.shape_cast %parallel_loop3A_340 : vector<16xf32> to vector<1x16xf32>
        tpu.vector_store %arg8[%parallel_loop3A_341, %parallel_loop3A_342], %parallel_loop3A_345 {strides = array<i32>} : memref<32x384xf32, #tpu.memory_space<vmem>>, vector<1x16xf32>,
        %parallel_loop3A_346 = arith.index_cast %parallel_loop3A_177 : i32 to index
        %parallel_loop3A_347 = arith.constant 176 : index
        %parallel_loop3A_348 = tpu.vector_load %arg4[%parallel_loop3A_346, %parallel_loop3A_347] {strides = array<i32>} : memref<32x384xf32, #tpu.memory_space<vmem>>, vector<1x16xf32>,
        %parallel_loop3A_349 = vector.shape_cast %parallel_loop3A_348 : vector<1x16xf32> to vector<16xf32>
        %parallel_loop3A_350 = arith.constant 15 : i32
        %parallel_loop3A_351 = vector.broadcast %parallel_loop3A_350 : i32 to vector<16xi32>
        %parallel_loop3A_352 = tpu.iota {dimensions = array<i32: 0>} : vector<16xi32>
        %parallel_loop3A_353 = arith.subi %parallel_loop3A_351, %parallel_loop3A_352 : vector<16xi32>
        %parallel_loop3A_354 = tpu.dynamic_gather %parallel_loop3A_349[%parallel_loop3A_353] in [0] : vector<16xf32>, vector<16xi32> -> vector<16xf32>
        %parallel_loop3A_355 = arith.index_cast %parallel_loop3A_177 : i32 to index
        %parallel_loop3A_356 = arith.constant 192 : index
        %parallel_loop3A_357 = tpu.vector_load %arg8[%parallel_loop3A_355, %parallel_loop3A_356] {strides = array<i32>} : memref<32x384xf32, #tpu.memory_space<vmem>>, vector<1x16xf32>,
        %parallel_loop3A_358 = vector.shape_cast %parallel_loop3A_357 : vector<1x16xf32> to vector<16xf32>
        %parallel_loop3A_359 = vector.shape_cast %parallel_loop3A_354 : vector<16xf32> to vector<1x16xf32>
        tpu.vector_store %arg8[%parallel_loop3A_355, %parallel_loop3A_356], %parallel_loop3A_359 {strides = array<i32>} : memref<32x384xf32, #tpu.memory_space<vmem>>, vector<1x16xf32>,
        %parallel_loop3A_360 = arith.index_cast %parallel_loop3A_177 : i32 to index
        %parallel_loop3A_361 = arith.constant 160 : index
        %parallel_loop3A_362 = tpu.vector_load %arg4[%parallel_loop3A_360, %parallel_loop3A_361] {strides = array<i32>} : memref<32x384xf32, #tpu.memory_space<vmem>>, vector<1x16xf32>,
        %parallel_loop3A_363 = vector.shape_cast %parallel_loop3A_362 : vector<1x16xf32> to vector<16xf32>
        %parallel_loop3A_364 = arith.constant 15 : i32
        %parallel_loop3A_365 = vector.broadcast %parallel_loop3A_364 : i32 to vector<16xi32>
        %parallel_loop3A_366 = tpu.iota {dimensions = array<i32: 0>} : vector<16xi32>
        %parallel_loop3A_367 = arith.subi %parallel_loop3A_365, %parallel_loop3A_366 : vector<16xi32>
        %parallel_loop3A_368 = tpu.dynamic_gather %parallel_loop3A_363[%parallel_loop3A_367] in [0] : vector<16xf32>, vector<16xi32> -> vector<16xf32>
        %parallel_loop3A_369 = arith.index_cast %parallel_loop3A_177 : i32 to index
        %parallel_loop3A_370 = arith.constant 208 : index
        %parallel_loop3A_371 = tpu.vector_load %arg8[%parallel_loop3A_369, %parallel_loop3A_370] {strides = array<i32>} : memref<32x384xf32, #tpu.memory_space<vmem>>, vector<1x16xf32>,
        %parallel_loop3A_372 = vector.shape_cast %parallel_loop3A_371 : vector<1x16xf32> to vector<16xf32>
        %parallel_loop3A_373 = vector.shape_cast %parallel_loop3A_368 : vector<16xf32> to vector<1x16xf32>
        tpu.vector_store %arg8[%parallel_loop3A_369, %parallel_loop3A_370], %parallel_loop3A_373 {strides = array<i32>} : memref<32x384xf32, #tpu.memory_space<vmem>>, vector<1x16xf32>,
        %parallel_loop3A_374 = arith.index_cast %parallel_loop3A_177 : i32 to index
        %parallel_loop3A_375 = arith.constant 144 : index
        %parallel_loop3A_376 = tpu.vector_load %arg4[%parallel_loop3A_374, %parallel_loop3A_375] {strides = array<i32>} : memref<32x384xf32, #tpu.memory_space<vmem>>, vector<1x16xf32>,
        %parallel_loop3A_377 = vector.shape_cast %parallel_loop3A_376 : vector<1x16xf32> to vector<16xf32>
        %parallel_loop3A_378 = arith.constant 15 : i32
        %parallel_loop3A_379 = vector.broadcast %parallel_loop3A_378 : i32 to vector<16xi32>
        %parallel_loop3A_380 = tpu.iota {dimensions = array<i32: 0>} : vector<16xi32>
        %parallel_loop3A_381 = arith.subi %parallel_loop3A_379, %parallel_loop3A_380 : vector<16xi32>
        %parallel_loop3A_382 = tpu.dynamic_gather %parallel_loop3A_377[%parallel_loop3A_381] in [0] : vector<16xf32>, vector<16xi32> -> vector<16xf32>
        %parallel_loop3A_383 = arith.index_cast %parallel_loop3A_177 : i32 to index
        %parallel_loop3A_384 = arith.constant 224 : index
        %parallel_loop3A_385 = tpu.vector_load %arg8[%parallel_loop3A_383, %parallel_loop3A_384] {strides = array<i32>} : memref<32x384xf32, #tpu.memory_space<vmem>>, vector<1x16xf32>,
        %parallel_loop3A_386 = vector.shape_cast %parallel_loop3A_385 : vector<1x16xf32> to vector<16xf32>
        %parallel_loop3A_387 = vector.shape_cast %parallel_loop3A_382 : vector<16xf32> to vector<1x16xf32>
        tpu.vector_store %arg8[%parallel_loop3A_383, %parallel_loop3A_384], %parallel_loop3A_387 {strides = array<i32>} : memref<32x384xf32, #tpu.memory_space<vmem>>, vector<1x16xf32>,
        %parallel_loop3A_388 = arith.index_cast %parallel_loop3A_177 : i32 to index
        %parallel_loop3A_389 = arith.constant 128 : index
        %parallel_loop3A_390 = tpu.vector_load %arg4[%parallel_loop3A_388, %parallel_loop3A_389] {strides = array<i32>} : memref<32x384xf32, #tpu.memory_space<vmem>>, vector<1x16xf32>,
        %parallel_loop3A_391 = vector.shape_cast %parallel_loop3A_390 : vector<1x16xf32> to vector<16xf32>
        %parallel_loop3A_392 = arith.constant 15 : i32
        %parallel_loop3A_393 = vector.broadcast %parallel_loop3A_392 : i32 to vector<16xi32>
        %parallel_loop3A_394 = tpu.iota {dimensions = array<i32: 0>} : vector<16xi32>
        %parallel_loop3A_395 = arith.subi %parallel_loop3A_393, %parallel_loop3A_394 : vector<16xi32>
        %parallel_loop3A_396 = tpu.dynamic_gather %parallel_loop3A_391[%parallel_loop3A_395] in [0] : vector<16xf32>, vector<16xi32> -> vector<16xf32>
        %parallel_loop3A_397 = arith.index_cast %parallel_loop3A_177 : i32 to index
        %parallel_loop3A_398 = arith.constant 240 : index
        %parallel_loop3A_399 = tpu.vector_load %arg8[%parallel_loop3A_397, %parallel_loop3A_398] {strides = array<i32>} : memref<32x384xf32, #tpu.memory_space<vmem>>, vector<1x16xf32>,
        %parallel_loop3A_400 = vector.shape_cast %parallel_loop3A_399 : vector<1x16xf32> to vector<16xf32>
        %parallel_loop3A_401 = vector.shape_cast %parallel_loop3A_396 : vector<16xf32> to vector<1x16xf32>
        tpu.vector_store %arg8[%parallel_loop3A_397, %parallel_loop3A_398], %parallel_loop3A_401 {strides = array<i32>} : memref<32x384xf32, #tpu.memory_space<vmem>>, vector<1x16xf32>,
        %parallel_loop3A_402 = arith.index_cast %parallel_loop3A_177 : i32 to index
        %parallel_loop3A_403 = arith.constant 112 : index
        %parallel_loop3A_404 = tpu.vector_load %arg4[%parallel_loop3A_402, %parallel_loop3A_403] {strides = array<i32>} : memref<32x384xf32, #tpu.memory_space<vmem>>, vector<1x16xf32>,
        %parallel_loop3A_405 = vector.shape_cast %parallel_loop3A_404 : vector<1x16xf32> to vector<16xf32>
        %parallel_loop3A_406 = arith.constant 15 : i32
        %parallel_loop3A_407 = vector.broadcast %parallel_loop3A_406 : i32 to vector<16xi32>
        %parallel_loop3A_408 = tpu.iota {dimensions = array<i32: 0>} : vector<16xi32>
        %parallel_loop3A_409 = arith.subi %parallel_loop3A_407, %parallel_loop3A_408 : vector<16xi32>
        %parallel_loop3A_410 = tpu.dynamic_gather %parallel_loop3A_405[%parallel_loop3A_409] in [0] : vector<16xf32>, vector<16xi32> -> vector<16xf32>
        %parallel_loop3A_411 = arith.index_cast %parallel_loop3A_177 : i32 to index
        %parallel_loop3A_412 = arith.constant 256 : index
        %parallel_loop3A_413 = tpu.vector_load %arg8[%parallel_loop3A_411, %parallel_loop3A_412] {strides = array<i32>} : memref<32x384xf32, #tpu.memory_space<vmem>>, vector<1x16xf32>,
        %parallel_loop3A_414 = vector.shape_cast %parallel_loop3A_413 : vector<1x16xf32> to vector<16xf32>
        %parallel_loop3A_415 = vector.shape_cast %parallel_loop3A_410 : vector<16xf32> to vector<1x16xf32>
        tpu.vector_store %arg8[%parallel_loop3A_411, %parallel_loop3A_412], %parallel_loop3A_415 {strides = array<i32>} : memref<32x384xf32, #tpu.memory_space<vmem>>, vector<1x16xf32>,
        %parallel_loop3A_416 = arith.index_cast %parallel_loop3A_177 : i32 to index
        %parallel_loop3A_417 = arith.constant 96 : index
        %parallel_loop3A_418 = tpu.vector_load %arg4[%parallel_loop3A_416, %parallel_loop3A_417] {strides = array<i32>} : memref<32x384xf32, #tpu.memory_space<vmem>>, vector<1x16xf32>,
        %parallel_loop3A_419 = vector.shape_cast %parallel_loop3A_418 : vector<1x16xf32> to vector<16xf32>
        %parallel_loop3A_420 = arith.constant 15 : i32
        %parallel_loop3A_421 = vector.broadcast %parallel_loop3A_420 : i32 to vector<16xi32>
        %parallel_loop3A_422 = tpu.iota {dimensions = array<i32: 0>} : vector<16xi32>
        %parallel_loop3A_423 = arith.subi %parallel_loop3A_421, %parallel_loop3A_422 : vector<16xi32>
        %parallel_loop3A_424 = tpu.dynamic_gather %parallel_loop3A_419[%parallel_loop3A_423] in [0] : vector<16xf32>, vector<16xi32> -> vector<16xf32>
        %parallel_loop3A_425 = arith.index_cast %parallel_loop3A_177 : i32 to index
        %parallel_loop3A_426 = arith.constant 272 : index
        %parallel_loop3A_427 = tpu.vector_load %arg8[%parallel_loop3A_425, %parallel_loop3A_426] {strides = array<i32>} : memref<32x384xf32, #tpu.memory_space<vmem>>, vector<1x16xf32>,
        %parallel_loop3A_428 = vector.shape_cast %parallel_loop3A_427 : vector<1x16xf32> to vector<16xf32>
        %parallel_loop3A_429 = vector.shape_cast %parallel_loop3A_424 : vector<16xf32> to vector<1x16xf32>
        tpu.vector_store %arg8[%parallel_loop3A_425, %parallel_loop3A_426], %parallel_loop3A_429 {strides = array<i32>} : memref<32x384xf32, #tpu.memory_space<vmem>>, vector<1x16xf32>,
        %parallel_loop3A_430 = arith.index_cast %parallel_loop3A_177 : i32 to index
        %parallel_loop3A_431 = arith.constant 80 : index
        %parallel_loop3A_432 = tpu.vector_load %arg4[%parallel_loop3A_430, %parallel_loop3A_431] {strides = array<i32>} : memref<32x384xf32, #tpu.memory_space<vmem>>, vector<1x16xf32>,
        %parallel_loop3A_433 = vector.shape_cast %parallel_loop3A_432 : vector<1x16xf32> to vector<16xf32>
        %parallel_loop3A_434 = arith.constant 15 : i32
        %parallel_loop3A_435 = vector.broadcast %parallel_loop3A_434 : i32 to vector<16xi32>
        %parallel_loop3A_436 = tpu.iota {dimensions = array<i32: 0>} : vector<16xi32>
        %parallel_loop3A_437 = arith.subi %parallel_loop3A_435, %parallel_loop3A_436 : vector<16xi32>
        %parallel_loop3A_438 = tpu.dynamic_gather %parallel_loop3A_433[%parallel_loop3A_437] in [0] : vector<16xf32>, vector<16xi32> -> vector<16xf32>
        %parallel_loop3A_439 = arith.index_cast %parallel_loop3A_177 : i32 to index
        %parallel_loop3A_440 = arith.constant 288 : index
        %parallel_loop3A_441 = tpu.vector_load %arg8[%parallel_loop3A_439, %parallel_loop3A_440] {strides = array<i32>} : memref<32x384xf32, #tpu.memory_space<vmem>>, vector<1x16xf32>,
        %parallel_loop3A_442 = vector.shape_cast %parallel_loop3A_441 : vector<1x16xf32> to vector<16xf32>
        %parallel_loop3A_443 = vector.shape_cast %parallel_loop3A_438 : vector<16xf32> to vector<1x16xf32>
        tpu.vector_store %arg8[%parallel_loop3A_439, %parallel_loop3A_440], %parallel_loop3A_443 {strides = array<i32>} : memref<32x384xf32, #tpu.memory_space<vmem>>, vector<1x16xf32>,
        %parallel_loop3A_444 = arith.index_cast %parallel_loop3A_177 : i32 to index
        %parallel_loop3A_445 = arith.constant 64 : index
        %parallel_loop3A_446 = tpu.vector_load %arg4[%parallel_loop3A_444, %parallel_loop3A_445] {strides = array<i32>} : memref<32x384xf32, #tpu.memory_space<vmem>>, vector<1x16xf32>,
        %parallel_loop3A_447 = vector.shape_cast %parallel_loop3A_446 : vector<1x16xf32> to vector<16xf32>
        %parallel_loop3A_448 = arith.constant 15 : i32
        %parallel_loop3A_449 = vector.broadcast %parallel_loop3A_448 : i32 to vector<16xi32>
        %parallel_loop3A_450 = tpu.iota {dimensions = array<i32: 0>} : vector<16xi32>
        %parallel_loop3A_451 = arith.subi %parallel_loop3A_449, %parallel_loop3A_450 : vector<16xi32>
        %parallel_loop3A_452 = tpu.dynamic_gather %parallel_loop3A_447[%parallel_loop3A_451] in [0] : vector<16xf32>, vector<16xi32> -> vector<16xf32>
        %parallel_loop3A_453 = arith.index_cast %parallel_loop3A_177 : i32 to index
        %parallel_loop3A_454 = arith.constant 304 : index
        %parallel_loop3A_455 = tpu.vector_load %arg8[%parallel_loop3A_453, %parallel_loop3A_454] {strides = array<i32>} : memref<32x384xf32, #tpu.memory_space<vmem>>, vector<1x16xf32>,
        %parallel_loop3A_456 = vector.shape_cast %parallel_loop3A_455 : vector<1x16xf32> to vector<16xf32>
        %parallel_loop3A_457 = vector.shape_cast %parallel_loop3A_452 : vector<16xf32> to vector<1x16xf32>
        tpu.vector_store %arg8[%parallel_loop3A_453, %parallel_loop3A_454], %parallel_loop3A_457 {strides = array<i32>} : memref<32x384xf32, #tpu.memory_space<vmem>>, vector<1x16xf32>,
        %parallel_loop3A_458 = arith.index_cast %parallel_loop3A_177 : i32 to index
        %parallel_loop3A_459 = arith.constant 48 : index
        %parallel_loop3A_460 = tpu.vector_load %arg4[%parallel_loop3A_458, %parallel_loop3A_459] {strides = array<i32>} : memref<32x384xf32, #tpu.memory_space<vmem>>, vector<1x16xf32>,
        %parallel_loop3A_461 = vector.shape_cast %parallel_loop3A_460 : vector<1x16xf32> to vector<16xf32>
        %parallel_loop3A_462 = arith.constant 15 : i32
        %parallel_loop3A_463 = vector.broadcast %parallel_loop3A_462 : i32 to vector<16xi32>
        %parallel_loop3A_464 = tpu.iota {dimensions = array<i32: 0>} : vector<16xi32>
        %parallel_loop3A_465 = arith.subi %parallel_loop3A_463, %parallel_loop3A_464 : vector<16xi32>
        %parallel_loop3A_466 = tpu.dynamic_gather %parallel_loop3A_461[%parallel_loop3A_465] in [0] : vector<16xf32>, vector<16xi32> -> vector<16xf32>
        %parallel_loop3A_467 = arith.index_cast %parallel_loop3A_177 : i32 to index
        %parallel_loop3A_468 = arith.constant 320 : index
        %parallel_loop3A_469 = tpu.vector_load %arg8[%parallel_loop3A_467, %parallel_loop3A_468] {strides = array<i32>} : memref<32x384xf32, #tpu.memory_space<vmem>>, vector<1x16xf32>,
        %parallel_loop3A_470 = vector.shape_cast %parallel_loop3A_469 : vector<1x16xf32> to vector<16xf32>
        %parallel_loop3A_471 = vector.shape_cast %parallel_loop3A_466 : vector<16xf32> to vector<1x16xf32>
        tpu.vector_store %arg8[%parallel_loop3A_467, %parallel_loop3A_468], %parallel_loop3A_471 {strides = array<i32>} : memref<32x384xf32, #tpu.memory_space<vmem>>, vector<1x16xf32>,
        %parallel_loop3A_472 = arith.index_cast %parallel_loop3A_177 : i32 to index
        %parallel_loop3A_473 = arith.constant 32 : index
        %parallel_loop3A_474 = tpu.vector_load %arg4[%parallel_loop3A_472, %parallel_loop3A_473] {strides = array<i32>} : memref<32x384xf32, #tpu.memory_space<vmem>>, vector<1x16xf32>,
        %parallel_loop3A_475 = vector.shape_cast %parallel_loop3A_474 : vector<1x16xf32> to vector<16xf32>
        %parallel_loop3A_476 = arith.constant 15 : i32
        %parallel_loop3A_477 = vector.broadcast %parallel_loop3A_476 : i32 to vector<16xi32>
        %parallel_loop3A_478 = tpu.iota {dimensions = array<i32: 0>} : vector<16xi32>
        %parallel_loop3A_479 = arith.subi %parallel_loop3A_477, %parallel_loop3A_478 : vector<16xi32>
        %parallel_loop3A_480 = tpu.dynamic_gather %parallel_loop3A_475[%parallel_loop3A_479] in [0] : vector<16xf32>, vector<16xi32> -> vector<16xf32>
        %parallel_loop3A_481 = arith.index_cast %parallel_loop3A_177 : i32 to index
        %parallel_loop3A_482 = arith.constant 336 : index
        %parallel_loop3A_483 = tpu.vector_load %arg8[%parallel_loop3A_481, %parallel_loop3A_482] {strides = array<i32>} : memref<32x384xf32, #tpu.memory_space<vmem>>, vector<1x16xf32>,
        %parallel_loop3A_484 = vector.shape_cast %parallel_loop3A_483 : vector<1x16xf32> to vector<16xf32>
        %parallel_loop3A_485 = vector.shape_cast %parallel_loop3A_480 : vector<16xf32> to vector<1x16xf32>
        tpu.vector_store %arg8[%parallel_loop3A_481, %parallel_loop3A_482], %parallel_loop3A_485 {strides = array<i32>} : memref<32x384xf32, #tpu.memory_space<vmem>>, vector<1x16xf32>,
        %parallel_loop3A_486 = arith.index_cast %parallel_loop3A_177 : i32 to index
        %parallel_loop3A_487 = arith.constant 16 : index
        %parallel_loop3A_488 = tpu.vector_load %arg4[%parallel_loop3A_486, %parallel_loop3A_487] {strides = array<i32>} : memref<32x384xf32, #tpu.memory_space<vmem>>, vector<1x16xf32>,
        %parallel_loop3A_489 = vector.shape_cast %parallel_loop3A_488 : vector<1x16xf32> to vector<16xf32>
        %parallel_loop3A_490 = arith.constant 15 : i32
        %parallel_loop3A_491 = vector.broadcast %parallel_loop3A_490 : i32 to vector<16xi32>
        %parallel_loop3A_492 = tpu.iota {dimensions = array<i32: 0>} : vector<16xi32>
        %parallel_loop3A_493 = arith.subi %parallel_loop3A_491, %parallel_loop3A_492 : vector<16xi32>
        %parallel_loop3A_494 = tpu.dynamic_gather %parallel_loop3A_489[%parallel_loop3A_493] in [0] : vector<16xf32>, vector<16xi32> -> vector<16xf32>
        %parallel_loop3A_495 = arith.index_cast %parallel_loop3A_177 : i32 to index
        %parallel_loop3A_496 = arith.constant 352 : index
        %parallel_loop3A_497 = tpu.vector_load %arg8[%parallel_loop3A_495, %parallel_loop3A_496] {strides = array<i32>} : memref<32x384xf32, #tpu.memory_space<vmem>>, vector<1x16xf32>,
        %parallel_loop3A_498 = vector.shape_cast %parallel_loop3A_497 : vector<1x16xf32> to vector<16xf32>
        %parallel_loop3A_499 = vector.shape_cast %parallel_loop3A_494 : vector<16xf32> to vector<1x16xf32>
        tpu.vector_store %arg8[%parallel_loop3A_495, %parallel_loop3A_496], %parallel_loop3A_499 {strides = array<i32>} : memref<32x384xf32, #tpu.memory_space<vmem>>, vector<1x16xf32>,
        %parallel_loop3A_500 = arith.index_cast %parallel_loop3A_177 : i32 to index
        %parallel_loop3A_501 = arith.constant 0 : index
        %parallel_loop3A_502 = tpu.vector_load %arg4[%parallel_loop3A_500, %parallel_loop3A_501] {strides = array<i32>} : memref<32x384xf32, #tpu.memory_space<vmem>>, vector<1x16xf32>,
        %parallel_loop3A_503 = vector.shape_cast %parallel_loop3A_502 : vector<1x16xf32> to vector<16xf32>
        %parallel_loop3A_504 = arith.constant 15 : i32
        %parallel_loop3A_505 = vector.broadcast %parallel_loop3A_504 : i32 to vector<16xi32>
        %parallel_loop3A_506 = tpu.iota {dimensions = array<i32: 0>} : vector<16xi32>
        %parallel_loop3A_507 = arith.subi %parallel_loop3A_505, %parallel_loop3A_506 : vector<16xi32>
        %parallel_loop3A_508 = tpu.dynamic_gather %parallel_loop3A_503[%parallel_loop3A_507] in [0] : vector<16xf32>, vector<16xi32> -> vector<16xf32>
        %parallel_loop3A_509 = arith.index_cast %parallel_loop3A_177 : i32 to index
        %parallel_loop3A_510 = arith.constant 368 : index
        %parallel_loop3A_511 = tpu.vector_load %arg8[%parallel_loop3A_509, %parallel_loop3A_510] {strides = array<i32>} : memref<32x384xf32, #tpu.memory_space<vmem>>, vector<1x16xf32>,
        %parallel_loop3A_512 = vector.shape_cast %parallel_loop3A_511 : vector<1x16xf32> to vector<16xf32>
        %parallel_loop3A_513 = vector.shape_cast %parallel_loop3A_508 : vector<16xf32> to vector<1x16xf32>
        tpu.vector_store %arg8[%parallel_loop3A_509, %parallel_loop3A_510], %parallel_loop3A_513 {strides = array<i32>} : memref<32x384xf32, #tpu.memory_space<vmem>>, vector<1x16xf32>,
      } {sc.loop_unroll_factor = 1 : i64, sc.parallel_access}
      %dma_start3A_74 = arith.constant 0 : i32
      %dma_start3A_75 = tpu.memref_slice %arg3[%add3A_65, %dma_start3A_74] : memref<200704x384xf32, #tpu.memory_space<hbm>> -> memref<32x384xf32, #tpu.memory_space<hbm>>
      %dma_start3A_76 = arith.constant 0 : i32
      %dma_start3A_77 = tpu.memref_slice %arg3[%add3A_65, %dma_start3A_76] : memref<200704x384xf32, #tpu.memory_space<hbm>> -> memref<32x384xf32, #tpu.memory_space<hbm>>
      tpu.enqueue_dma source(%arg8 : memref<32x384xf32, #tpu.memory_space<vmem>>) target(%dma_start3A_77 : memref<32x384xf32, #tpu.memory_space<hbm>>) target_semaphore(%arg16 : memref<!tpu.dma_semaphore, #tpu.memory_space<semaphore_mem>>)
      %add3A_78 = arith.constant 4 : i32
      %add3A_79 = arith.addi %add3A_59, %add3A_78 : i32
      %lt3A = arith.constant 196 : i32
      %lt3A_80 = arith.cmpi slt, %add3A_79, %lt3A : i32
      %convert_element_type3A_81 = arith.extui %lt3A_80 : i1 to i32
      %cond3A_82 = arith.constant 0 : i32
      %cond3A_83 = arith.cmpi ne, %convert_element_type3A_81, %cond3A_82 : i32
      scf.if %cond3A_83 {
        %add3A_177 = arith.constant 4 : i32
        %add3A_178 = arith.addi %add3A_59, %add3A_177 : i32
        %mul3A_179 = arith.constant 32 : i32
        %mul3A_180 = arith.muli %add3A_178, %mul3A_179 : i32
        %add3A_181 = arith.addi %mul3A_2, %mul3A_180 : i32
        %dma_start3A_182 = arith.constant 0 : i32
        %dma_start3A_183 = tpu.memref_slice %arg2[%add3A_181, %dma_start3A_182] : memref<200704x384xf32, #tpu.memory_space<hbm>> -> memref<32x384xf32, #tpu.memory_space<hbm>>
        %dma_start3A_184 = arith.constant 0 : i32
        %dma_start3A_185 = tpu.memref_slice %arg2[%add3A_181, %dma_start3A_184] : memref<200704x384xf32, #tpu.memory_space<hbm>> -> memref<32x384xf32, #tpu.memory_space<hbm>>
        tpu.enqueue_dma source(%dma_start3A_185 : memref<32x384xf32, #tpu.memory_space<hbm>>) target(%arg4 : memref<32x384xf32, #tpu.memory_space<vmem>>) target_semaphore(%arg12 : memref<!tpu.dma_semaphore, #tpu.memory_space<semaphore_mem>>)
      } else {
      }
      %add3A_84 = arith.constant 1 : i32
      %add3A_85 = arith.addi %add3A_57, %add3A_84 : i32
      %mul3A_86 = arith.constant 32 : i32
      %mul3A_87 = arith.muli %add3A_85, %mul3A_86 : i32
      %add3A_88 = arith.addi %mul3A_2, %mul3A_87 : i32
      %mul3A_89 = arith.constant 32 : i32
      %mul3A_90 = arith.muli %add3A_85, %mul3A_89 : i32
      %add3A_91 = arith.addi %mul3A_2, %mul3A_90 : i32
      %dma_wait3A_92 = arith.constant 0 : i32
      %dma_wait3A_93 = tpu.memref_slice %arg2[%add3A_88, %dma_wait3A_92] : memref<200704x384xf32, #tpu.memory_space<hbm>> -> memref<32x384xf32, #tpu.memory_space<hbm>>
      %dma_wait3A_94 = arith.constant 0 : i32
      %dma_wait3A_95 = tpu.memref_slice %arg2[%add3A_88, %dma_wait3A_94] : memref<200704x384xf32, #tpu.memory_space<hbm>> -> memref<32x384xf32, #tpu.memory_space<hbm>>
      tpu.wait_dma2 semaphore(%arg13 : memref<!tpu.dma_semaphore, #tpu.memory_space<semaphore_mem>>) src(%dma_wait3A_95 : memref<32x384xf32, #tpu.memory_space<hbm>>) dst(%arg5 : memref<32x384xf32, #tpu.memory_space<vmem>>)
      %ge3A_96 = arith.constant 4 : i32
      %ge3A_97 = arith.cmpi sge, %add3A_85, %ge3A_96 : i32
      %convert_element_type3A_98 = arith.extui %ge3A_97 : i1 to i32
      %cond3A_99 = arith.constant 0 : i32
      %cond3A_100 = arith.cmpi ne, %convert_element_type3A_98, %cond3A_99 : i32
      scf.if %cond3A_100 {
        %dma_wait3A_177 = arith.constant 0 : i32
        %dma_wait3A_178 = tpu.memref_slice %arg3[%add3A_91, %dma_wait3A_177] : memref<200704x384xf32, #tpu.memory_space<hbm>> -> memref<32x384xf32, #tpu.memory_space<hbm>>
        %dma_wait3A_179 = arith.constant 0 : i32
        %dma_wait3A_180 = tpu.memref_slice %arg3[%add3A_91, %dma_wait3A_179] : memref<200704x384xf32, #tpu.memory_space<hbm>> -> memref<32x384xf32, #tpu.memory_space<hbm>>
        tpu.wait_dma2 semaphore(%arg17 : memref<!tpu.dma_semaphore, #tpu.memory_space<semaphore_mem>>) src(%arg9 : memref<32x384xf32, #tpu.memory_space<vmem>>) dst(%dma_wait3A_180 : memref<32x384xf32, #tpu.memory_space<hbm>>)
      } else {
      }
      %parallel_loop3A_101 = arith.constant 0 : i32
      %parallel_loop3A_102 = arith.constant 32 : i32
      %parallel_loop3A_103 = arith.constant 1 : i32
      scf.for %parallel_loop3A_177 = %parallel_loop3A_101 to %parallel_loop3A_102 step %parallel_loop3A_103  : i32 {
        %parallel_loop3A_178 = arith.index_cast %parallel_loop3A_177 : i32 to index
        %parallel_loop3A_179 = arith.constant 368 : index
        %parallel_loop3A_180 = tpu.vector_load %arg5[%parallel_loop3A_178, %parallel_loop3A_179] {strides = array<i32>} : memref<32x384xf32, #tpu.memory_space<vmem>>, vector<1x16xf32>,
        %parallel_loop3A_181 = vector.shape_cast %parallel_loop3A_180 : vector<1x16xf32> to vector<16xf32>
        %parallel_loop3A_182 = arith.constant 15 : i32
        %parallel_loop3A_183 = vector.broadcast %parallel_loop3A_182 : i32 to vector<16xi32>
        %parallel_loop3A_184 = tpu.iota {dimensions = array<i32: 0>} : vector<16xi32>
        %parallel_loop3A_185 = arith.subi %parallel_loop3A_183, %parallel_loop3A_184 : vector<16xi32>
        %parallel_loop3A_186 = tpu.dynamic_gather %parallel_loop3A_181[%parallel_loop3A_185] in [0] : vector<16xf32>, vector<16xi32> -> vector<16xf32>
        %parallel_loop3A_187 = arith.index_cast %parallel_loop3A_177 : i32 to index
        %parallel_loop3A_188 = arith.constant 0 : index
        %parallel_loop3A_189 = tpu.vector_load %arg9[%parallel_loop3A_187, %parallel_loop3A_188] {strides = array<i32>} : memref<32x384xf32, #tpu.memory_space<vmem>>, vector<1x16xf32>,
        %parallel_loop3A_190 = vector.shape_cast %parallel_loop3A_189 : vector<1x16xf32> to vector<16xf32>
        %parallel_loop3A_191 = vector.shape_cast %parallel_loop3A_186 : vector<16xf32> to vector<1x16xf32>
        tpu.vector_store %arg9[%parallel_loop3A_187, %parallel_loop3A_188], %parallel_loop3A_191 {strides = array<i32>} : memref<32x384xf32, #tpu.memory_space<vmem>>, vector<1x16xf32>,
        %parallel_loop3A_192 = arith.index_cast %parallel_loop3A_177 : i32 to index
        %parallel_loop3A_193 = arith.constant 352 : index
        %parallel_loop3A_194 = tpu.vector_load %arg5[%parallel_loop3A_192, %parallel_loop3A_193] {strides = array<i32>} : memref<32x384xf32, #tpu.memory_space<vmem>>, vector<1x16xf32>,
        %parallel_loop3A_195 = vector.shape_cast %parallel_loop3A_194 : vector<1x16xf32> to vector<16xf32>
        %parallel_loop3A_196 = arith.constant 15 : i32
        %parallel_loop3A_197 = vector.broadcast %parallel_loop3A_196 : i32 to vector<16xi32>
        %parallel_loop3A_198 = tpu.iota {dimensions = array<i32: 0>} : vector<16xi32>
        %parallel_loop3A_199 = arith.subi %parallel_loop3A_197, %parallel_loop3A_198 : vector<16xi32>
        %parallel_loop3A_200 = tpu.dynamic_gather %parallel_loop3A_195[%parallel_loop3A_199] in [0] : vector<16xf32>, vector<16xi32> -> vector<16xf32>
        %parallel_loop3A_201 = arith.index_cast %parallel_loop3A_177 : i32 to index
        %parallel_loop3A_202 = arith.constant 16 : index
        %parallel_loop3A_203 = tpu.vector_load %arg9[%parallel_loop3A_201, %parallel_loop3A_202] {strides = array<i32>} : memref<32x384xf32, #tpu.memory_space<vmem>>, vector<1x16xf32>,
        %parallel_loop3A_204 = vector.shape_cast %parallel_loop3A_203 : vector<1x16xf32> to vector<16xf32>
        %parallel_loop3A_205 = vector.shape_cast %parallel_loop3A_200 : vector<16xf32> to vector<1x16xf32>
        tpu.vector_store %arg9[%parallel_loop3A_201, %parallel_loop3A_202], %parallel_loop3A_205 {strides = array<i32>} : memref<32x384xf32, #tpu.memory_space<vmem>>, vector<1x16xf32>,
        %parallel_loop3A_206 = arith.index_cast %parallel_loop3A_177 : i32 to index
        %parallel_loop3A_207 = arith.constant 336 : index
        %parallel_loop3A_208 = tpu.vector_load %arg5[%parallel_loop3A_206, %parallel_loop3A_207] {strides = array<i32>} : memref<32x384xf32, #tpu.memory_space<vmem>>, vector<1x16xf32>,
        %parallel_loop3A_209 = vector.shape_cast %parallel_loop3A_208 : vector<1x16xf32> to vector<16xf32>
        %parallel_loop3A_210 = arith.constant 15 : i32
        %parallel_loop3A_211 = vector.broadcast %parallel_loop3A_210 : i32 to vector<16xi32>
        %parallel_loop3A_212 = tpu.iota {dimensions = array<i32: 0>} : vector<16xi32>
        %parallel_loop3A_213 = arith.subi %parallel_loop3A_211, %parallel_loop3A_212 : vector<16xi32>
        %parallel_loop3A_214 = tpu.dynamic_gather %parallel_loop3A_209[%parallel_loop3A_213] in [0] : vector<16xf32>, vector<16xi32> -> vector<16xf32>
        %parallel_loop3A_215 = arith.index_cast %parallel_loop3A_177 : i32 to index
        %parallel_loop3A_216 = arith.constant 32 : index
        %parallel_loop3A_217 = tpu.vector_load %arg9[%parallel_loop3A_215, %parallel_loop3A_216] {strides = array<i32>} : memref<32x384xf32, #tpu.memory_space<vmem>>, vector<1x16xf32>,
        %parallel_loop3A_218 = vector.shape_cast %parallel_loop3A_217 : vector<1x16xf32> to vector<16xf32>
        %parallel_loop3A_219 = vector.shape_cast %parallel_loop3A_214 : vector<16xf32> to vector<1x16xf32>
        tpu.vector_store %arg9[%parallel_loop3A_215, %parallel_loop3A_216], %parallel_loop3A_219 {strides = array<i32>} : memref<32x384xf32, #tpu.memory_space<vmem>>, vector<1x16xf32>,
        %parallel_loop3A_220 = arith.index_cast %parallel_loop3A_177 : i32 to index
        %parallel_loop3A_221 = arith.constant 320 : index
        %parallel_loop3A_222 = tpu.vector_load %arg5[%parallel_loop3A_220, %parallel_loop3A_221] {strides = array<i32>} : memref<32x384xf32, #tpu.memory_space<vmem>>, vector<1x16xf32>,
        %parallel_loop3A_223 = vector.shape_cast %parallel_loop3A_222 : vector<1x16xf32> to vector<16xf32>
        %parallel_loop3A_224 = arith.constant 15 : i32
        %parallel_loop3A_225 = vector.broadcast %parallel_loop3A_224 : i32 to vector<16xi32>
        %parallel_loop3A_226 = tpu.iota {dimensions = array<i32: 0>} : vector<16xi32>
        %parallel_loop3A_227 = arith.subi %parallel_loop3A_225, %parallel_loop3A_226 : vector<16xi32>
        %parallel_loop3A_228 = tpu.dynamic_gather %parallel_loop3A_223[%parallel_loop3A_227] in [0] : vector<16xf32>, vector<16xi32> -> vector<16xf32>
        %parallel_loop3A_229 = arith.index_cast %parallel_loop3A_177 : i32 to index
        %parallel_loop3A_230 = arith.constant 48 : index
        %parallel_loop3A_231 = tpu.vector_load %arg9[%parallel_loop3A_229, %parallel_loop3A_230] {strides = array<i32>} : memref<32x384xf32, #tpu.memory_space<vmem>>, vector<1x16xf32>,
        %parallel_loop3A_232 = vector.shape_cast %parallel_loop3A_231 : vector<1x16xf32> to vector<16xf32>
        %parallel_loop3A_233 = vector.shape_cast %parallel_loop3A_228 : vector<16xf32> to vector<1x16xf32>
        tpu.vector_store %arg9[%parallel_loop3A_229, %parallel_loop3A_230], %parallel_loop3A_233 {strides = array<i32>} : memref<32x384xf32, #tpu.memory_space<vmem>>, vector<1x16xf32>,
        %parallel_loop3A_234 = arith.index_cast %parallel_loop3A_177 : i32 to index
        %parallel_loop3A_235 = arith.constant 304 : index
        %parallel_loop3A_236 = tpu.vector_load %arg5[%parallel_loop3A_234, %parallel_loop3A_235] {strides = array<i32>} : memref<32x384xf32, #tpu.memory_space<vmem>>, vector<1x16xf32>,
        %parallel_loop3A_237 = vector.shape_cast %parallel_loop3A_236 : vector<1x16xf32> to vector<16xf32>
        %parallel_loop3A_238 = arith.constant 15 : i32
        %parallel_loop3A_239 = vector.broadcast %parallel_loop3A_238 : i32 to vector<16xi32>
        %parallel_loop3A_240 = tpu.iota {dimensions = array<i32: 0>} : vector<16xi32>
        %parallel_loop3A_241 = arith.subi %parallel_loop3A_239, %parallel_loop3A_240 : vector<16xi32>
        %parallel_loop3A_242 = tpu.dynamic_gather %parallel_loop3A_237[%parallel_loop3A_241] in [0] : vector<16xf32>, vector<16xi32> -> vector<16xf32>
        %parallel_loop3A_243 = arith.index_cast %parallel_loop3A_177 : i32 to index
        %parallel_loop3A_244 = arith.constant 64 : index
        %parallel_loop3A_245 = tpu.vector_load %arg9[%parallel_loop3A_243, %parallel_loop3A_244] {strides = array<i32>} : memref<32x384xf32, #tpu.memory_space<vmem>>, vector<1x16xf32>,
        %parallel_loop3A_246 = vector.shape_cast %parallel_loop3A_245 : vector<1x16xf32> to vector<16xf32>
        %parallel_loop3A_247 = vector.shape_cast %parallel_loop3A_242 : vector<16xf32> to vector<1x16xf32>
        tpu.vector_store %arg9[%parallel_loop3A_243, %parallel_loop3A_244], %parallel_loop3A_247 {strides = array<i32>} : memref<32x384xf32, #tpu.memory_space<vmem>>, vector<1x16xf32>,
        %parallel_loop3A_248 = arith.index_cast %parallel_loop3A_177 : i32 to index
        %parallel_loop3A_249 = arith.constant 288 : index
        %parallel_loop3A_250 = tpu.vector_load %arg5[%parallel_loop3A_248, %parallel_loop3A_249] {strides = array<i32>} : memref<32x384xf32, #tpu.memory_space<vmem>>, vector<1x16xf32>,
        %parallel_loop3A_251 = vector.shape_cast %parallel_loop3A_250 : vector<1x16xf32> to vector<16xf32>
        %parallel_loop3A_252 = arith.constant 15 : i32
        %parallel_loop3A_253 = vector.broadcast %parallel_loop3A_252 : i32 to vector<16xi32>
        %parallel_loop3A_254 = tpu.iota {dimensions = array<i32: 0>} : vector<16xi32>
        %parallel_loop3A_255 = arith.subi %parallel_loop3A_253, %parallel_loop3A_254 : vector<16xi32>
        %parallel_loop3A_256 = tpu.dynamic_gather %parallel_loop3A_251[%parallel_loop3A_255] in [0] : vector<16xf32>, vector<16xi32> -> vector<16xf32>
        %parallel_loop3A_257 = arith.index_cast %parallel_loop3A_177 : i32 to index
        %parallel_loop3A_258 = arith.constant 80 : index
        %parallel_loop3A_259 = tpu.vector_load %arg9[%parallel_loop3A_257, %parallel_loop3A_258] {strides = array<i32>} : memref<32x384xf32, #tpu.memory_space<vmem>>, vector<1x16xf32>,
        %parallel_loop3A_260 = vector.shape_cast %parallel_loop3A_259 : vector<1x16xf32> to vector<16xf32>
        %parallel_loop3A_261 = vector.shape_cast %parallel_loop3A_256 : vector<16xf32> to vector<1x16xf32>
        tpu.vector_store %arg9[%parallel_loop3A_257, %parallel_loop3A_258], %parallel_loop3A_261 {strides = array<i32>} : memref<32x384xf32, #tpu.memory_space<vmem>>, vector<1x16xf32>,
        %parallel_loop3A_262 = arith.index_cast %parallel_loop3A_177 : i32 to index
        %parallel_loop3A_263 = arith.constant 272 : index
        %parallel_loop3A_264 = tpu.vector_load %arg5[%parallel_loop3A_262, %parallel_loop3A_263] {strides = array<i32>} : memref<32x384xf32, #tpu.memory_space<vmem>>, vector<1x16xf32>,
        %parallel_loop3A_265 = vector.shape_cast %parallel_loop3A_264 : vector<1x16xf32> to vector<16xf32>
        %parallel_loop3A_266 = arith.constant 15 : i32
        %parallel_loop3A_267 = vector.broadcast %parallel_loop3A_266 : i32 to vector<16xi32>
        %parallel_loop3A_268 = tpu.iota {dimensions = array<i32: 0>} : vector<16xi32>
        %parallel_loop3A_269 = arith.subi %parallel_loop3A_267, %parallel_loop3A_268 : vector<16xi32>
        %parallel_loop3A_270 = tpu.dynamic_gather %parallel_loop3A_265[%parallel_loop3A_269] in [0] : vector<16xf32>, vector<16xi32> -> vector<16xf32>
        %parallel_loop3A_271 = arith.index_cast %parallel_loop3A_177 : i32 to index
        %parallel_loop3A_272 = arith.constant 96 : index
        %parallel_loop3A_273 = tpu.vector_load %arg9[%parallel_loop3A_271, %parallel_loop3A_272] {strides = array<i32>} : memref<32x384xf32, #tpu.memory_space<vmem>>, vector<1x16xf32>,
        %parallel_loop3A_274 = vector.shape_cast %parallel_loop3A_273 : vector<1x16xf32> to vector<16xf32>
        %parallel_loop3A_275 = vector.shape_cast %parallel_loop3A_270 : vector<16xf32> to vector<1x16xf32>
        tpu.vector_store %arg9[%parallel_loop3A_271, %parallel_loop3A_272], %parallel_loop3A_275 {strides = array<i32>} : memref<32x384xf32, #tpu.memory_space<vmem>>, vector<1x16xf32>,
        %parallel_loop3A_276 = arith.index_cast %parallel_loop3A_177 : i32 to index
        %parallel_loop3A_277 = arith.constant 256 : index
        %parallel_loop3A_278 = tpu.vector_load %arg5[%parallel_loop3A_276, %parallel_loop3A_277] {strides = array<i32>} : memref<32x384xf32, #tpu.memory_space<vmem>>, vector<1x16xf32>,
        %parallel_loop3A_279 = vector.shape_cast %parallel_loop3A_278 : vector<1x16xf32> to vector<16xf32>
        %parallel_loop3A_280 = arith.constant 15 : i32
        %parallel_loop3A_281 = vector.broadcast %parallel_loop3A_280 : i32 to vector<16xi32>
        %parallel_loop3A_282 = tpu.iota {dimensions = array<i32: 0>} : vector<16xi32>
        %parallel_loop3A_283 = arith.subi %parallel_loop3A_281, %parallel_loop3A_282 : vector<16xi32>
        %parallel_loop3A_284 = tpu.dynamic_gather %parallel_loop3A_279[%parallel_loop3A_283] in [0] : vector<16xf32>, vector<16xi32> -> vector<16xf32>
        %parallel_loop3A_285 = arith.index_cast %parallel_loop3A_177 : i32 to index
        %parallel_loop3A_286 = arith.constant 112 : index
        %parallel_loop3A_287 = tpu.vector_load %arg9[%parallel_loop3A_285, %parallel_loop3A_286] {strides = array<i32>} : memref<32x384xf32, #tpu.memory_space<vmem>>, vector<1x16xf32>,
        %parallel_loop3A_288 = vector.shape_cast %parallel_loop3A_287 : vector<1x16xf32> to vector<16xf32>
        %parallel_loop3A_289 = vector.shape_cast %parallel_loop3A_284 : vector<16xf32> to vector<1x16xf32>
        tpu.vector_store %arg9[%parallel_loop3A_285, %parallel_loop3A_286], %parallel_loop3A_289 {strides = array<i32>} : memref<32x384xf32, #tpu.memory_space<vmem>>, vector<1x16xf32>,
        %parallel_loop3A_290 = arith.index_cast %parallel_loop3A_177 : i32 to index
        %parallel_loop3A_291 = arith.constant 240 : index
        %parallel_loop3A_292 = tpu.vector_load %arg5[%parallel_loop3A_290, %parallel_loop3A_291] {strides = array<i32>} : memref<32x384xf32, #tpu.memory_space<vmem>>, vector<1x16xf32>,
        %parallel_loop3A_293 = vector.shape_cast %parallel_loop3A_292 : vector<1x16xf32> to vector<16xf32>
        %parallel_loop3A_294 = arith.constant 15 : i32
        %parallel_loop3A_295 = vector.broadcast %parallel_loop3A_294 : i32 to vector<16xi32>
        %parallel_loop3A_296 = tpu.iota {dimensions = array<i32: 0>} : vector<16xi32>
        %parallel_loop3A_297 = arith.subi %parallel_loop3A_295, %parallel_loop3A_296 : vector<16xi32>
        %parallel_loop3A_298 = tpu.dynamic_gather %parallel_loop3A_293[%parallel_loop3A_297] in [0] : vector<16xf32>, vector<16xi32> -> vector<16xf32>
        %parallel_loop3A_299 = arith.index_cast %parallel_loop3A_177 : i32 to index
        %parallel_loop3A_300 = arith.constant 128 : index
        %parallel_loop3A_301 = tpu.vector_load %arg9[%parallel_loop3A_299, %parallel_loop3A_300] {strides = array<i32>} : memref<32x384xf32, #tpu.memory_space<vmem>>, vector<1x16xf32>,
        %parallel_loop3A_302 = vector.shape_cast %parallel_loop3A_301 : vector<1x16xf32> to vector<16xf32>
        %parallel_loop3A_303 = vector.shape_cast %parallel_loop3A_298 : vector<16xf32> to vector<1x16xf32>
        tpu.vector_store %arg9[%parallel_loop3A_299, %parallel_loop3A_300], %parallel_loop3A_303 {strides = array<i32>} : memref<32x384xf32, #tpu.memory_space<vmem>>, vector<1x16xf32>,
        %parallel_loop3A_304 = arith.index_cast %parallel_loop3A_177 : i32 to index
        %parallel_loop3A_305 = arith.constant 224 : index
        %parallel_loop3A_306 = tpu.vector_load %arg5[%parallel_loop3A_304, %parallel_loop3A_305] {strides = array<i32>} : memref<32x384xf32, #tpu.memory_space<vmem>>, vector<1x16xf32>,
        %parallel_loop3A_307 = vector.shape_cast %parallel_loop3A_306 : vector<1x16xf32> to vector<16xf32>
        %parallel_loop3A_308 = arith.constant 15 : i32
        %parallel_loop3A_309 = vector.broadcast %parallel_loop3A_308 : i32 to vector<16xi32>
        %parallel_loop3A_310 = tpu.iota {dimensions = array<i32: 0>} : vector<16xi32>
        %parallel_loop3A_311 = arith.subi %parallel_loop3A_309, %parallel_loop3A_310 : vector<16xi32>
        %parallel_loop3A_312 = tpu.dynamic_gather %parallel_loop3A_307[%parallel_loop3A_311] in [0] : vector<16xf32>, vector<16xi32> -> vector<16xf32>
        %parallel_loop3A_313 = arith.index_cast %parallel_loop3A_177 : i32 to index
        %parallel_loop3A_314 = arith.constant 144 : index
        %parallel_loop3A_315 = tpu.vector_load %arg9[%parallel_loop3A_313, %parallel_loop3A_314] {strides = array<i32>} : memref<32x384xf32, #tpu.memory_space<vmem>>, vector<1x16xf32>,
        %parallel_loop3A_316 = vector.shape_cast %parallel_loop3A_315 : vector<1x16xf32> to vector<16xf32>
        %parallel_loop3A_317 = vector.shape_cast %parallel_loop3A_312 : vector<16xf32> to vector<1x16xf32>
        tpu.vector_store %arg9[%parallel_loop3A_313, %parallel_loop3A_314], %parallel_loop3A_317 {strides = array<i32>} : memref<32x384xf32, #tpu.memory_space<vmem>>, vector<1x16xf32>,
        %parallel_loop3A_318 = arith.index_cast %parallel_loop3A_177 : i32 to index
        %parallel_loop3A_319 = arith.constant 208 : index
        %parallel_loop3A_320 = tpu.vector_load %arg5[%parallel_loop3A_318, %parallel_loop3A_319] {strides = array<i32>} : memref<32x384xf32, #tpu.memory_space<vmem>>, vector<1x16xf32>,
        %parallel_loop3A_321 = vector.shape_cast %parallel_loop3A_320 : vector<1x16xf32> to vector<16xf32>
        %parallel_loop3A_322 = arith.constant 15 : i32
        %parallel_loop3A_323 = vector.broadcast %parallel_loop3A_322 : i32 to vector<16xi32>
        %parallel_loop3A_324 = tpu.iota {dimensions = array<i32: 0>} : vector<16xi32>
        %parallel_loop3A_325 = arith.subi %parallel_loop3A_323, %parallel_loop3A_324 : vector<16xi32>
        %parallel_loop3A_326 = tpu.dynamic_gather %parallel_loop3A_321[%parallel_loop3A_325] in [0] : vector<16xf32>, vector<16xi32> -> vector<16xf32>
        %parallel_loop3A_327 = arith.index_cast %parallel_loop3A_177 : i32 to index
        %parallel_loop3A_328 = arith.constant 160 : index
        %parallel_loop3A_329 = tpu.vector_load %arg9[%parallel_loop3A_327, %parallel_loop3A_328] {strides = array<i32>} : memref<32x384xf32, #tpu.memory_space<vmem>>, vector<1x16xf32>,
        %parallel_loop3A_330 = vector.shape_cast %parallel_loop3A_329 : vector<1x16xf32> to vector<16xf32>
        %parallel_loop3A_331 = vector.shape_cast %parallel_loop3A_326 : vector<16xf32> to vector<1x16xf32>
        tpu.vector_store %arg9[%parallel_loop3A_327, %parallel_loop3A_328], %parallel_loop3A_331 {strides = array<i32>} : memref<32x384xf32, #tpu.memory_space<vmem>>, vector<1x16xf32>,
        %parallel_loop3A_332 = arith.index_cast %parallel_loop3A_177 : i32 to index
        %parallel_loop3A_333 = arith.constant 192 : index
        %parallel_loop3A_334 = tpu.vector_load %arg5[%parallel_loop3A_332, %parallel_loop3A_333] {strides = array<i32>} : memref<32x384xf32, #tpu.memory_space<vmem>>, vector<1x16xf32>,
        %parallel_loop3A_335 = vector.shape_cast %parallel_loop3A_334 : vector<1x16xf32> to vector<16xf32>
        %parallel_loop3A_336 = arith.constant 15 : i32
        %parallel_loop3A_337 = vector.broadcast %parallel_loop3A_336 : i32 to vector<16xi32>
        %parallel_loop3A_338 = tpu.iota {dimensions = array<i32: 0>} : vector<16xi32>
        %parallel_loop3A_339 = arith.subi %parallel_loop3A_337, %parallel_loop3A_338 : vector<16xi32>
        %parallel_loop3A_340 = tpu.dynamic_gather %parallel_loop3A_335[%parallel_loop3A_339] in [0] : vector<16xf32>, vector<16xi32> -> vector<16xf32>
        %parallel_loop3A_341 = arith.index_cast %parallel_loop3A_177 : i32 to index
        %parallel_loop3A_342 = arith.constant 176 : index
        %parallel_loop3A_343 = tpu.vector_load %arg9[%parallel_loop3A_341, %parallel_loop3A_342] {strides = array<i32>} : memref<32x384xf32, #tpu.memory_space<vmem>>, vector<1x16xf32>,
        %parallel_loop3A_344 = vector.shape_cast %parallel_loop3A_343 : vector<1x16xf32> to vector<16xf32>
        %parallel_loop3A_345 = vector.shape_cast %parallel_loop3A_340 : vector<16xf32> to vector<1x16xf32>
        tpu.vector_store %arg9[%parallel_loop3A_341, %parallel_loop3A_342], %parallel_loop3A_345 {strides = array<i32>} : memref<32x384xf32, #tpu.memory_space<vmem>>, vector<1x16xf32>,
        %parallel_loop3A_346 = arith.index_cast %parallel_loop3A_177 : i32 to index
        %parallel_loop3A_347 = arith.constant 176 : index
        %parallel_loop3A_348 = tpu.vector_load %arg5[%parallel_loop3A_346, %parallel_loop3A_347] {strides = array<i32>} : memref<32x384xf32, #tpu.memory_space<vmem>>, vector<1x16xf32>,
        %parallel_loop3A_349 = vector.shape_cast %parallel_loop3A_348 : vector<1x16xf32> to vector<16xf32>
        %parallel_loop3A_350 = arith.constant 15 : i32
        %parallel_loop3A_351 = vector.broadcast %parallel_loop3A_350 : i32 to vector<16xi32>
        %parallel_loop3A_352 = tpu.iota {dimensions = array<i32: 0>} : vector<16xi32>
        %parallel_loop3A_353 = arith.subi %parallel_loop3A_351, %parallel_loop3A_352 : vector<16xi32>
        %parallel_loop3A_354 = tpu.dynamic_gather %parallel_loop3A_349[%parallel_loop3A_353] in [0] : vector<16xf32>, vector<16xi32> -> vector<16xf32>
        %parallel_loop3A_355 = arith.index_cast %parallel_loop3A_177 : i32 to index
        %parallel_loop3A_356 = arith.constant 192 : index
        %parallel_loop3A_357 = tpu.vector_load %arg9[%parallel_loop3A_355, %parallel_loop3A_356] {strides = array<i32>} : memref<32x384xf32, #tpu.memory_space<vmem>>, vector<1x16xf32>,
        %parallel_loop3A_358 = vector.shape_cast %parallel_loop3A_357 : vector<1x16xf32> to vector<16xf32>
        %parallel_loop3A_359 = vector.shape_cast %parallel_loop3A_354 : vector<16xf32> to vector<1x16xf32>
        tpu.vector_store %arg9[%parallel_loop3A_355, %parallel_loop3A_356], %parallel_loop3A_359 {strides = array<i32>} : memref<32x384xf32, #tpu.memory_space<vmem>>, vector<1x16xf32>,
        %parallel_loop3A_360 = arith.index_cast %parallel_loop3A_177 : i32 to index
        %parallel_loop3A_361 = arith.constant 160 : index
        %parallel_loop3A_362 = tpu.vector_load %arg5[%parallel_loop3A_360, %parallel_loop3A_361] {strides = array<i32>} : memref<32x384xf32, #tpu.memory_space<vmem>>, vector<1x16xf32>,
        %parallel_loop3A_363 = vector.shape_cast %parallel_loop3A_362 : vector<1x16xf32> to vector<16xf32>
        %parallel_loop3A_364 = arith.constant 15 : i32
        %parallel_loop3A_365 = vector.broadcast %parallel_loop3A_364 : i32 to vector<16xi32>
        %parallel_loop3A_366 = tpu.iota {dimensions = array<i32: 0>} : vector<16xi32>
        %parallel_loop3A_367 = arith.subi %parallel_loop3A_365, %parallel_loop3A_366 : vector<16xi32>
        %parallel_loop3A_368 = tpu.dynamic_gather %parallel_loop3A_363[%parallel_loop3A_367] in [0] : vector<16xf32>, vector<16xi32> -> vector<16xf32>
        %parallel_loop3A_369 = arith.index_cast %parallel_loop3A_177 : i32 to index
        %parallel_loop3A_370 = arith.constant 208 : index
        %parallel_loop3A_371 = tpu.vector_load %arg9[%parallel_loop3A_369, %parallel_loop3A_370] {strides = array<i32>} : memref<32x384xf32, #tpu.memory_space<vmem>>, vector<1x16xf32>,
        %parallel_loop3A_372 = vector.shape_cast %parallel_loop3A_371 : vector<1x16xf32> to vector<16xf32>
        %parallel_loop3A_373 = vector.shape_cast %parallel_loop3A_368 : vector<16xf32> to vector<1x16xf32>
        tpu.vector_store %arg9[%parallel_loop3A_369, %parallel_loop3A_370], %parallel_loop3A_373 {strides = array<i32>} : memref<32x384xf32, #tpu.memory_space<vmem>>, vector<1x16xf32>,
        %parallel_loop3A_374 = arith.index_cast %parallel_loop3A_177 : i32 to index
        %parallel_loop3A_375 = arith.constant 144 : index
        %parallel_loop3A_376 = tpu.vector_load %arg5[%parallel_loop3A_374, %parallel_loop3A_375] {strides = array<i32>} : memref<32x384xf32, #tpu.memory_space<vmem>>, vector<1x16xf32>,
        %parallel_loop3A_377 = vector.shape_cast %parallel_loop3A_376 : vector<1x16xf32> to vector<16xf32>
        %parallel_loop3A_378 = arith.constant 15 : i32
        %parallel_loop3A_379 = vector.broadcast %parallel_loop3A_378 : i32 to vector<16xi32>
        %parallel_loop3A_380 = tpu.iota {dimensions = array<i32: 0>} : vector<16xi32>
        %parallel_loop3A_381 = arith.subi %parallel_loop3A_379, %parallel_loop3A_380 : vector<16xi32>
        %parallel_loop3A_382 = tpu.dynamic_gather %parallel_loop3A_377[%parallel_loop3A_381] in [0] : vector<16xf32>, vector<16xi32> -> vector<16xf32>
        %parallel_loop3A_383 = arith.index_cast %parallel_loop3A_177 : i32 to index
        %parallel_loop3A_384 = arith.constant 224 : index
        %parallel_loop3A_385 = tpu.vector_load %arg9[%parallel_loop3A_383, %parallel_loop3A_384] {strides = array<i32>} : memref<32x384xf32, #tpu.memory_space<vmem>>, vector<1x16xf32>,
        %parallel_loop3A_386 = vector.shape_cast %parallel_loop3A_385 : vector<1x16xf32> to vector<16xf32>
        %parallel_loop3A_387 = vector.shape_cast %parallel_loop3A_382 : vector<16xf32> to vector<1x16xf32>
        tpu.vector_store %arg9[%parallel_loop3A_383, %parallel_loop3A_384], %parallel_loop3A_387 {strides = array<i32>} : memref<32x384xf32, #tpu.memory_space<vmem>>, vector<1x16xf32>,
        %parallel_loop3A_388 = arith.index_cast %parallel_loop3A_177 : i32 to index
        %parallel_loop3A_389 = arith.constant 128 : index
        %parallel_loop3A_390 = tpu.vector_load %arg5[%parallel_loop3A_388, %parallel_loop3A_389] {strides = array<i32>} : memref<32x384xf32, #tpu.memory_space<vmem>>, vector<1x16xf32>,
        %parallel_loop3A_391 = vector.shape_cast %parallel_loop3A_390 : vector<1x16xf32> to vector<16xf32>
        %parallel_loop3A_392 = arith.constant 15 : i32
        %parallel_loop3A_393 = vector.broadcast %parallel_loop3A_392 : i32 to vector<16xi32>
        %parallel_loop3A_394 = tpu.iota {dimensions = array<i32: 0>} : vector<16xi32>
        %parallel_loop3A_395 = arith.subi %parallel_loop3A_393, %parallel_loop3A_394 : vector<16xi32>
        %parallel_loop3A_396 = tpu.dynamic_gather %parallel_loop3A_391[%parallel_loop3A_395] in [0] : vector<16xf32>, vector<16xi32> -> vector<16xf32>
        %parallel_loop3A_397 = arith.index_cast %parallel_loop3A_177 : i32 to index
        %parallel_loop3A_398 = arith.constant 240 : index
        %parallel_loop3A_399 = tpu.vector_load %arg9[%parallel_loop3A_397, %parallel_loop3A_398] {strides = array<i32>} : memref<32x384xf32, #tpu.memory_space<vmem>>, vector<1x16xf32>,
        %parallel_loop3A_400 = vector.shape_cast %parallel_loop3A_399 : vector<1x16xf32> to vector<16xf32>
        %parallel_loop3A_401 = vector.shape_cast %parallel_loop3A_396 : vector<16xf32> to vector<1x16xf32>
        tpu.vector_store %arg9[%parallel_loop3A_397, %parallel_loop3A_398], %parallel_loop3A_401 {strides = array<i32>} : memref<32x384xf32, #tpu.memory_space<vmem>>, vector<1x16xf32>,
        %parallel_loop3A_402 = arith.index_cast %parallel_loop3A_177 : i32 to index
        %parallel_loop3A_403 = arith.constant 112 : index
        %parallel_loop3A_404 = tpu.vector_load %arg5[%parallel_loop3A_402, %parallel_loop3A_403] {strides = array<i32>} : memref<32x384xf32, #tpu.memory_space<vmem>>, vector<1x16xf32>,
        %parallel_loop3A_405 = vector.shape_cast %parallel_loop3A_404 : vector<1x16xf32> to vector<16xf32>
        %parallel_loop3A_406 = arith.constant 15 : i32
        %parallel_loop3A_407 = vector.broadcast %parallel_loop3A_406 : i32 to vector<16xi32>
        %parallel_loop3A_408 = tpu.iota {dimensions = array<i32: 0>} : vector<16xi32>
        %parallel_loop3A_409 = arith.subi %parallel_loop3A_407, %parallel_loop3A_408 : vector<16xi32>
        %parallel_loop3A_410 = tpu.dynamic_gather %parallel_loop3A_405[%parallel_loop3A_409] in [0] : vector<16xf32>, vector<16xi32> -> vector<16xf32>
        %parallel_loop3A_411 = arith.index_cast %parallel_loop3A_177 : i32 to index
        %parallel_loop3A_412 = arith.constant 256 : index
        %parallel_loop3A_413 = tpu.vector_load %arg9[%parallel_loop3A_411, %parallel_loop3A_412] {strides = array<i32>} : memref<32x384xf32, #tpu.memory_space<vmem>>, vector<1x16xf32>,
        %parallel_loop3A_414 = vector.shape_cast %parallel_loop3A_413 : vector<1x16xf32> to vector<16xf32>
        %parallel_loop3A_415 = vector.shape_cast %parallel_loop3A_410 : vector<16xf32> to vector<1x16xf32>
        tpu.vector_store %arg9[%parallel_loop3A_411, %parallel_loop3A_412], %parallel_loop3A_415 {strides = array<i32>} : memref<32x384xf32, #tpu.memory_space<vmem>>, vector<1x16xf32>,
        %parallel_loop3A_416 = arith.index_cast %parallel_loop3A_177 : i32 to index
        %parallel_loop3A_417 = arith.constant 96 : index
        %parallel_loop3A_418 = tpu.vector_load %arg5[%parallel_loop3A_416, %parallel_loop3A_417] {strides = array<i32>} : memref<32x384xf32, #tpu.memory_space<vmem>>, vector<1x16xf32>,
        %parallel_loop3A_419 = vector.shape_cast %parallel_loop3A_418 : vector<1x16xf32> to vector<16xf32>
        %parallel_loop3A_420 = arith.constant 15 : i32
        %parallel_loop3A_421 = vector.broadcast %parallel_loop3A_420 : i32 to vector<16xi32>
        %parallel_loop3A_422 = tpu.iota {dimensions = array<i32: 0>} : vector<16xi32>
        %parallel_loop3A_423 = arith.subi %parallel_loop3A_421, %parallel_loop3A_422 : vector<16xi32>
        %parallel_loop3A_424 = tpu.dynamic_gather %parallel_loop3A_419[%parallel_loop3A_423] in [0] : vector<16xf32>, vector<16xi32> -> vector<16xf32>
        %parallel_loop3A_425 = arith.index_cast %parallel_loop3A_177 : i32 to index
        %parallel_loop3A_426 = arith.constant 272 : index
        %parallel_loop3A_427 = tpu.vector_load %arg9[%parallel_loop3A_425, %parallel_loop3A_426] {strides = array<i32>} : memref<32x384xf32, #tpu.memory_space<vmem>>, vector<1x16xf32>,
        %parallel_loop3A_428 = vector.shape_cast %parallel_loop3A_427 : vector<1x16xf32> to vector<16xf32>
        %parallel_loop3A_429 = vector.shape_cast %parallel_loop3A_424 : vector<16xf32> to vector<1x16xf32>
        tpu.vector_store %arg9[%parallel_loop3A_425, %parallel_loop3A_426], %parallel_loop3A_429 {strides = array<i32>} : memref<32x384xf32, #tpu.memory_space<vmem>>, vector<1x16xf32>,
        %parallel_loop3A_430 = arith.index_cast %parallel_loop3A_177 : i32 to index
        %parallel_loop3A_431 = arith.constant 80 : index
        %parallel_loop3A_432 = tpu.vector_load %arg5[%parallel_loop3A_430, %parallel_loop3A_431] {strides = array<i32>} : memref<32x384xf32, #tpu.memory_space<vmem>>, vector<1x16xf32>,
        %parallel_loop3A_433 = vector.shape_cast %parallel_loop3A_432 : vector<1x16xf32> to vector<16xf32>
        %parallel_loop3A_434 = arith.constant 15 : i32
        %parallel_loop3A_435 = vector.broadcast %parallel_loop3A_434 : i32 to vector<16xi32>
        %parallel_loop3A_436 = tpu.iota {dimensions = array<i32: 0>} : vector<16xi32>
        %parallel_loop3A_437 = arith.subi %parallel_loop3A_435, %parallel_loop3A_436 : vector<16xi32>
        %parallel_loop3A_438 = tpu.dynamic_gather %parallel_loop3A_433[%parallel_loop3A_437] in [0] : vector<16xf32>, vector<16xi32> -> vector<16xf32>
        %parallel_loop3A_439 = arith.index_cast %parallel_loop3A_177 : i32 to index
        %parallel_loop3A_440 = arith.constant 288 : index
        %parallel_loop3A_441 = tpu.vector_load %arg9[%parallel_loop3A_439, %parallel_loop3A_440] {strides = array<i32>} : memref<32x384xf32, #tpu.memory_space<vmem>>, vector<1x16xf32>,
        %parallel_loop3A_442 = vector.shape_cast %parallel_loop3A_441 : vector<1x16xf32> to vector<16xf32>
        %parallel_loop3A_443 = vector.shape_cast %parallel_loop3A_438 : vector<16xf32> to vector<1x16xf32>
        tpu.vector_store %arg9[%parallel_loop3A_439, %parallel_loop3A_440], %parallel_loop3A_443 {strides = array<i32>} : memref<32x384xf32, #tpu.memory_space<vmem>>, vector<1x16xf32>,
        %parallel_loop3A_444 = arith.index_cast %parallel_loop3A_177 : i32 to index
        %parallel_loop3A_445 = arith.constant 64 : index
        %parallel_loop3A_446 = tpu.vector_load %arg5[%parallel_loop3A_444, %parallel_loop3A_445] {strides = array<i32>} : memref<32x384xf32, #tpu.memory_space<vmem>>, vector<1x16xf32>,
        %parallel_loop3A_447 = vector.shape_cast %parallel_loop3A_446 : vector<1x16xf32> to vector<16xf32>
        %parallel_loop3A_448 = arith.constant 15 : i32
        %parallel_loop3A_449 = vector.broadcast %parallel_loop3A_448 : i32 to vector<16xi32>
        %parallel_loop3A_450 = tpu.iota {dimensions = array<i32: 0>} : vector<16xi32>
        %parallel_loop3A_451 = arith.subi %parallel_loop3A_449, %parallel_loop3A_450 : vector<16xi32>
        %parallel_loop3A_452 = tpu.dynamic_gather %parallel_loop3A_447[%parallel_loop3A_451] in [0] : vector<16xf32>, vector<16xi32> -> vector<16xf32>
        %parallel_loop3A_453 = arith.index_cast %parallel_loop3A_177 : i32 to index
        %parallel_loop3A_454 = arith.constant 304 : index
        %parallel_loop3A_455 = tpu.vector_load %arg9[%parallel_loop3A_453, %parallel_loop3A_454] {strides = array<i32>} : memref<32x384xf32, #tpu.memory_space<vmem>>, vector<1x16xf32>,
        %parallel_loop3A_456 = vector.shape_cast %parallel_loop3A_455 : vector<1x16xf32> to vector<16xf32>
        %parallel_loop3A_457 = vector.shape_cast %parallel_loop3A_452 : vector<16xf32> to vector<1x16xf32>
        tpu.vector_store %arg9[%parallel_loop3A_453, %parallel_loop3A_454], %parallel_loop3A_457 {strides = array<i32>} : memref<32x384xf32, #tpu.memory_space<vmem>>, vector<1x16xf32>,
        %parallel_loop3A_458 = arith.index_cast %parallel_loop3A_177 : i32 to index
        %parallel_loop3A_459 = arith.constant 48 : index
        %parallel_loop3A_460 = tpu.vector_load %arg5[%parallel_loop3A_458, %parallel_loop3A_459] {strides = array<i32>} : memref<32x384xf32, #tpu.memory_space<vmem>>, vector<1x16xf32>,
        %parallel_loop3A_461 = vector.shape_cast %parallel_loop3A_460 : vector<1x16xf32> to vector<16xf32>
        %parallel_loop3A_462 = arith.constant 15 : i32
        %parallel_loop3A_463 = vector.broadcast %parallel_loop3A_462 : i32 to vector<16xi32>
        %parallel_loop3A_464 = tpu.iota {dimensions = array<i32: 0>} : vector<16xi32>
        %parallel_loop3A_465 = arith.subi %parallel_loop3A_463, %parallel_loop3A_464 : vector<16xi32>
        %parallel_loop3A_466 = tpu.dynamic_gather %parallel_loop3A_461[%parallel_loop3A_465] in [0] : vector<16xf32>, vector<16xi32> -> vector<16xf32>
        %parallel_loop3A_467 = arith.index_cast %parallel_loop3A_177 : i32 to index
        %parallel_loop3A_468 = arith.constant 320 : index
        %parallel_loop3A_469 = tpu.vector_load %arg9[%parallel_loop3A_467, %parallel_loop3A_468] {strides = array<i32>} : memref<32x384xf32, #tpu.memory_space<vmem>>, vector<1x16xf32>,
        %parallel_loop3A_470 = vector.shape_cast %parallel_loop3A_469 : vector<1x16xf32> to vector<16xf32>
        %parallel_loop3A_471 = vector.shape_cast %parallel_loop3A_466 : vector<16xf32> to vector<1x16xf32>
        tpu.vector_store %arg9[%parallel_loop3A_467, %parallel_loop3A_468], %parallel_loop3A_471 {strides = array<i32>} : memref<32x384xf32, #tpu.memory_space<vmem>>, vector<1x16xf32>,
        %parallel_loop3A_472 = arith.index_cast %parallel_loop3A_177 : i32 to index
        %parallel_loop3A_473 = arith.constant 32 : index
        %parallel_loop3A_474 = tpu.vector_load %arg5[%parallel_loop3A_472, %parallel_loop3A_473] {strides = array<i32>} : memref<32x384xf32, #tpu.memory_space<vmem>>, vector<1x16xf32>,
        %parallel_loop3A_475 = vector.shape_cast %parallel_loop3A_474 : vector<1x16xf32> to vector<16xf32>
        %parallel_loop3A_476 = arith.constant 15 : i32
        %parallel_loop3A_477 = vector.broadcast %parallel_loop3A_476 : i32 to vector<16xi32>
        %parallel_loop3A_478 = tpu.iota {dimensions = array<i32: 0>} : vector<16xi32>
        %parallel_loop3A_479 = arith.subi %parallel_loop3A_477, %parallel_loop3A_478 : vector<16xi32>
        %parallel_loop3A_480 = tpu.dynamic_gather %parallel_loop3A_475[%parallel_loop3A_479] in [0] : vector<16xf32>, vector<16xi32> -> vector<16xf32>
        %parallel_loop3A_481 = arith.index_cast %parallel_loop3A_177 : i32 to index
        %parallel_loop3A_482 = arith.constant 336 : index
        %parallel_loop3A_483 = tpu.vector_load %arg9[%parallel_loop3A_481, %parallel_loop3A_482] {strides = array<i32>} : memref<32x384xf32, #tpu.memory_space<vmem>>, vector<1x16xf32>,
        %parallel_loop3A_484 = vector.shape_cast %parallel_loop3A_483 : vector<1x16xf32> to vector<16xf32>
        %parallel_loop3A_485 = vector.shape_cast %parallel_loop3A_480 : vector<16xf32> to vector<1x16xf32>
        tpu.vector_store %arg9[%parallel_loop3A_481, %parallel_loop3A_482], %parallel_loop3A_485 {strides = array<i32>} : memref<32x384xf32, #tpu.memory_space<vmem>>, vector<1x16xf32>,
        %parallel_loop3A_486 = arith.index_cast %parallel_loop3A_177 : i32 to index
        %parallel_loop3A_487 = arith.constant 16 : index
        %parallel_loop3A_488 = tpu.vector_load %arg5[%parallel_loop3A_486, %parallel_loop3A_487] {strides = array<i32>} : memref<32x384xf32, #tpu.memory_space<vmem>>, vector<1x16xf32>,
        %parallel_loop3A_489 = vector.shape_cast %parallel_loop3A_488 : vector<1x16xf32> to vector<16xf32>
        %parallel_loop3A_490 = arith.constant 15 : i32
        %parallel_loop3A_491 = vector.broadcast %parallel_loop3A_490 : i32 to vector<16xi32>
        %parallel_loop3A_492 = tpu.iota {dimensions = array<i32: 0>} : vector<16xi32>
        %parallel_loop3A_493 = arith.subi %parallel_loop3A_491, %parallel_loop3A_492 : vector<16xi32>
        %parallel_loop3A_494 = tpu.dynamic_gather %parallel_loop3A_489[%parallel_loop3A_493] in [0] : vector<16xf32>, vector<16xi32> -> vector<16xf32>
        %parallel_loop3A_495 = arith.index_cast %parallel_loop3A_177 : i32 to index
        %parallel_loop3A_496 = arith.constant 352 : index
        %parallel_loop3A_497 = tpu.vector_load %arg9[%parallel_loop3A_495, %parallel_loop3A_496] {strides = array<i32>} : memref<32x384xf32, #tpu.memory_space<vmem>>, vector<1x16xf32>,
        %parallel_loop3A_498 = vector.shape_cast %parallel_loop3A_497 : vector<1x16xf32> to vector<16xf32>
        %parallel_loop3A_499 = vector.shape_cast %parallel_loop3A_494 : vector<16xf32> to vector<1x16xf32>
        tpu.vector_store %arg9[%parallel_loop3A_495, %parallel_loop3A_496], %parallel_loop3A_499 {strides = array<i32>} : memref<32x384xf32, #tpu.memory_space<vmem>>, vector<1x16xf32>,
        %parallel_loop3A_500 = arith.index_cast %parallel_loop3A_177 : i32 to index
        %parallel_loop3A_501 = arith.constant 0 : index
        %parallel_loop3A_502 = tpu.vector_load %arg5[%parallel_loop3A_500, %parallel_loop3A_501] {strides = array<i32>} : memref<32x384xf32, #tpu.memory_space<vmem>>, vector<1x16xf32>,
        %parallel_loop3A_503 = vector.shape_cast %parallel_loop3A_502 : vector<1x16xf32> to vector<16xf32>
        %parallel_loop3A_504 = arith.constant 15 : i32
        %parallel_loop3A_505 = vector.broadcast %parallel_loop3A_504 : i32 to vector<16xi32>
        %parallel_loop3A_506 = tpu.iota {dimensions = array<i32: 0>} : vector<16xi32>
        %parallel_loop3A_507 = arith.subi %parallel_loop3A_505, %parallel_loop3A_506 : vector<16xi32>
        %parallel_loop3A_508 = tpu.dynamic_gather %parallel_loop3A_503[%parallel_loop3A_507] in [0] : vector<16xf32>, vector<16xi32> -> vector<16xf32>
        %parallel_loop3A_509 = arith.index_cast %parallel_loop3A_177 : i32 to index
        %parallel_loop3A_510 = arith.constant 368 : index
        %parallel_loop3A_511 = tpu.vector_load %arg9[%parallel_loop3A_509, %parallel_loop3A_510] {strides = array<i32>} : memref<32x384xf32, #tpu.memory_space<vmem>>, vector<1x16xf32>,
        %parallel_loop3A_512 = vector.shape_cast %parallel_loop3A_511 : vector<1x16xf32> to vector<16xf32>
        %parallel_loop3A_513 = vector.shape_cast %parallel_loop3A_508 : vector<16xf32> to vector<1x16xf32>
        tpu.vector_store %arg9[%parallel_loop3A_509, %parallel_loop3A_510], %parallel_loop3A_513 {strides = array<i32>} : memref<32x384xf32, #tpu.memory_space<vmem>>, vector<1x16xf32>,
      } {sc.loop_unroll_factor = 1 : i64, sc.parallel_access}
      %dma_start3A_104 = arith.constant 0 : i32
      %dma_start3A_105 = tpu.memref_slice %arg3[%add3A_91, %dma_start3A_104] : memref<200704x384xf32, #tpu.memory_space<hbm>> -> memref<32x384xf32, #tpu.memory_space<hbm>>
      %dma_start3A_106 = arith.constant 0 : i32
      %dma_start3A_107 = tpu.memref_slice %arg3[%add3A_91, %dma_start3A_106] : memref<200704x384xf32, #tpu.memory_space<hbm>> -> memref<32x384xf32, #tpu.memory_space<hbm>>
      tpu.enqueue_dma source(%arg9 : memref<32x384xf32, #tpu.memory_space<vmem>>) target(%dma_start3A_107 : memref<32x384xf32, #tpu.memory_space<hbm>>) target_semaphore(%arg17 : memref<!tpu.dma_semaphore, #tpu.memory_space<semaphore_mem>>)
      %add3A_108 = arith.constant 4 : i32
      %add3A_109 = arith.addi %add3A_85, %add3A_108 : i32
      %lt3A_110 = arith.constant 196 : i32
      %lt3A_111 = arith.cmpi slt, %add3A_109, %lt3A_110 : i32
      %convert_element_type3A_112 = arith.extui %lt3A_111 : i1 to i32
      %cond3A_113 = arith.constant 0 : i32
      %cond3A_114 = arith.cmpi ne, %convert_element_type3A_112, %cond3A_113 : i32
      scf.if %cond3A_114 {
        %add3A_177 = arith.constant 4 : i32
        %add3A_178 = arith.addi %add3A_85, %add3A_177 : i32
        %mul3A_179 = arith.constant 32 : i32
        %mul3A_180 = arith.muli %add3A_178, %mul3A_179 : i32
        %add3A_181 = arith.addi %mul3A_2, %mul3A_180 : i32
        %dma_start3A_182 = arith.constant 0 : i32
        %dma_start3A_183 = tpu.memref_slice %arg2[%add3A_181, %dma_start3A_182] : memref<200704x384xf32, #tpu.memory_space<hbm>> -> memref<32x384xf32, #tpu.memory_space<hbm>>
        %dma_start3A_184 = arith.constant 0 : i32
        %dma_start3A_185 = tpu.memref_slice %arg2[%add3A_181, %dma_start3A_184] : memref<200704x384xf32, #tpu.memory_space<hbm>> -> memref<32x384xf32, #tpu.memory_space<hbm>>
        tpu.enqueue_dma source(%dma_start3A_185 : memref<32x384xf32, #tpu.memory_space<hbm>>) target(%arg5 : memref<32x384xf32, #tpu.memory_space<vmem>>) target_semaphore(%arg13 : memref<!tpu.dma_semaphore, #tpu.memory_space<semaphore_mem>>)
      } else {
      }
      %add3A_115 = arith.constant 2 : i32
      %add3A_116 = arith.addi %add3A_57, %add3A_115 : i32
      %mul3A_117 = arith.constant 32 : i32
      %mul3A_118 = arith.muli %add3A_116, %mul3A_117 : i32
      %add3A_119 = arith.addi %mul3A_2, %mul3A_118 : i32
      %mul3A_120 = arith.constant 32 : i32
      %mul3A_121 = arith.muli %add3A_116, %mul3A_120 : i32
      %add3A_122 = arith.addi %mul3A_2, %mul3A_121 : i32
      %dma_wait3A_123 = arith.constant 0 : i32
      %dma_wait3A_124 = tpu.memref_slice %arg2[%add3A_119, %dma_wait3A_123] : memref<200704x384xf32, #tpu.memory_space<hbm>> -> memref<32x384xf32, #tpu.memory_space<hbm>>
      %dma_wait3A_125 = arith.constant 0 : i32
      %dma_wait3A_126 = tpu.memref_slice %arg2[%add3A_119, %dma_wait3A_125] : memref<200704x384xf32, #tpu.memory_space<hbm>> -> memref<32x384xf32, #tpu.memory_space<hbm>>
      tpu.wait_dma2 semaphore(%arg14 : memref<!tpu.dma_semaphore, #tpu.memory_space<semaphore_mem>>) src(%dma_wait3A_126 : memref<32x384xf32, #tpu.memory_space<hbm>>) dst(%arg6 : memref<32x384xf32, #tpu.memory_space<vmem>>)
      %ge3A_127 = arith.constant 4 : i32
      %ge3A_128 = arith.cmpi sge, %add3A_116, %ge3A_127 : i32
      %convert_element_type3A_129 = arith.extui %ge3A_128 : i1 to i32
      %cond3A_130 = arith.constant 0 : i32
      %cond3A_131 = arith.cmpi ne, %convert_element_type3A_129, %cond3A_130 : i32
      scf.if %cond3A_131 {
        %dma_wait3A_177 = arith.constant 0 : i32
        %dma_wait3A_178 = tpu.memref_slice %arg3[%add3A_122, %dma_wait3A_177] : memref<200704x384xf32, #tpu.memory_space<hbm>> -> memref<32x384xf32, #tpu.memory_space<hbm>>
        %dma_wait3A_179 = arith.constant 0 : i32
        %dma_wait3A_180 = tpu.memref_slice %arg3[%add3A_122, %dma_wait3A_179] : memref<200704x384xf32, #tpu.memory_space<hbm>> -> memref<32x384xf32, #tpu.memory_space<hbm>>
        tpu.wait_dma2 semaphore(%arg18 : memref<!tpu.dma_semaphore, #tpu.memory_space<semaphore_mem>>) src(%arg10 : memref<32x384xf32, #tpu.memory_space<vmem>>) dst(%dma_wait3A_180 : memref<32x384xf32, #tpu.memory_space<hbm>>)
      } else {
      }
      %parallel_loop3A_132 = arith.constant 0 : i32
      %parallel_loop3A_133 = arith.constant 32 : i32
      %parallel_loop3A_134 = arith.constant 1 : i32
      scf.for %parallel_loop3A_177 = %parallel_loop3A_132 to %parallel_loop3A_133 step %parallel_loop3A_134  : i32 {
        %parallel_loop3A_178 = arith.index_cast %parallel_loop3A_177 : i32 to index
        %parallel_loop3A_179 = arith.constant 368 : index
        %parallel_loop3A_180 = tpu.vector_load %arg6[%parallel_loop3A_178, %parallel_loop3A_179] {strides = array<i32>} : memref<32x384xf32, #tpu.memory_space<vmem>>, vector<1x16xf32>,
        %parallel_loop3A_181 = vector.shape_cast %parallel_loop3A_180 : vector<1x16xf32> to vector<16xf32>
        %parallel_loop3A_182 = arith.constant 15 : i32
        %parallel_loop3A_183 = vector.broadcast %parallel_loop3A_182 : i32 to vector<16xi32>
        %parallel_loop3A_184 = tpu.iota {dimensions = array<i32: 0>} : vector<16xi32>
        %parallel_loop3A_185 = arith.subi %parallel_loop3A_183, %parallel_loop3A_184 : vector<16xi32>
        %parallel_loop3A_186 = tpu.dynamic_gather %parallel_loop3A_181[%parallel_loop3A_185] in [0] : vector<16xf32>, vector<16xi32> -> vector<16xf32>
        %parallel_loop3A_187 = arith.index_cast %parallel_loop3A_177 : i32 to index
        %parallel_loop3A_188 = arith.constant 0 : index
        %parallel_loop3A_189 = tpu.vector_load %arg10[%parallel_loop3A_187, %parallel_loop3A_188] {strides = array<i32>} : memref<32x384xf32, #tpu.memory_space<vmem>>, vector<1x16xf32>,
        %parallel_loop3A_190 = vector.shape_cast %parallel_loop3A_189 : vector<1x16xf32> to vector<16xf32>
        %parallel_loop3A_191 = vector.shape_cast %parallel_loop3A_186 : vector<16xf32> to vector<1x16xf32>
        tpu.vector_store %arg10[%parallel_loop3A_187, %parallel_loop3A_188], %parallel_loop3A_191 {strides = array<i32>} : memref<32x384xf32, #tpu.memory_space<vmem>>, vector<1x16xf32>,
        %parallel_loop3A_192 = arith.index_cast %parallel_loop3A_177 : i32 to index
        %parallel_loop3A_193 = arith.constant 352 : index
        %parallel_loop3A_194 = tpu.vector_load %arg6[%parallel_loop3A_192, %parallel_loop3A_193] {strides = array<i32>} : memref<32x384xf32, #tpu.memory_space<vmem>>, vector<1x16xf32>,
        %parallel_loop3A_195 = vector.shape_cast %parallel_loop3A_194 : vector<1x16xf32> to vector<16xf32>
        %parallel_loop3A_196 = arith.constant 15 : i32
        %parallel_loop3A_197 = vector.broadcast %parallel_loop3A_196 : i32 to vector<16xi32>
        %parallel_loop3A_198 = tpu.iota {dimensions = array<i32: 0>} : vector<16xi32>
        %parallel_loop3A_199 = arith.subi %parallel_loop3A_197, %parallel_loop3A_198 : vector<16xi32>
        %parallel_loop3A_200 = tpu.dynamic_gather %parallel_loop3A_195[%parallel_loop3A_199] in [0] : vector<16xf32>, vector<16xi32> -> vector<16xf32>
        %parallel_loop3A_201 = arith.index_cast %parallel_loop3A_177 : i32 to index
        %parallel_loop3A_202 = arith.constant 16 : index
        %parallel_loop3A_203 = tpu.vector_load %arg10[%parallel_loop3A_201, %parallel_loop3A_202] {strides = array<i32>} : memref<32x384xf32, #tpu.memory_space<vmem>>, vector<1x16xf32>,
        %parallel_loop3A_204 = vector.shape_cast %parallel_loop3A_203 : vector<1x16xf32> to vector<16xf32>
        %parallel_loop3A_205 = vector.shape_cast %parallel_loop3A_200 : vector<16xf32> to vector<1x16xf32>
        tpu.vector_store %arg10[%parallel_loop3A_201, %parallel_loop3A_202], %parallel_loop3A_205 {strides = array<i32>} : memref<32x384xf32, #tpu.memory_space<vmem>>, vector<1x16xf32>,
        %parallel_loop3A_206 = arith.index_cast %parallel_loop3A_177 : i32 to index
        %parallel_loop3A_207 = arith.constant 336 : index
        %parallel_loop3A_208 = tpu.vector_load %arg6[%parallel_loop3A_206, %parallel_loop3A_207] {strides = array<i32>} : memref<32x384xf32, #tpu.memory_space<vmem>>, vector<1x16xf32>,
        %parallel_loop3A_209 = vector.shape_cast %parallel_loop3A_208 : vector<1x16xf32> to vector<16xf32>
        %parallel_loop3A_210 = arith.constant 15 : i32
        %parallel_loop3A_211 = vector.broadcast %parallel_loop3A_210 : i32 to vector<16xi32>
        %parallel_loop3A_212 = tpu.iota {dimensions = array<i32: 0>} : vector<16xi32>
        %parallel_loop3A_213 = arith.subi %parallel_loop3A_211, %parallel_loop3A_212 : vector<16xi32>
        %parallel_loop3A_214 = tpu.dynamic_gather %parallel_loop3A_209[%parallel_loop3A_213] in [0] : vector<16xf32>, vector<16xi32> -> vector<16xf32>
        %parallel_loop3A_215 = arith.index_cast %parallel_loop3A_177 : i32 to index
        %parallel_loop3A_216 = arith.constant 32 : index
        %parallel_loop3A_217 = tpu.vector_load %arg10[%parallel_loop3A_215, %parallel_loop3A_216] {strides = array<i32>} : memref<32x384xf32, #tpu.memory_space<vmem>>, vector<1x16xf32>,
        %parallel_loop3A_218 = vector.shape_cast %parallel_loop3A_217 : vector<1x16xf32> to vector<16xf32>
        %parallel_loop3A_219 = vector.shape_cast %parallel_loop3A_214 : vector<16xf32> to vector<1x16xf32>
        tpu.vector_store %arg10[%parallel_loop3A_215, %parallel_loop3A_216], %parallel_loop3A_219 {strides = array<i32>} : memref<32x384xf32, #tpu.memory_space<vmem>>, vector<1x16xf32>,
        %parallel_loop3A_220 = arith.index_cast %parallel_loop3A_177 : i32 to index
        %parallel_loop3A_221 = arith.constant 320 : index
        %parallel_loop3A_222 = tpu.vector_load %arg6[%parallel_loop3A_220, %parallel_loop3A_221] {strides = array<i32>} : memref<32x384xf32, #tpu.memory_space<vmem>>, vector<1x16xf32>,
        %parallel_loop3A_223 = vector.shape_cast %parallel_loop3A_222 : vector<1x16xf32> to vector<16xf32>
        %parallel_loop3A_224 = arith.constant 15 : i32
        %parallel_loop3A_225 = vector.broadcast %parallel_loop3A_224 : i32 to vector<16xi32>
        %parallel_loop3A_226 = tpu.iota {dimensions = array<i32: 0>} : vector<16xi32>
        %parallel_loop3A_227 = arith.subi %parallel_loop3A_225, %parallel_loop3A_226 : vector<16xi32>
        %parallel_loop3A_228 = tpu.dynamic_gather %parallel_loop3A_223[%parallel_loop3A_227] in [0] : vector<16xf32>, vector<16xi32> -> vector<16xf32>
        %parallel_loop3A_229 = arith.index_cast %parallel_loop3A_177 : i32 to index
        %parallel_loop3A_230 = arith.constant 48 : index
        %parallel_loop3A_231 = tpu.vector_load %arg10[%parallel_loop3A_229, %parallel_loop3A_230] {strides = array<i32>} : memref<32x384xf32, #tpu.memory_space<vmem>>, vector<1x16xf32>,
        %parallel_loop3A_232 = vector.shape_cast %parallel_loop3A_231 : vector<1x16xf32> to vector<16xf32>
        %parallel_loop3A_233 = vector.shape_cast %parallel_loop3A_228 : vector<16xf32> to vector<1x16xf32>
        tpu.vector_store %arg10[%parallel_loop3A_229, %parallel_loop3A_230], %parallel_loop3A_233 {strides = array<i32>} : memref<32x384xf32, #tpu.memory_space<vmem>>, vector<1x16xf32>,
        %parallel_loop3A_234 = arith.index_cast %parallel_loop3A_177 : i32 to index
        %parallel_loop3A_235 = arith.constant 304 : index
        %parallel_loop3A_236 = tpu.vector_load %arg6[%parallel_loop3A_234, %parallel_loop3A_235] {strides = array<i32>} : memref<32x384xf32, #tpu.memory_space<vmem>>, vector<1x16xf32>,
        %parallel_loop3A_237 = vector.shape_cast %parallel_loop3A_236 : vector<1x16xf32> to vector<16xf32>
        %parallel_loop3A_238 = arith.constant 15 : i32
        %parallel_loop3A_239 = vector.broadcast %parallel_loop3A_238 : i32 to vector<16xi32>
        %parallel_loop3A_240 = tpu.iota {dimensions = array<i32: 0>} : vector<16xi32>
        %parallel_loop3A_241 = arith.subi %parallel_loop3A_239, %parallel_loop3A_240 : vector<16xi32>
        %parallel_loop3A_242 = tpu.dynamic_gather %parallel_loop3A_237[%parallel_loop3A_241] in [0] : vector<16xf32>, vector<16xi32> -> vector<16xf32>
        %parallel_loop3A_243 = arith.index_cast %parallel_loop3A_177 : i32 to index
        %parallel_loop3A_244 = arith.constant 64 : index
        %parallel_loop3A_245 = tpu.vector_load %arg10[%parallel_loop3A_243, %parallel_loop3A_244] {strides = array<i32>} : memref<32x384xf32, #tpu.memory_space<vmem>>, vector<1x16xf32>,
        %parallel_loop3A_246 = vector.shape_cast %parallel_loop3A_245 : vector<1x16xf32> to vector<16xf32>
        %parallel_loop3A_247 = vector.shape_cast %parallel_loop3A_242 : vector<16xf32> to vector<1x16xf32>
        tpu.vector_store %arg10[%parallel_loop3A_243, %parallel_loop3A_244], %parallel_loop3A_247 {strides = array<i32>} : memref<32x384xf32, #tpu.memory_space<vmem>>, vector<1x16xf32>,
        %parallel_loop3A_248 = arith.index_cast %parallel_loop3A_177 : i32 to index
        %parallel_loop3A_249 = arith.constant 288 : index
        %parallel_loop3A_250 = tpu.vector_load %arg6[%parallel_loop3A_248, %parallel_loop3A_249] {strides = array<i32>} : memref<32x384xf32, #tpu.memory_space<vmem>>, vector<1x16xf32>,
        %parallel_loop3A_251 = vector.shape_cast %parallel_loop3A_250 : vector<1x16xf32> to vector<16xf32>
        %parallel_loop3A_252 = arith.constant 15 : i32
        %parallel_loop3A_253 = vector.broadcast %parallel_loop3A_252 : i32 to vector<16xi32>
        %parallel_loop3A_254 = tpu.iota {dimensions = array<i32: 0>} : vector<16xi32>
        %parallel_loop3A_255 = arith.subi %parallel_loop3A_253, %parallel_loop3A_254 : vector<16xi32>
        %parallel_loop3A_256 = tpu.dynamic_gather %parallel_loop3A_251[%parallel_loop3A_255] in [0] : vector<16xf32>, vector<16xi32> -> vector<16xf32>
        %parallel_loop3A_257 = arith.index_cast %parallel_loop3A_177 : i32 to index
        %parallel_loop3A_258 = arith.constant 80 : index
        %parallel_loop3A_259 = tpu.vector_load %arg10[%parallel_loop3A_257, %parallel_loop3A_258] {strides = array<i32>} : memref<32x384xf32, #tpu.memory_space<vmem>>, vector<1x16xf32>,
        %parallel_loop3A_260 = vector.shape_cast %parallel_loop3A_259 : vector<1x16xf32> to vector<16xf32>
        %parallel_loop3A_261 = vector.shape_cast %parallel_loop3A_256 : vector<16xf32> to vector<1x16xf32>
        tpu.vector_store %arg10[%parallel_loop3A_257, %parallel_loop3A_258], %parallel_loop3A_261 {strides = array<i32>} : memref<32x384xf32, #tpu.memory_space<vmem>>, vector<1x16xf32>,
        %parallel_loop3A_262 = arith.index_cast %parallel_loop3A_177 : i32 to index
        %parallel_loop3A_263 = arith.constant 272 : index
        %parallel_loop3A_264 = tpu.vector_load %arg6[%parallel_loop3A_262, %parallel_loop3A_263] {strides = array<i32>} : memref<32x384xf32, #tpu.memory_space<vmem>>, vector<1x16xf32>,
        %parallel_loop3A_265 = vector.shape_cast %parallel_loop3A_264 : vector<1x16xf32> to vector<16xf32>
        %parallel_loop3A_266 = arith.constant 15 : i32
        %parallel_loop3A_267 = vector.broadcast %parallel_loop3A_266 : i32 to vector<16xi32>
        %parallel_loop3A_268 = tpu.iota {dimensions = array<i32: 0>} : vector<16xi32>
        %parallel_loop3A_269 = arith.subi %parallel_loop3A_267, %parallel_loop3A_268 : vector<16xi32>
        %parallel_loop3A_270 = tpu.dynamic_gather %parallel_loop3A_265[%parallel_loop3A_269] in [0] : vector<16xf32>, vector<16xi32> -> vector<16xf32>
        %parallel_loop3A_271 = arith.index_cast %parallel_loop3A_177 : i32 to index
        %parallel_loop3A_272 = arith.constant 96 : index
        %parallel_loop3A_273 = tpu.vector_load %arg10[%parallel_loop3A_271, %parallel_loop3A_272] {strides = array<i32>} : memref<32x384xf32, #tpu.memory_space<vmem>>, vector<1x16xf32>,
        %parallel_loop3A_274 = vector.shape_cast %parallel_loop3A_273 : vector<1x16xf32> to vector<16xf32>
        %parallel_loop3A_275 = vector.shape_cast %parallel_loop3A_270 : vector<16xf32> to vector<1x16xf32>
        tpu.vector_store %arg10[%parallel_loop3A_271, %parallel_loop3A_272], %parallel_loop3A_275 {strides = array<i32>} : memref<32x384xf32, #tpu.memory_space<vmem>>, vector<1x16xf32>,
        %parallel_loop3A_276 = arith.index_cast %parallel_loop3A_177 : i32 to index
        %parallel_loop3A_277 = arith.constant 256 : index
        %parallel_loop3A_278 = tpu.vector_load %arg6[%parallel_loop3A_276, %parallel_loop3A_277] {strides = array<i32>} : memref<32x384xf32, #tpu.memory_space<vmem>>, vector<1x16xf32>,
        %parallel_loop3A_279 = vector.shape_cast %parallel_loop3A_278 : vector<1x16xf32> to vector<16xf32>
        %parallel_loop3A_280 = arith.constant 15 : i32
        %parallel_loop3A_281 = vector.broadcast %parallel_loop3A_280 : i32 to vector<16xi32>
        %parallel_loop3A_282 = tpu.iota {dimensions = array<i32: 0>} : vector<16xi32>
        %parallel_loop3A_283 = arith.subi %parallel_loop3A_281, %parallel_loop3A_282 : vector<16xi32>
        %parallel_loop3A_284 = tpu.dynamic_gather %parallel_loop3A_279[%parallel_loop3A_283] in [0] : vector<16xf32>, vector<16xi32> -> vector<16xf32>
        %parallel_loop3A_285 = arith.index_cast %parallel_loop3A_177 : i32 to index
        %parallel_loop3A_286 = arith.constant 112 : index
        %parallel_loop3A_287 = tpu.vector_load %arg10[%parallel_loop3A_285, %parallel_loop3A_286] {strides = array<i32>} : memref<32x384xf32, #tpu.memory_space<vmem>>, vector<1x16xf32>,
        %parallel_loop3A_288 = vector.shape_cast %parallel_loop3A_287 : vector<1x16xf32> to vector<16xf32>
        %parallel_loop3A_289 = vector.shape_cast %parallel_loop3A_284 : vector<16xf32> to vector<1x16xf32>
        tpu.vector_store %arg10[%parallel_loop3A_285, %parallel_loop3A_286], %parallel_loop3A_289 {strides = array<i32>} : memref<32x384xf32, #tpu.memory_space<vmem>>, vector<1x16xf32>,
        %parallel_loop3A_290 = arith.index_cast %parallel_loop3A_177 : i32 to index
        %parallel_loop3A_291 = arith.constant 240 : index
        %parallel_loop3A_292 = tpu.vector_load %arg6[%parallel_loop3A_290, %parallel_loop3A_291] {strides = array<i32>} : memref<32x384xf32, #tpu.memory_space<vmem>>, vector<1x16xf32>,
        %parallel_loop3A_293 = vector.shape_cast %parallel_loop3A_292 : vector<1x16xf32> to vector<16xf32>
        %parallel_loop3A_294 = arith.constant 15 : i32
        %parallel_loop3A_295 = vector.broadcast %parallel_loop3A_294 : i32 to vector<16xi32>
        %parallel_loop3A_296 = tpu.iota {dimensions = array<i32: 0>} : vector<16xi32>
        %parallel_loop3A_297 = arith.subi %parallel_loop3A_295, %parallel_loop3A_296 : vector<16xi32>
        %parallel_loop3A_298 = tpu.dynamic_gather %parallel_loop3A_293[%parallel_loop3A_297] in [0] : vector<16xf32>, vector<16xi32> -> vector<16xf32>
        %parallel_loop3A_299 = arith.index_cast %parallel_loop3A_177 : i32 to index
        %parallel_loop3A_300 = arith.constant 128 : index
        %parallel_loop3A_301 = tpu.vector_load %arg10[%parallel_loop3A_299, %parallel_loop3A_300] {strides = array<i32>} : memref<32x384xf32, #tpu.memory_space<vmem>>, vector<1x16xf32>,
        %parallel_loop3A_302 = vector.shape_cast %parallel_loop3A_301 : vector<1x16xf32> to vector<16xf32>
        %parallel_loop3A_303 = vector.shape_cast %parallel_loop3A_298 : vector<16xf32> to vector<1x16xf32>
        tpu.vector_store %arg10[%parallel_loop3A_299, %parallel_loop3A_300], %parallel_loop3A_303 {strides = array<i32>} : memref<32x384xf32, #tpu.memory_space<vmem>>, vector<1x16xf32>,
        %parallel_loop3A_304 = arith.index_cast %parallel_loop3A_177 : i32 to index
        %parallel_loop3A_305 = arith.constant 224 : index
        %parallel_loop3A_306 = tpu.vector_load %arg6[%parallel_loop3A_304, %parallel_loop3A_305] {strides = array<i32>} : memref<32x384xf32, #tpu.memory_space<vmem>>, vector<1x16xf32>,
        %parallel_loop3A_307 = vector.shape_cast %parallel_loop3A_306 : vector<1x16xf32> to vector<16xf32>
        %parallel_loop3A_308 = arith.constant 15 : i32
        %parallel_loop3A_309 = vector.broadcast %parallel_loop3A_308 : i32 to vector<16xi32>
        %parallel_loop3A_310 = tpu.iota {dimensions = array<i32: 0>} : vector<16xi32>
        %parallel_loop3A_311 = arith.subi %parallel_loop3A_309, %parallel_loop3A_310 : vector<16xi32>
        %parallel_loop3A_312 = tpu.dynamic_gather %parallel_loop3A_307[%parallel_loop3A_311] in [0] : vector<16xf32>, vector<16xi32> -> vector<16xf32>
        %parallel_loop3A_313 = arith.index_cast %parallel_loop3A_177 : i32 to index
        %parallel_loop3A_314 = arith.constant 144 : index
        %parallel_loop3A_315 = tpu.vector_load %arg10[%parallel_loop3A_313, %parallel_loop3A_314] {strides = array<i32>} : memref<32x384xf32, #tpu.memory_space<vmem>>, vector<1x16xf32>,
        %parallel_loop3A_316 = vector.shape_cast %parallel_loop3A_315 : vector<1x16xf32> to vector<16xf32>
        %parallel_loop3A_317 = vector.shape_cast %parallel_loop3A_312 : vector<16xf32> to vector<1x16xf32>
        tpu.vector_store %arg10[%parallel_loop3A_313, %parallel_loop3A_314], %parallel_loop3A_317 {strides = array<i32>} : memref<32x384xf32, #tpu.memory_space<vmem>>, vector<1x16xf32>,
        %parallel_loop3A_318 = arith.index_cast %parallel_loop3A_177 : i32 to index
        %parallel_loop3A_319 = arith.constant 208 : index
        %parallel_loop3A_320 = tpu.vector_load %arg6[%parallel_loop3A_318, %parallel_loop3A_319] {strides = array<i32>} : memref<32x384xf32, #tpu.memory_space<vmem>>, vector<1x16xf32>,
        %parallel_loop3A_321 = vector.shape_cast %parallel_loop3A_320 : vector<1x16xf32> to vector<16xf32>
        %parallel_loop3A_322 = arith.constant 15 : i32
        %parallel_loop3A_323 = vector.broadcast %parallel_loop3A_322 : i32 to vector<16xi32>
        %parallel_loop3A_324 = tpu.iota {dimensions = array<i32: 0>} : vector<16xi32>
        %parallel_loop3A_325 = arith.subi %parallel_loop3A_323, %parallel_loop3A_324 : vector<16xi32>
        %parallel_loop3A_326 = tpu.dynamic_gather %parallel_loop3A_321[%parallel_loop3A_325] in [0] : vector<16xf32>, vector<16xi32> -> vector<16xf32>
        %parallel_loop3A_327 = arith.index_cast %parallel_loop3A_177 : i32 to index
        %parallel_loop3A_328 = arith.constant 160 : index
        %parallel_loop3A_329 = tpu.vector_load %arg10[%parallel_loop3A_327, %parallel_loop3A_328] {strides = array<i32>} : memref<32x384xf32, #tpu.memory_space<vmem>>, vector<1x16xf32>,
        %parallel_loop3A_330 = vector.shape_cast %parallel_loop3A_329 : vector<1x16xf32> to vector<16xf32>
        %parallel_loop3A_331 = vector.shape_cast %parallel_loop3A_326 : vector<16xf32> to vector<1x16xf32>
        tpu.vector_store %arg10[%parallel_loop3A_327, %parallel_loop3A_328], %parallel_loop3A_331 {strides = array<i32>} : memref<32x384xf32, #tpu.memory_space<vmem>>, vector<1x16xf32>,
        %parallel_loop3A_332 = arith.index_cast %parallel_loop3A_177 : i32 to index
        %parallel_loop3A_333 = arith.constant 192 : index
        %parallel_loop3A_334 = tpu.vector_load %arg6[%parallel_loop3A_332, %parallel_loop3A_333] {strides = array<i32>} : memref<32x384xf32, #tpu.memory_space<vmem>>, vector<1x16xf32>,
        %parallel_loop3A_335 = vector.shape_cast %parallel_loop3A_334 : vector<1x16xf32> to vector<16xf32>
        %parallel_loop3A_336 = arith.constant 15 : i32
        %parallel_loop3A_337 = vector.broadcast %parallel_loop3A_336 : i32 to vector<16xi32>
        %parallel_loop3A_338 = tpu.iota {dimensions = array<i32: 0>} : vector<16xi32>
        %parallel_loop3A_339 = arith.subi %parallel_loop3A_337, %parallel_loop3A_338 : vector<16xi32>
        %parallel_loop3A_340 = tpu.dynamic_gather %parallel_loop3A_335[%parallel_loop3A_339] in [0] : vector<16xf32>, vector<16xi32> -> vector<16xf32>
        %parallel_loop3A_341 = arith.index_cast %parallel_loop3A_177 : i32 to index
        %parallel_loop3A_342 = arith.constant 176 : index
        %parallel_loop3A_343 = tpu.vector_load %arg10[%parallel_loop3A_341, %parallel_loop3A_342] {strides = array<i32>} : memref<32x384xf32, #tpu.memory_space<vmem>>, vector<1x16xf32>,
        %parallel_loop3A_344 = vector.shape_cast %parallel_loop3A_343 : vector<1x16xf32> to vector<16xf32>
        %parallel_loop3A_345 = vector.shape_cast %parallel_loop3A_340 : vector<16xf32> to vector<1x16xf32>
        tpu.vector_store %arg10[%parallel_loop3A_341, %parallel_loop3A_342], %parallel_loop3A_345 {strides = array<i32>} : memref<32x384xf32, #tpu.memory_space<vmem>>, vector<1x16xf32>,
        %parallel_loop3A_346 = arith.index_cast %parallel_loop3A_177 : i32 to index
        %parallel_loop3A_347 = arith.constant 176 : index
        %parallel_loop3A_348 = tpu.vector_load %arg6[%parallel_loop3A_346, %parallel_loop3A_347] {strides = array<i32>} : memref<32x384xf32, #tpu.memory_space<vmem>>, vector<1x16xf32>,
        %parallel_loop3A_349 = vector.shape_cast %parallel_loop3A_348 : vector<1x16xf32> to vector<16xf32>
        %parallel_loop3A_350 = arith.constant 15 : i32
        %parallel_loop3A_351 = vector.broadcast %parallel_loop3A_350 : i32 to vector<16xi32>
        %parallel_loop3A_352 = tpu.iota {dimensions = array<i32: 0>} : vector<16xi32>
        %parallel_loop3A_353 = arith.subi %parallel_loop3A_351, %parallel_loop3A_352 : vector<16xi32>
        %parallel_loop3A_354 = tpu.dynamic_gather %parallel_loop3A_349[%parallel_loop3A_353] in [0] : vector<16xf32>, vector<16xi32> -> vector<16xf32>
        %parallel_loop3A_355 = arith.index_cast %parallel_loop3A_177 : i32 to index
        %parallel_loop3A_356 = arith.constant 192 : index
        %parallel_loop3A_357 = tpu.vector_load %arg10[%parallel_loop3A_355, %parallel_loop3A_356] {strides = array<i32>} : memref<32x384xf32, #tpu.memory_space<vmem>>, vector<1x16xf32>,
        %parallel_loop3A_358 = vector.shape_cast %parallel_loop3A_357 : vector<1x16xf32> to vector<16xf32>
        %parallel_loop3A_359 = vector.shape_cast %parallel_loop3A_354 : vector<16xf32> to vector<1x16xf32>
        tpu.vector_store %arg10[%parallel_loop3A_355, %parallel_loop3A_356], %parallel_loop3A_359 {strides = array<i32>} : memref<32x384xf32, #tpu.memory_space<vmem>>, vector<1x16xf32>,
        %parallel_loop3A_360 = arith.index_cast %parallel_loop3A_177 : i32 to index
        %parallel_loop3A_361 = arith.constant 160 : index
        %parallel_loop3A_362 = tpu.vector_load %arg6[%parallel_loop3A_360, %parallel_loop3A_361] {strides = array<i32>} : memref<32x384xf32, #tpu.memory_space<vmem>>, vector<1x16xf32>,
        %parallel_loop3A_363 = vector.shape_cast %parallel_loop3A_362 : vector<1x16xf32> to vector<16xf32>
        %parallel_loop3A_364 = arith.constant 15 : i32
        %parallel_loop3A_365 = vector.broadcast %parallel_loop3A_364 : i32 to vector<16xi32>
        %parallel_loop3A_366 = tpu.iota {dimensions = array<i32: 0>} : vector<16xi32>
        %parallel_loop3A_367 = arith.subi %parallel_loop3A_365, %parallel_loop3A_366 : vector<16xi32>
        %parallel_loop3A_368 = tpu.dynamic_gather %parallel_loop3A_363[%parallel_loop3A_367] in [0] : vector<16xf32>, vector<16xi32> -> vector<16xf32>
        %parallel_loop3A_369 = arith.index_cast %parallel_loop3A_177 : i32 to index
        %parallel_loop3A_370 = arith.constant 208 : index
        %parallel_loop3A_371 = tpu.vector_load %arg10[%parallel_loop3A_369, %parallel_loop3A_370] {strides = array<i32>} : memref<32x384xf32, #tpu.memory_space<vmem>>, vector<1x16xf32>,
        %parallel_loop3A_372 = vector.shape_cast %parallel_loop3A_371 : vector<1x16xf32> to vector<16xf32>
        %parallel_loop3A_373 = vector.shape_cast %parallel_loop3A_368 : vector<16xf32> to vector<1x16xf32>
        tpu.vector_store %arg10[%parallel_loop3A_369, %parallel_loop3A_370], %parallel_loop3A_373 {strides = array<i32>} : memref<32x384xf32, #tpu.memory_space<vmem>>, vector<1x16xf32>,
        %parallel_loop3A_374 = arith.index_cast %parallel_loop3A_177 : i32 to index
        %parallel_loop3A_375 = arith.constant 144 : index
        %parallel_loop3A_376 = tpu.vector_load %arg6[%parallel_loop3A_374, %parallel_loop3A_375] {strides = array<i32>} : memref<32x384xf32, #tpu.memory_space<vmem>>, vector<1x16xf32>,
        %parallel_loop3A_377 = vector.shape_cast %parallel_loop3A_376 : vector<1x16xf32> to vector<16xf32>
        %parallel_loop3A_378 = arith.constant 15 : i32
        %parallel_loop3A_379 = vector.broadcast %parallel_loop3A_378 : i32 to vector<16xi32>
        %parallel_loop3A_380 = tpu.iota {dimensions = array<i32: 0>} : vector<16xi32>
        %parallel_loop3A_381 = arith.subi %parallel_loop3A_379, %parallel_loop3A_380 : vector<16xi32>
        %parallel_loop3A_382 = tpu.dynamic_gather %parallel_loop3A_377[%parallel_loop3A_381] in [0] : vector<16xf32>, vector<16xi32> -> vector<16xf32>
        %parallel_loop3A_383 = arith.index_cast %parallel_loop3A_177 : i32 to index
        %parallel_loop3A_384 = arith.constant 224 : index
        %parallel_loop3A_385 = tpu.vector_load %arg10[%parallel_loop3A_383, %parallel_loop3A_384] {strides = array<i32>} : memref<32x384xf32, #tpu.memory_space<vmem>>, vector<1x16xf32>,
        %parallel_loop3A_386 = vector.shape_cast %parallel_loop3A_385 : vector<1x16xf32> to vector<16xf32>
        %parallel_loop3A_387 = vector.shape_cast %parallel_loop3A_382 : vector<16xf32> to vector<1x16xf32>
        tpu.vector_store %arg10[%parallel_loop3A_383, %parallel_loop3A_384], %parallel_loop3A_387 {strides = array<i32>} : memref<32x384xf32, #tpu.memory_space<vmem>>, vector<1x16xf32>,
        %parallel_loop3A_388 = arith.index_cast %parallel_loop3A_177 : i32 to index
        %parallel_loop3A_389 = arith.constant 128 : index
        %parallel_loop3A_390 = tpu.vector_load %arg6[%parallel_loop3A_388, %parallel_loop3A_389] {strides = array<i32>} : memref<32x384xf32, #tpu.memory_space<vmem>>, vector<1x16xf32>,
        %parallel_loop3A_391 = vector.shape_cast %parallel_loop3A_390 : vector<1x16xf32> to vector<16xf32>
        %parallel_loop3A_392 = arith.constant 15 : i32
        %parallel_loop3A_393 = vector.broadcast %parallel_loop3A_392 : i32 to vector<16xi32>
        %parallel_loop3A_394 = tpu.iota {dimensions = array<i32: 0>} : vector<16xi32>
        %parallel_loop3A_395 = arith.subi %parallel_loop3A_393, %parallel_loop3A_394 : vector<16xi32>
        %parallel_loop3A_396 = tpu.dynamic_gather %parallel_loop3A_391[%parallel_loop3A_395] in [0] : vector<16xf32>, vector<16xi32> -> vector<16xf32>
        %parallel_loop3A_397 = arith.index_cast %parallel_loop3A_177 : i32 to index
        %parallel_loop3A_398 = arith.constant 240 : index
        %parallel_loop3A_399 = tpu.vector_load %arg10[%parallel_loop3A_397, %parallel_loop3A_398] {strides = array<i32>} : memref<32x384xf32, #tpu.memory_space<vmem>>, vector<1x16xf32>,
        %parallel_loop3A_400 = vector.shape_cast %parallel_loop3A_399 : vector<1x16xf32> to vector<16xf32>
        %parallel_loop3A_401 = vector.shape_cast %parallel_loop3A_396 : vector<16xf32> to vector<1x16xf32>
        tpu.vector_store %arg10[%parallel_loop3A_397, %parallel_loop3A_398], %parallel_loop3A_401 {strides = array<i32>} : memref<32x384xf32, #tpu.memory_space<vmem>>, vector<1x16xf32>,
        %parallel_loop3A_402 = arith.index_cast %parallel_loop3A_177 : i32 to index
        %parallel_loop3A_403 = arith.constant 112 : index
        %parallel_loop3A_404 = tpu.vector_load %arg6[%parallel_loop3A_402, %parallel_loop3A_403] {strides = array<i32>} : memref<32x384xf32, #tpu.memory_space<vmem>>, vector<1x16xf32>,
        %parallel_loop3A_405 = vector.shape_cast %parallel_loop3A_404 : vector<1x16xf32> to vector<16xf32>
        %parallel_loop3A_406 = arith.constant 15 : i32
        %parallel_loop3A_407 = vector.broadcast %parallel_loop3A_406 : i32 to vector<16xi32>
        %parallel_loop3A_408 = tpu.iota {dimensions = array<i32: 0>} : vector<16xi32>
        %parallel_loop3A_409 = arith.subi %parallel_loop3A_407, %parallel_loop3A_408 : vector<16xi32>
        %parallel_loop3A_410 = tpu.dynamic_gather %parallel_loop3A_405[%parallel_loop3A_409] in [0] : vector<16xf32>, vector<16xi32> -> vector<16xf32>
        %parallel_loop3A_411 = arith.index_cast %parallel_loop3A_177 : i32 to index
        %parallel_loop3A_412 = arith.constant 256 : index
        %parallel_loop3A_413 = tpu.vector_load %arg10[%parallel_loop3A_411, %parallel_loop3A_412] {strides = array<i32>} : memref<32x384xf32, #tpu.memory_space<vmem>>, vector<1x16xf32>,
        %parallel_loop3A_414 = vector.shape_cast %parallel_loop3A_413 : vector<1x16xf32> to vector<16xf32>
        %parallel_loop3A_415 = vector.shape_cast %parallel_loop3A_410 : vector<16xf32> to vector<1x16xf32>
        tpu.vector_store %arg10[%parallel_loop3A_411, %parallel_loop3A_412], %parallel_loop3A_415 {strides = array<i32>} : memref<32x384xf32, #tpu.memory_space<vmem>>, vector<1x16xf32>,
        %parallel_loop3A_416 = arith.index_cast %parallel_loop3A_177 : i32 to index
        %parallel_loop3A_417 = arith.constant 96 : index
        %parallel_loop3A_418 = tpu.vector_load %arg6[%parallel_loop3A_416, %parallel_loop3A_417] {strides = array<i32>} : memref<32x384xf32, #tpu.memory_space<vmem>>, vector<1x16xf32>,
        %parallel_loop3A_419 = vector.shape_cast %parallel_loop3A_418 : vector<1x16xf32> to vector<16xf32>
        %parallel_loop3A_420 = arith.constant 15 : i32
        %parallel_loop3A_421 = vector.broadcast %parallel_loop3A_420 : i32 to vector<16xi32>
        %parallel_loop3A_422 = tpu.iota {dimensions = array<i32: 0>} : vector<16xi32>
        %parallel_loop3A_423 = arith.subi %parallel_loop3A_421, %parallel_loop3A_422 : vector<16xi32>
        %parallel_loop3A_424 = tpu.dynamic_gather %parallel_loop3A_419[%parallel_loop3A_423] in [0] : vector<16xf32>, vector<16xi32> -> vector<16xf32>
        %parallel_loop3A_425 = arith.index_cast %parallel_loop3A_177 : i32 to index
        %parallel_loop3A_426 = arith.constant 272 : index
        %parallel_loop3A_427 = tpu.vector_load %arg10[%parallel_loop3A_425, %parallel_loop3A_426] {strides = array<i32>} : memref<32x384xf32, #tpu.memory_space<vmem>>, vector<1x16xf32>,
        %parallel_loop3A_428 = vector.shape_cast %parallel_loop3A_427 : vector<1x16xf32> to vector<16xf32>
        %parallel_loop3A_429 = vector.shape_cast %parallel_loop3A_424 : vector<16xf32> to vector<1x16xf32>
        tpu.vector_store %arg10[%parallel_loop3A_425, %parallel_loop3A_426], %parallel_loop3A_429 {strides = array<i32>} : memref<32x384xf32, #tpu.memory_space<vmem>>, vector<1x16xf32>,
        %parallel_loop3A_430 = arith.index_cast %parallel_loop3A_177 : i32 to index
        %parallel_loop3A_431 = arith.constant 80 : index
        %parallel_loop3A_432 = tpu.vector_load %arg6[%parallel_loop3A_430, %parallel_loop3A_431] {strides = array<i32>} : memref<32x384xf32, #tpu.memory_space<vmem>>, vector<1x16xf32>,
        %parallel_loop3A_433 = vector.shape_cast %parallel_loop3A_432 : vector<1x16xf32> to vector<16xf32>
        %parallel_loop3A_434 = arith.constant 15 : i32
        %parallel_loop3A_435 = vector.broadcast %parallel_loop3A_434 : i32 to vector<16xi32>
        %parallel_loop3A_436 = tpu.iota {dimensions = array<i32: 0>} : vector<16xi32>
        %parallel_loop3A_437 = arith.subi %parallel_loop3A_435, %parallel_loop3A_436 : vector<16xi32>
        %parallel_loop3A_438 = tpu.dynamic_gather %parallel_loop3A_433[%parallel_loop3A_437] in [0] : vector<16xf32>, vector<16xi32> -> vector<16xf32>
        %parallel_loop3A_439 = arith.index_cast %parallel_loop3A_177 : i32 to index
        %parallel_loop3A_440 = arith.constant 288 : index
        %parallel_loop3A_441 = tpu.vector_load %arg10[%parallel_loop3A_439, %parallel_loop3A_440] {strides = array<i32>} : memref<32x384xf32, #tpu.memory_space<vmem>>, vector<1x16xf32>,
        %parallel_loop3A_442 = vector.shape_cast %parallel_loop3A_441 : vector<1x16xf32> to vector<16xf32>
        %parallel_loop3A_443 = vector.shape_cast %parallel_loop3A_438 : vector<16xf32> to vector<1x16xf32>
        tpu.vector_store %arg10[%parallel_loop3A_439, %parallel_loop3A_440], %parallel_loop3A_443 {strides = array<i32>} : memref<32x384xf32, #tpu.memory_space<vmem>>, vector<1x16xf32>,
        %parallel_loop3A_444 = arith.index_cast %parallel_loop3A_177 : i32 to index
        %parallel_loop3A_445 = arith.constant 64 : index
        %parallel_loop3A_446 = tpu.vector_load %arg6[%parallel_loop3A_444, %parallel_loop3A_445] {strides = array<i32>} : memref<32x384xf32, #tpu.memory_space<vmem>>, vector<1x16xf32>,
        %parallel_loop3A_447 = vector.shape_cast %parallel_loop3A_446 : vector<1x16xf32> to vector<16xf32>
        %parallel_loop3A_448 = arith.constant 15 : i32
        %parallel_loop3A_449 = vector.broadcast %parallel_loop3A_448 : i32 to vector<16xi32>
        %parallel_loop3A_450 = tpu.iota {dimensions = array<i32: 0>} : vector<16xi32>
        %parallel_loop3A_451 = arith.subi %parallel_loop3A_449, %parallel_loop3A_450 : vector<16xi32>
        %parallel_loop3A_452 = tpu.dynamic_gather %parallel_loop3A_447[%parallel_loop3A_451] in [0] : vector<16xf32>, vector<16xi32> -> vector<16xf32>
        %parallel_loop3A_453 = arith.index_cast %parallel_loop3A_177 : i32 to index
        %parallel_loop3A_454 = arith.constant 304 : index
        %parallel_loop3A_455 = tpu.vector_load %arg10[%parallel_loop3A_453, %parallel_loop3A_454] {strides = array<i32>} : memref<32x384xf32, #tpu.memory_space<vmem>>, vector<1x16xf32>,
        %parallel_loop3A_456 = vector.shape_cast %parallel_loop3A_455 : vector<1x16xf32> to vector<16xf32>
        %parallel_loop3A_457 = vector.shape_cast %parallel_loop3A_452 : vector<16xf32> to vector<1x16xf32>
        tpu.vector_store %arg10[%parallel_loop3A_453, %parallel_loop3A_454], %parallel_loop3A_457 {strides = array<i32>} : memref<32x384xf32, #tpu.memory_space<vmem>>, vector<1x16xf32>,
        %parallel_loop3A_458 = arith.index_cast %parallel_loop3A_177 : i32 to index
        %parallel_loop3A_459 = arith.constant 48 : index
        %parallel_loop3A_460 = tpu.vector_load %arg6[%parallel_loop3A_458, %parallel_loop3A_459] {strides = array<i32>} : memref<32x384xf32, #tpu.memory_space<vmem>>, vector<1x16xf32>,
        %parallel_loop3A_461 = vector.shape_cast %parallel_loop3A_460 : vector<1x16xf32> to vector<16xf32>
        %parallel_loop3A_462 = arith.constant 15 : i32
        %parallel_loop3A_463 = vector.broadcast %parallel_loop3A_462 : i32 to vector<16xi32>
        %parallel_loop3A_464 = tpu.iota {dimensions = array<i32: 0>} : vector<16xi32>
        %parallel_loop3A_465 = arith.subi %parallel_loop3A_463, %parallel_loop3A_464 : vector<16xi32>
        %parallel_loop3A_466 = tpu.dynamic_gather %parallel_loop3A_461[%parallel_loop3A_465] in [0] : vector<16xf32>, vector<16xi32> -> vector<16xf32>
        %parallel_loop3A_467 = arith.index_cast %parallel_loop3A_177 : i32 to index
        %parallel_loop3A_468 = arith.constant 320 : index
        %parallel_loop3A_469 = tpu.vector_load %arg10[%parallel_loop3A_467, %parallel_loop3A_468] {strides = array<i32>} : memref<32x384xf32, #tpu.memory_space<vmem>>, vector<1x16xf32>,
        %parallel_loop3A_470 = vector.shape_cast %parallel_loop3A_469 : vector<1x16xf32> to vector<16xf32>
        %parallel_loop3A_471 = vector.shape_cast %parallel_loop3A_466 : vector<16xf32> to vector<1x16xf32>
        tpu.vector_store %arg10[%parallel_loop3A_467, %parallel_loop3A_468], %parallel_loop3A_471 {strides = array<i32>} : memref<32x384xf32, #tpu.memory_space<vmem>>, vector<1x16xf32>,
        %parallel_loop3A_472 = arith.index_cast %parallel_loop3A_177 : i32 to index
        %parallel_loop3A_473 = arith.constant 32 : index
        %parallel_loop3A_474 = tpu.vector_load %arg6[%parallel_loop3A_472, %parallel_loop3A_473] {strides = array<i32>} : memref<32x384xf32, #tpu.memory_space<vmem>>, vector<1x16xf32>,
        %parallel_loop3A_475 = vector.shape_cast %parallel_loop3A_474 : vector<1x16xf32> to vector<16xf32>
        %parallel_loop3A_476 = arith.constant 15 : i32
        %parallel_loop3A_477 = vector.broadcast %parallel_loop3A_476 : i32 to vector<16xi32>
        %parallel_loop3A_478 = tpu.iota {dimensions = array<i32: 0>} : vector<16xi32>
        %parallel_loop3A_479 = arith.subi %parallel_loop3A_477, %parallel_loop3A_478 : vector<16xi32>
        %parallel_loop3A_480 = tpu.dynamic_gather %parallel_loop3A_475[%parallel_loop3A_479] in [0] : vector<16xf32>, vector<16xi32> -> vector<16xf32>
        %parallel_loop3A_481 = arith.index_cast %parallel_loop3A_177 : i32 to index
        %parallel_loop3A_482 = arith.constant 336 : index
        %parallel_loop3A_483 = tpu.vector_load %arg10[%parallel_loop3A_481, %parallel_loop3A_482] {strides = array<i32>} : memref<32x384xf32, #tpu.memory_space<vmem>>, vector<1x16xf32>,
        %parallel_loop3A_484 = vector.shape_cast %parallel_loop3A_483 : vector<1x16xf32> to vector<16xf32>
        %parallel_loop3A_485 = vector.shape_cast %parallel_loop3A_480 : vector<16xf32> to vector<1x16xf32>
        tpu.vector_store %arg10[%parallel_loop3A_481, %parallel_loop3A_482], %parallel_loop3A_485 {strides = array<i32>} : memref<32x384xf32, #tpu.memory_space<vmem>>, vector<1x16xf32>,
        %parallel_loop3A_486 = arith.index_cast %parallel_loop3A_177 : i32 to index
        %parallel_loop3A_487 = arith.constant 16 : index
        %parallel_loop3A_488 = tpu.vector_load %arg6[%parallel_loop3A_486, %parallel_loop3A_487] {strides = array<i32>} : memref<32x384xf32, #tpu.memory_space<vmem>>, vector<1x16xf32>,
        %parallel_loop3A_489 = vector.shape_cast %parallel_loop3A_488 : vector<1x16xf32> to vector<16xf32>
        %parallel_loop3A_490 = arith.constant 15 : i32
        %parallel_loop3A_491 = vector.broadcast %parallel_loop3A_490 : i32 to vector<16xi32>
        %parallel_loop3A_492 = tpu.iota {dimensions = array<i32: 0>} : vector<16xi32>
        %parallel_loop3A_493 = arith.subi %parallel_loop3A_491, %parallel_loop3A_492 : vector<16xi32>
        %parallel_loop3A_494 = tpu.dynamic_gather %parallel_loop3A_489[%parallel_loop3A_493] in [0] : vector<16xf32>, vector<16xi32> -> vector<16xf32>
        %parallel_loop3A_495 = arith.index_cast %parallel_loop3A_177 : i32 to index
        %parallel_loop3A_496 = arith.constant 352 : index
        %parallel_loop3A_497 = tpu.vector_load %arg10[%parallel_loop3A_495, %parallel_loop3A_496] {strides = array<i32>} : memref<32x384xf32, #tpu.memory_space<vmem>>, vector<1x16xf32>,
        %parallel_loop3A_498 = vector.shape_cast %parallel_loop3A_497 : vector<1x16xf32> to vector<16xf32>
        %parallel_loop3A_499 = vector.shape_cast %parallel_loop3A_494 : vector<16xf32> to vector<1x16xf32>
        tpu.vector_store %arg10[%parallel_loop3A_495, %parallel_loop3A_496], %parallel_loop3A_499 {strides = array<i32>} : memref<32x384xf32, #tpu.memory_space<vmem>>, vector<1x16xf32>,
        %parallel_loop3A_500 = arith.index_cast %parallel_loop3A_177 : i32 to index
        %parallel_loop3A_501 = arith.constant 0 : index
        %parallel_loop3A_502 = tpu.vector_load %arg6[%parallel_loop3A_500, %parallel_loop3A_501] {strides = array<i32>} : memref<32x384xf32, #tpu.memory_space<vmem>>, vector<1x16xf32>,
        %parallel_loop3A_503 = vector.shape_cast %parallel_loop3A_502 : vector<1x16xf32> to vector<16xf32>
        %parallel_loop3A_504 = arith.constant 15 : i32
        %parallel_loop3A_505 = vector.broadcast %parallel_loop3A_504 : i32 to vector<16xi32>
        %parallel_loop3A_506 = tpu.iota {dimensions = array<i32: 0>} : vector<16xi32>
        %parallel_loop3A_507 = arith.subi %parallel_loop3A_505, %parallel_loop3A_506 : vector<16xi32>
        %parallel_loop3A_508 = tpu.dynamic_gather %parallel_loop3A_503[%parallel_loop3A_507] in [0] : vector<16xf32>, vector<16xi32> -> vector<16xf32>
        %parallel_loop3A_509 = arith.index_cast %parallel_loop3A_177 : i32 to index
        %parallel_loop3A_510 = arith.constant 368 : index
        %parallel_loop3A_511 = tpu.vector_load %arg10[%parallel_loop3A_509, %parallel_loop3A_510] {strides = array<i32>} : memref<32x384xf32, #tpu.memory_space<vmem>>, vector<1x16xf32>,
        %parallel_loop3A_512 = vector.shape_cast %parallel_loop3A_511 : vector<1x16xf32> to vector<16xf32>
        %parallel_loop3A_513 = vector.shape_cast %parallel_loop3A_508 : vector<16xf32> to vector<1x16xf32>
        tpu.vector_store %arg10[%parallel_loop3A_509, %parallel_loop3A_510], %parallel_loop3A_513 {strides = array<i32>} : memref<32x384xf32, #tpu.memory_space<vmem>>, vector<1x16xf32>,
      } {sc.loop_unroll_factor = 1 : i64, sc.parallel_access}
      %dma_start3A_135 = arith.constant 0 : i32
      %dma_start3A_136 = tpu.memref_slice %arg3[%add3A_122, %dma_start3A_135] : memref<200704x384xf32, #tpu.memory_space<hbm>> -> memref<32x384xf32, #tpu.memory_space<hbm>>
      %dma_start3A_137 = arith.constant 0 : i32
      %dma_start3A_138 = tpu.memref_slice %arg3[%add3A_122, %dma_start3A_137] : memref<200704x384xf32, #tpu.memory_space<hbm>> -> memref<32x384xf32, #tpu.memory_space<hbm>>
      tpu.enqueue_dma source(%arg10 : memref<32x384xf32, #tpu.memory_space<vmem>>) target(%dma_start3A_138 : memref<32x384xf32, #tpu.memory_space<hbm>>) target_semaphore(%arg18 : memref<!tpu.dma_semaphore, #tpu.memory_space<semaphore_mem>>)
      %add3A_139 = arith.constant 4 : i32
      %add3A_140 = arith.addi %add3A_116, %add3A_139 : i32
      %lt3A_141 = arith.constant 196 : i32
      %lt3A_142 = arith.cmpi slt, %add3A_140, %lt3A_141 : i32
      %convert_element_type3A_143 = arith.extui %lt3A_142 : i1 to i32
      %cond3A_144 = arith.constant 0 : i32
      %cond3A_145 = arith.cmpi ne, %convert_element_type3A_143, %cond3A_144 : i32
      scf.if %cond3A_145 {
        %add3A_177 = arith.constant 4 : i32
        %add3A_178 = arith.addi %add3A_116, %add3A_177 : i32
        %mul3A_179 = arith.constant 32 : i32
        %mul3A_180 = arith.muli %add3A_178, %mul3A_179 : i32
        %add3A_181 = arith.addi %mul3A_2, %mul3A_180 : i32
        %dma_start3A_182 = arith.constant 0 : i32
        %dma_start3A_183 = tpu.memref_slice %arg2[%add3A_181, %dma_start3A_182] : memref<200704x384xf32, #tpu.memory_space<hbm>> -> memref<32x384xf32, #tpu.memory_space<hbm>>
        %dma_start3A_184 = arith.constant 0 : i32
        %dma_start3A_185 = tpu.memref_slice %arg2[%add3A_181, %dma_start3A_184] : memref<200704x384xf32, #tpu.memory_space<hbm>> -> memref<32x384xf32, #tpu.memory_space<hbm>>
        tpu.enqueue_dma source(%dma_start3A_185 : memref<32x384xf32, #tpu.memory_space<hbm>>) target(%arg6 : memref<32x384xf32, #tpu.memory_space<vmem>>) target_semaphore(%arg14 : memref<!tpu.dma_semaphore, #tpu.memory_space<semaphore_mem>>)
      } else {
      }
      %add3A_146 = arith.constant 3 : i32
      %add3A_147 = arith.addi %add3A_57, %add3A_146 : i32
      %mul3A_148 = arith.constant 32 : i32
      %mul3A_149 = arith.muli %add3A_147, %mul3A_148 : i32
      %add3A_150 = arith.addi %mul3A_2, %mul3A_149 : i32
      %mul3A_151 = arith.constant 32 : i32
      %mul3A_152 = arith.muli %add3A_147, %mul3A_151 : i32
      %add3A_153 = arith.addi %mul3A_2, %mul3A_152 : i32
      %dma_wait3A_154 = arith.constant 0 : i32
      %dma_wait3A_155 = tpu.memref_slice %arg2[%add3A_150, %dma_wait3A_154] : memref<200704x384xf32, #tpu.memory_space<hbm>> -> memref<32x384xf32, #tpu.memory_space<hbm>>
      %dma_wait3A_156 = arith.constant 0 : i32
      %dma_wait3A_157 = tpu.memref_slice %arg2[%add3A_150, %dma_wait3A_156] : memref<200704x384xf32, #tpu.memory_space<hbm>> -> memref<32x384xf32, #tpu.memory_space<hbm>>
      tpu.wait_dma2 semaphore(%arg15 : memref<!tpu.dma_semaphore, #tpu.memory_space<semaphore_mem>>) src(%dma_wait3A_157 : memref<32x384xf32, #tpu.memory_space<hbm>>) dst(%arg7 : memref<32x384xf32, #tpu.memory_space<vmem>>)
      %ge3A_158 = arith.constant 4 : i32
      %ge3A_159 = arith.cmpi sge, %add3A_147, %ge3A_158 : i32
      %convert_element_type3A_160 = arith.extui %ge3A_159 : i1 to i32
      %cond3A_161 = arith.constant 0 : i32
      %cond3A_162 = arith.cmpi ne, %convert_element_type3A_160, %cond3A_161 : i32
      scf.if %cond3A_162 {
        %dma_wait3A_177 = arith.constant 0 : i32
        %dma_wait3A_178 = tpu.memref_slice %arg3[%add3A_153, %dma_wait3A_177] : memref<200704x384xf32, #tpu.memory_space<hbm>> -> memref<32x384xf32, #tpu.memory_space<hbm>>
        %dma_wait3A_179 = arith.constant 0 : i32
        %dma_wait3A_180 = tpu.memref_slice %arg3[%add3A_153, %dma_wait3A_179] : memref<200704x384xf32, #tpu.memory_space<hbm>> -> memref<32x384xf32, #tpu.memory_space<hbm>>
        tpu.wait_dma2 semaphore(%arg19 : memref<!tpu.dma_semaphore, #tpu.memory_space<semaphore_mem>>) src(%arg11 : memref<32x384xf32, #tpu.memory_space<vmem>>) dst(%dma_wait3A_180 : memref<32x384xf32, #tpu.memory_space<hbm>>)
      } else {
      }
      %parallel_loop3A_163 = arith.constant 0 : i32
      %parallel_loop3A_164 = arith.constant 32 : i32
      %parallel_loop3A_165 = arith.constant 1 : i32
      scf.for %parallel_loop3A_177 = %parallel_loop3A_163 to %parallel_loop3A_164 step %parallel_loop3A_165  : i32 {
        %parallel_loop3A_178 = arith.index_cast %parallel_loop3A_177 : i32 to index
        %parallel_loop3A_179 = arith.constant 368 : index
        %parallel_loop3A_180 = tpu.vector_load %arg7[%parallel_loop3A_178, %parallel_loop3A_179] {strides = array<i32>} : memref<32x384xf32, #tpu.memory_space<vmem>>, vector<1x16xf32>,
        %parallel_loop3A_181 = vector.shape_cast %parallel_loop3A_180 : vector<1x16xf32> to vector<16xf32>
        %parallel_loop3A_182 = arith.constant 15 : i32
        %parallel_loop3A_183 = vector.broadcast %parallel_loop3A_182 : i32 to vector<16xi32>
        %parallel_loop3A_184 = tpu.iota {dimensions = array<i32: 0>} : vector<16xi32>
        %parallel_loop3A_185 = arith.subi %parallel_loop3A_183, %parallel_loop3A_184 : vector<16xi32>
        %parallel_loop3A_186 = tpu.dynamic_gather %parallel_loop3A_181[%parallel_loop3A_185] in [0] : vector<16xf32>, vector<16xi32> -> vector<16xf32>
        %parallel_loop3A_187 = arith.index_cast %parallel_loop3A_177 : i32 to index
        %parallel_loop3A_188 = arith.constant 0 : index
        %parallel_loop3A_189 = tpu.vector_load %arg11[%parallel_loop3A_187, %parallel_loop3A_188] {strides = array<i32>} : memref<32x384xf32, #tpu.memory_space<vmem>>, vector<1x16xf32>,
        %parallel_loop3A_190 = vector.shape_cast %parallel_loop3A_189 : vector<1x16xf32> to vector<16xf32>
        %parallel_loop3A_191 = vector.shape_cast %parallel_loop3A_186 : vector<16xf32> to vector<1x16xf32>
        tpu.vector_store %arg11[%parallel_loop3A_187, %parallel_loop3A_188], %parallel_loop3A_191 {strides = array<i32>} : memref<32x384xf32, #tpu.memory_space<vmem>>, vector<1x16xf32>,
        %parallel_loop3A_192 = arith.index_cast %parallel_loop3A_177 : i32 to index
        %parallel_loop3A_193 = arith.constant 352 : index
        %parallel_loop3A_194 = tpu.vector_load %arg7[%parallel_loop3A_192, %parallel_loop3A_193] {strides = array<i32>} : memref<32x384xf32, #tpu.memory_space<vmem>>, vector<1x16xf32>,
        %parallel_loop3A_195 = vector.shape_cast %parallel_loop3A_194 : vector<1x16xf32> to vector<16xf32>
        %parallel_loop3A_196 = arith.constant 15 : i32
        %parallel_loop3A_197 = vector.broadcast %parallel_loop3A_196 : i32 to vector<16xi32>
        %parallel_loop3A_198 = tpu.iota {dimensions = array<i32: 0>} : vector<16xi32>
        %parallel_loop3A_199 = arith.subi %parallel_loop3A_197, %parallel_loop3A_198 : vector<16xi32>
        %parallel_loop3A_200 = tpu.dynamic_gather %parallel_loop3A_195[%parallel_loop3A_199] in [0] : vector<16xf32>, vector<16xi32> -> vector<16xf32>
        %parallel_loop3A_201 = arith.index_cast %parallel_loop3A_177 : i32 to index
        %parallel_loop3A_202 = arith.constant 16 : index
        %parallel_loop3A_203 = tpu.vector_load %arg11[%parallel_loop3A_201, %parallel_loop3A_202] {strides = array<i32>} : memref<32x384xf32, #tpu.memory_space<vmem>>, vector<1x16xf32>,
        %parallel_loop3A_204 = vector.shape_cast %parallel_loop3A_203 : vector<1x16xf32> to vector<16xf32>
        %parallel_loop3A_205 = vector.shape_cast %parallel_loop3A_200 : vector<16xf32> to vector<1x16xf32>
        tpu.vector_store %arg11[%parallel_loop3A_201, %parallel_loop3A_202], %parallel_loop3A_205 {strides = array<i32>} : memref<32x384xf32, #tpu.memory_space<vmem>>, vector<1x16xf32>,
        %parallel_loop3A_206 = arith.index_cast %parallel_loop3A_177 : i32 to index
        %parallel_loop3A_207 = arith.constant 336 : index
        %parallel_loop3A_208 = tpu.vector_load %arg7[%parallel_loop3A_206, %parallel_loop3A_207] {strides = array<i32>} : memref<32x384xf32, #tpu.memory_space<vmem>>, vector<1x16xf32>,
        %parallel_loop3A_209 = vector.shape_cast %parallel_loop3A_208 : vector<1x16xf32> to vector<16xf32>
        %parallel_loop3A_210 = arith.constant 15 : i32
        %parallel_loop3A_211 = vector.broadcast %parallel_loop3A_210 : i32 to vector<16xi32>
        %parallel_loop3A_212 = tpu.iota {dimensions = array<i32: 0>} : vector<16xi32>
        %parallel_loop3A_213 = arith.subi %parallel_loop3A_211, %parallel_loop3A_212 : vector<16xi32>
        %parallel_loop3A_214 = tpu.dynamic_gather %parallel_loop3A_209[%parallel_loop3A_213] in [0] : vector<16xf32>, vector<16xi32> -> vector<16xf32>
        %parallel_loop3A_215 = arith.index_cast %parallel_loop3A_177 : i32 to index
        %parallel_loop3A_216 = arith.constant 32 : index
        %parallel_loop3A_217 = tpu.vector_load %arg11[%parallel_loop3A_215, %parallel_loop3A_216] {strides = array<i32>} : memref<32x384xf32, #tpu.memory_space<vmem>>, vector<1x16xf32>,
        %parallel_loop3A_218 = vector.shape_cast %parallel_loop3A_217 : vector<1x16xf32> to vector<16xf32>
        %parallel_loop3A_219 = vector.shape_cast %parallel_loop3A_214 : vector<16xf32> to vector<1x16xf32>
        tpu.vector_store %arg11[%parallel_loop3A_215, %parallel_loop3A_216], %parallel_loop3A_219 {strides = array<i32>} : memref<32x384xf32, #tpu.memory_space<vmem>>, vector<1x16xf32>,
        %parallel_loop3A_220 = arith.index_cast %parallel_loop3A_177 : i32 to index
        %parallel_loop3A_221 = arith.constant 320 : index
        %parallel_loop3A_222 = tpu.vector_load %arg7[%parallel_loop3A_220, %parallel_loop3A_221] {strides = array<i32>} : memref<32x384xf32, #tpu.memory_space<vmem>>, vector<1x16xf32>,
        %parallel_loop3A_223 = vector.shape_cast %parallel_loop3A_222 : vector<1x16xf32> to vector<16xf32>
        %parallel_loop3A_224 = arith.constant 15 : i32
        %parallel_loop3A_225 = vector.broadcast %parallel_loop3A_224 : i32 to vector<16xi32>
        %parallel_loop3A_226 = tpu.iota {dimensions = array<i32: 0>} : vector<16xi32>
        %parallel_loop3A_227 = arith.subi %parallel_loop3A_225, %parallel_loop3A_226 : vector<16xi32>
        %parallel_loop3A_228 = tpu.dynamic_gather %parallel_loop3A_223[%parallel_loop3A_227] in [0] : vector<16xf32>, vector<16xi32> -> vector<16xf32>
        %parallel_loop3A_229 = arith.index_cast %parallel_loop3A_177 : i32 to index
        %parallel_loop3A_230 = arith.constant 48 : index
        %parallel_loop3A_231 = tpu.vector_load %arg11[%parallel_loop3A_229, %parallel_loop3A_230] {strides = array<i32>} : memref<32x384xf32, #tpu.memory_space<vmem>>, vector<1x16xf32>,
        %parallel_loop3A_232 = vector.shape_cast %parallel_loop3A_231 : vector<1x16xf32> to vector<16xf32>
        %parallel_loop3A_233 = vector.shape_cast %parallel_loop3A_228 : vector<16xf32> to vector<1x16xf32>
        tpu.vector_store %arg11[%parallel_loop3A_229, %parallel_loop3A_230], %parallel_loop3A_233 {strides = array<i32>} : memref<32x384xf32, #tpu.memory_space<vmem>>, vector<1x16xf32>,
        %parallel_loop3A_234 = arith.index_cast %parallel_loop3A_177 : i32 to index
        %parallel_loop3A_235 = arith.constant 304 : index
        %parallel_loop3A_236 = tpu.vector_load %arg7[%parallel_loop3A_234, %parallel_loop3A_235] {strides = array<i32>} : memref<32x384xf32, #tpu.memory_space<vmem>>, vector<1x16xf32>,
        %parallel_loop3A_237 = vector.shape_cast %parallel_loop3A_236 : vector<1x16xf32> to vector<16xf32>
        %parallel_loop3A_238 = arith.constant 15 : i32
        %parallel_loop3A_239 = vector.broadcast %parallel_loop3A_238 : i32 to vector<16xi32>
        %parallel_loop3A_240 = tpu.iota {dimensions = array<i32: 0>} : vector<16xi32>
        %parallel_loop3A_241 = arith.subi %parallel_loop3A_239, %parallel_loop3A_240 : vector<16xi32>
        %parallel_loop3A_242 = tpu.dynamic_gather %parallel_loop3A_237[%parallel_loop3A_241] in [0] : vector<16xf32>, vector<16xi32> -> vector<16xf32>
        %parallel_loop3A_243 = arith.index_cast %parallel_loop3A_177 : i32 to index
        %parallel_loop3A_244 = arith.constant 64 : index
        %parallel_loop3A_245 = tpu.vector_load %arg11[%parallel_loop3A_243, %parallel_loop3A_244] {strides = array<i32>} : memref<32x384xf32, #tpu.memory_space<vmem>>, vector<1x16xf32>,
        %parallel_loop3A_246 = vector.shape_cast %parallel_loop3A_245 : vector<1x16xf32> to vector<16xf32>
        %parallel_loop3A_247 = vector.shape_cast %parallel_loop3A_242 : vector<16xf32> to vector<1x16xf32>
        tpu.vector_store %arg11[%parallel_loop3A_243, %parallel_loop3A_244], %parallel_loop3A_247 {strides = array<i32>} : memref<32x384xf32, #tpu.memory_space<vmem>>, vector<1x16xf32>,
        %parallel_loop3A_248 = arith.index_cast %parallel_loop3A_177 : i32 to index
        %parallel_loop3A_249 = arith.constant 288 : index
        %parallel_loop3A_250 = tpu.vector_load %arg7[%parallel_loop3A_248, %parallel_loop3A_249] {strides = array<i32>} : memref<32x384xf32, #tpu.memory_space<vmem>>, vector<1x16xf32>,
        %parallel_loop3A_251 = vector.shape_cast %parallel_loop3A_250 : vector<1x16xf32> to vector<16xf32>
        %parallel_loop3A_252 = arith.constant 15 : i32
        %parallel_loop3A_253 = vector.broadcast %parallel_loop3A_252 : i32 to vector<16xi32>
        %parallel_loop3A_254 = tpu.iota {dimensions = array<i32: 0>} : vector<16xi32>
        %parallel_loop3A_255 = arith.subi %parallel_loop3A_253, %parallel_loop3A_254 : vector<16xi32>
        %parallel_loop3A_256 = tpu.dynamic_gather %parallel_loop3A_251[%parallel_loop3A_255] in [0] : vector<16xf32>, vector<16xi32> -> vector<16xf32>
        %parallel_loop3A_257 = arith.index_cast %parallel_loop3A_177 : i32 to index
        %parallel_loop3A_258 = arith.constant 80 : index
        %parallel_loop3A_259 = tpu.vector_load %arg11[%parallel_loop3A_257, %parallel_loop3A_258] {strides = array<i32>} : memref<32x384xf32, #tpu.memory_space<vmem>>, vector<1x16xf32>,
        %parallel_loop3A_260 = vector.shape_cast %parallel_loop3A_259 : vector<1x16xf32> to vector<16xf32>
        %parallel_loop3A_261 = vector.shape_cast %parallel_loop3A_256 : vector<16xf32> to vector<1x16xf32>
        tpu.vector_store %arg11[%parallel_loop3A_257, %parallel_loop3A_258], %parallel_loop3A_261 {strides = array<i32>} : memref<32x384xf32, #tpu.memory_space<vmem>>, vector<1x16xf32>,
        %parallel_loop3A_262 = arith.index_cast %parallel_loop3A_177 : i32 to index
        %parallel_loop3A_263 = arith.constant 272 : index
        %parallel_loop3A_264 = tpu.vector_load %arg7[%parallel_loop3A_262, %parallel_loop3A_263] {strides = array<i32>} : memref<32x384xf32, #tpu.memory_space<vmem>>, vector<1x16xf32>,
        %parallel_loop3A_265 = vector.shape_cast %parallel_loop3A_264 : vector<1x16xf32> to vector<16xf32>
        %parallel_loop3A_266 = arith.constant 15 : i32
        %parallel_loop3A_267 = vector.broadcast %parallel_loop3A_266 : i32 to vector<16xi32>
        %parallel_loop3A_268 = tpu.iota {dimensions = array<i32: 0>} : vector<16xi32>
        %parallel_loop3A_269 = arith.subi %parallel_loop3A_267, %parallel_loop3A_268 : vector<16xi32>
        %parallel_loop3A_270 = tpu.dynamic_gather %parallel_loop3A_265[%parallel_loop3A_269] in [0] : vector<16xf32>, vector<16xi32> -> vector<16xf32>
        %parallel_loop3A_271 = arith.index_cast %parallel_loop3A_177 : i32 to index
        %parallel_loop3A_272 = arith.constant 96 : index
        %parallel_loop3A_273 = tpu.vector_load %arg11[%parallel_loop3A_271, %parallel_loop3A_272] {strides = array<i32>} : memref<32x384xf32, #tpu.memory_space<vmem>>, vector<1x16xf32>,
        %parallel_loop3A_274 = vector.shape_cast %parallel_loop3A_273 : vector<1x16xf32> to vector<16xf32>
        %parallel_loop3A_275 = vector.shape_cast %parallel_loop3A_270 : vector<16xf32> to vector<1x16xf32>
        tpu.vector_store %arg11[%parallel_loop3A_271, %parallel_loop3A_272], %parallel_loop3A_275 {strides = array<i32>} : memref<32x384xf32, #tpu.memory_space<vmem>>, vector<1x16xf32>,
        %parallel_loop3A_276 = arith.index_cast %parallel_loop3A_177 : i32 to index
        %parallel_loop3A_277 = arith.constant 256 : index
        %parallel_loop3A_278 = tpu.vector_load %arg7[%parallel_loop3A_276, %parallel_loop3A_277] {strides = array<i32>} : memref<32x384xf32, #tpu.memory_space<vmem>>, vector<1x16xf32>,
        %parallel_loop3A_279 = vector.shape_cast %parallel_loop3A_278 : vector<1x16xf32> to vector<16xf32>
        %parallel_loop3A_280 = arith.constant 15 : i32
        %parallel_loop3A_281 = vector.broadcast %parallel_loop3A_280 : i32 to vector<16xi32>
        %parallel_loop3A_282 = tpu.iota {dimensions = array<i32: 0>} : vector<16xi32>
        %parallel_loop3A_283 = arith.subi %parallel_loop3A_281, %parallel_loop3A_282 : vector<16xi32>
        %parallel_loop3A_284 = tpu.dynamic_gather %parallel_loop3A_279[%parallel_loop3A_283] in [0] : vector<16xf32>, vector<16xi32> -> vector<16xf32>
        %parallel_loop3A_285 = arith.index_cast %parallel_loop3A_177 : i32 to index
        %parallel_loop3A_286 = arith.constant 112 : index
        %parallel_loop3A_287 = tpu.vector_load %arg11[%parallel_loop3A_285, %parallel_loop3A_286] {strides = array<i32>} : memref<32x384xf32, #tpu.memory_space<vmem>>, vector<1x16xf32>,
        %parallel_loop3A_288 = vector.shape_cast %parallel_loop3A_287 : vector<1x16xf32> to vector<16xf32>
        %parallel_loop3A_289 = vector.shape_cast %parallel_loop3A_284 : vector<16xf32> to vector<1x16xf32>
        tpu.vector_store %arg11[%parallel_loop3A_285, %parallel_loop3A_286], %parallel_loop3A_289 {strides = array<i32>} : memref<32x384xf32, #tpu.memory_space<vmem>>, vector<1x16xf32>,
        %parallel_loop3A_290 = arith.index_cast %parallel_loop3A_177 : i32 to index
        %parallel_loop3A_291 = arith.constant 240 : index
        %parallel_loop3A_292 = tpu.vector_load %arg7[%parallel_loop3A_290, %parallel_loop3A_291] {strides = array<i32>} : memref<32x384xf32, #tpu.memory_space<vmem>>, vector<1x16xf32>,
        %parallel_loop3A_293 = vector.shape_cast %parallel_loop3A_292 : vector<1x16xf32> to vector<16xf32>
        %parallel_loop3A_294 = arith.constant 15 : i32
        %parallel_loop3A_295 = vector.broadcast %parallel_loop3A_294 : i32 to vector<16xi32>
        %parallel_loop3A_296 = tpu.iota {dimensions = array<i32: 0>} : vector<16xi32>
        %parallel_loop3A_297 = arith.subi %parallel_loop3A_295, %parallel_loop3A_296 : vector<16xi32>
        %parallel_loop3A_298 = tpu.dynamic_gather %parallel_loop3A_293[%parallel_loop3A_297] in [0] : vector<16xf32>, vector<16xi32> -> vector<16xf32>
        %parallel_loop3A_299 = arith.index_cast %parallel_loop3A_177 : i32 to index
        %parallel_loop3A_300 = arith.constant 128 : index
        %parallel_loop3A_301 = tpu.vector_load %arg11[%parallel_loop3A_299, %parallel_loop3A_300] {strides = array<i32>} : memref<32x384xf32, #tpu.memory_space<vmem>>, vector<1x16xf32>,
        %parallel_loop3A_302 = vector.shape_cast %parallel_loop3A_301 : vector<1x16xf32> to vector<16xf32>
        %parallel_loop3A_303 = vector.shape_cast %parallel_loop3A_298 : vector<16xf32> to vector<1x16xf32>
        tpu.vector_store %arg11[%parallel_loop3A_299, %parallel_loop3A_300], %parallel_loop3A_303 {strides = array<i32>} : memref<32x384xf32, #tpu.memory_space<vmem>>, vector<1x16xf32>,
        %parallel_loop3A_304 = arith.index_cast %parallel_loop3A_177 : i32 to index
        %parallel_loop3A_305 = arith.constant 224 : index
        %parallel_loop3A_306 = tpu.vector_load %arg7[%parallel_loop3A_304, %parallel_loop3A_305] {strides = array<i32>} : memref<32x384xf32, #tpu.memory_space<vmem>>, vector<1x16xf32>,
        %parallel_loop3A_307 = vector.shape_cast %parallel_loop3A_306 : vector<1x16xf32> to vector<16xf32>
        %parallel_loop3A_308 = arith.constant 15 : i32
        %parallel_loop3A_309 = vector.broadcast %parallel_loop3A_308 : i32 to vector<16xi32>
        %parallel_loop3A_310 = tpu.iota {dimensions = array<i32: 0>} : vector<16xi32>
        %parallel_loop3A_311 = arith.subi %parallel_loop3A_309, %parallel_loop3A_310 : vector<16xi32>
        %parallel_loop3A_312 = tpu.dynamic_gather %parallel_loop3A_307[%parallel_loop3A_311] in [0] : vector<16xf32>, vector<16xi32> -> vector<16xf32>
        %parallel_loop3A_313 = arith.index_cast %parallel_loop3A_177 : i32 to index
        %parallel_loop3A_314 = arith.constant 144 : index
        %parallel_loop3A_315 = tpu.vector_load %arg11[%parallel_loop3A_313, %parallel_loop3A_314] {strides = array<i32>} : memref<32x384xf32, #tpu.memory_space<vmem>>, vector<1x16xf32>,
        %parallel_loop3A_316 = vector.shape_cast %parallel_loop3A_315 : vector<1x16xf32> to vector<16xf32>
        %parallel_loop3A_317 = vector.shape_cast %parallel_loop3A_312 : vector<16xf32> to vector<1x16xf32>
        tpu.vector_store %arg11[%parallel_loop3A_313, %parallel_loop3A_314], %parallel_loop3A_317 {strides = array<i32>} : memref<32x384xf32, #tpu.memory_space<vmem>>, vector<1x16xf32>,
        %parallel_loop3A_318 = arith.index_cast %parallel_loop3A_177 : i32 to index
        %parallel_loop3A_319 = arith.constant 208 : index
        %parallel_loop3A_320 = tpu.vector_load %arg7[%parallel_loop3A_318, %parallel_loop3A_319] {strides = array<i32>} : memref<32x384xf32, #tpu.memory_space<vmem>>, vector<1x16xf32>,
        %parallel_loop3A_321 = vector.shape_cast %parallel_loop3A_320 : vector<1x16xf32> to vector<16xf32>
        %parallel_loop3A_322 = arith.constant 15 : i32
        %parallel_loop3A_323 = vector.broadcast %parallel_loop3A_322 : i32 to vector<16xi32>
        %parallel_loop3A_324 = tpu.iota {dimensions = array<i32: 0>} : vector<16xi32>
        %parallel_loop3A_325 = arith.subi %parallel_loop3A_323, %parallel_loop3A_324 : vector<16xi32>
        %parallel_loop3A_326 = tpu.dynamic_gather %parallel_loop3A_321[%parallel_loop3A_325] in [0] : vector<16xf32>, vector<16xi32> -> vector<16xf32>
        %parallel_loop3A_327 = arith.index_cast %parallel_loop3A_177 : i32 to index
        %parallel_loop3A_328 = arith.constant 160 : index
        %parallel_loop3A_329 = tpu.vector_load %arg11[%parallel_loop3A_327, %parallel_loop3A_328] {strides = array<i32>} : memref<32x384xf32, #tpu.memory_space<vmem>>, vector<1x16xf32>,
        %parallel_loop3A_330 = vector.shape_cast %parallel_loop3A_329 : vector<1x16xf32> to vector<16xf32>
        %parallel_loop3A_331 = vector.shape_cast %parallel_loop3A_326 : vector<16xf32> to vector<1x16xf32>
        tpu.vector_store %arg11[%parallel_loop3A_327, %parallel_loop3A_328], %parallel_loop3A_331 {strides = array<i32>} : memref<32x384xf32, #tpu.memory_space<vmem>>, vector<1x16xf32>,
        %parallel_loop3A_332 = arith.index_cast %parallel_loop3A_177 : i32 to index
        %parallel_loop3A_333 = arith.constant 192 : index
        %parallel_loop3A_334 = tpu.vector_load %arg7[%parallel_loop3A_332, %parallel_loop3A_333] {strides = array<i32>} : memref<32x384xf32, #tpu.memory_space<vmem>>, vector<1x16xf32>,
        %parallel_loop3A_335 = vector.shape_cast %parallel_loop3A_334 : vector<1x16xf32> to vector<16xf32>
        %parallel_loop3A_336 = arith.constant 15 : i32
        %parallel_loop3A_337 = vector.broadcast %parallel_loop3A_336 : i32 to vector<16xi32>
        %parallel_loop3A_338 = tpu.iota {dimensions = array<i32: 0>} : vector<16xi32>
        %parallel_loop3A_339 = arith.subi %parallel_loop3A_337, %parallel_loop3A_338 : vector<16xi32>
        %parallel_loop3A_340 = tpu.dynamic_gather %parallel_loop3A_335[%parallel_loop3A_339] in [0] : vector<16xf32>, vector<16xi32> -> vector<16xf32>
        %parallel_loop3A_341 = arith.index_cast %parallel_loop3A_177 : i32 to index
        %parallel_loop3A_342 = arith.constant 176 : index
        %parallel_loop3A_343 = tpu.vector_load %arg11[%parallel_loop3A_341, %parallel_loop3A_342] {strides = array<i32>} : memref<32x384xf32, #tpu.memory_space<vmem>>, vector<1x16xf32>,
        %parallel_loop3A_344 = vector.shape_cast %parallel_loop3A_343 : vector<1x16xf32> to vector<16xf32>
        %parallel_loop3A_345 = vector.shape_cast %parallel_loop3A_340 : vector<16xf32> to vector<1x16xf32>
        tpu.vector_store %arg11[%parallel_loop3A_341, %parallel_loop3A_342], %parallel_loop3A_345 {strides = array<i32>} : memref<32x384xf32, #tpu.memory_space<vmem>>, vector<1x16xf32>,
        %parallel_loop3A_346 = arith.index_cast %parallel_loop3A_177 : i32 to index
        %parallel_loop3A_347 = arith.constant 176 : index
        %parallel_loop3A_348 = tpu.vector_load %arg7[%parallel_loop3A_346, %parallel_loop3A_347] {strides = array<i32>} : memref<32x384xf32, #tpu.memory_space<vmem>>, vector<1x16xf32>,
        %parallel_loop3A_349 = vector.shape_cast %parallel_loop3A_348 : vector<1x16xf32> to vector<16xf32>
        %parallel_loop3A_350 = arith.constant 15 : i32
        %parallel_loop3A_351 = vector.broadcast %parallel_loop3A_350 : i32 to vector<16xi32>
        %parallel_loop3A_352 = tpu.iota {dimensions = array<i32: 0>} : vector<16xi32>
        %parallel_loop3A_353 = arith.subi %parallel_loop3A_351, %parallel_loop3A_352 : vector<16xi32>
        %parallel_loop3A_354 = tpu.dynamic_gather %parallel_loop3A_349[%parallel_loop3A_353] in [0] : vector<16xf32>, vector<16xi32> -> vector<16xf32>
        %parallel_loop3A_355 = arith.index_cast %parallel_loop3A_177 : i32 to index
        %parallel_loop3A_356 = arith.constant 192 : index
        %parallel_loop3A_357 = tpu.vector_load %arg11[%parallel_loop3A_355, %parallel_loop3A_356] {strides = array<i32>} : memref<32x384xf32, #tpu.memory_space<vmem>>, vector<1x16xf32>,
        %parallel_loop3A_358 = vector.shape_cast %parallel_loop3A_357 : vector<1x16xf32> to vector<16xf32>
        %parallel_loop3A_359 = vector.shape_cast %parallel_loop3A_354 : vector<16xf32> to vector<1x16xf32>
        tpu.vector_store %arg11[%parallel_loop3A_355, %parallel_loop3A_356], %parallel_loop3A_359 {strides = array<i32>} : memref<32x384xf32, #tpu.memory_space<vmem>>, vector<1x16xf32>,
        %parallel_loop3A_360 = arith.index_cast %parallel_loop3A_177 : i32 to index
        %parallel_loop3A_361 = arith.constant 160 : index
        %parallel_loop3A_362 = tpu.vector_load %arg7[%parallel_loop3A_360, %parallel_loop3A_361] {strides = array<i32>} : memref<32x384xf32, #tpu.memory_space<vmem>>, vector<1x16xf32>,
        %parallel_loop3A_363 = vector.shape_cast %parallel_loop3A_362 : vector<1x16xf32> to vector<16xf32>
        %parallel_loop3A_364 = arith.constant 15 : i32
        %parallel_loop3A_365 = vector.broadcast %parallel_loop3A_364 : i32 to vector<16xi32>
        %parallel_loop3A_366 = tpu.iota {dimensions = array<i32: 0>} : vector<16xi32>
        %parallel_loop3A_367 = arith.subi %parallel_loop3A_365, %parallel_loop3A_366 : vector<16xi32>
        %parallel_loop3A_368 = tpu.dynamic_gather %parallel_loop3A_363[%parallel_loop3A_367] in [0] : vector<16xf32>, vector<16xi32> -> vector<16xf32>
        %parallel_loop3A_369 = arith.index_cast %parallel_loop3A_177 : i32 to index
        %parallel_loop3A_370 = arith.constant 208 : index
        %parallel_loop3A_371 = tpu.vector_load %arg11[%parallel_loop3A_369, %parallel_loop3A_370] {strides = array<i32>} : memref<32x384xf32, #tpu.memory_space<vmem>>, vector<1x16xf32>,
        %parallel_loop3A_372 = vector.shape_cast %parallel_loop3A_371 : vector<1x16xf32> to vector<16xf32>
        %parallel_loop3A_373 = vector.shape_cast %parallel_loop3A_368 : vector<16xf32> to vector<1x16xf32>
        tpu.vector_store %arg11[%parallel_loop3A_369, %parallel_loop3A_370], %parallel_loop3A_373 {strides = array<i32>} : memref<32x384xf32, #tpu.memory_space<vmem>>, vector<1x16xf32>,
        %parallel_loop3A_374 = arith.index_cast %parallel_loop3A_177 : i32 to index
        %parallel_loop3A_375 = arith.constant 144 : index
        %parallel_loop3A_376 = tpu.vector_load %arg7[%parallel_loop3A_374, %parallel_loop3A_375] {strides = array<i32>} : memref<32x384xf32, #tpu.memory_space<vmem>>, vector<1x16xf32>,
        %parallel_loop3A_377 = vector.shape_cast %parallel_loop3A_376 : vector<1x16xf32> to vector<16xf32>
        %parallel_loop3A_378 = arith.constant 15 : i32
        %parallel_loop3A_379 = vector.broadcast %parallel_loop3A_378 : i32 to vector<16xi32>
        %parallel_loop3A_380 = tpu.iota {dimensions = array<i32: 0>} : vector<16xi32>
        %parallel_loop3A_381 = arith.subi %parallel_loop3A_379, %parallel_loop3A_380 : vector<16xi32>
        %parallel_loop3A_382 = tpu.dynamic_gather %parallel_loop3A_377[%parallel_loop3A_381] in [0] : vector<16xf32>, vector<16xi32> -> vector<16xf32>
        %parallel_loop3A_383 = arith.index_cast %parallel_loop3A_177 : i32 to index
        %parallel_loop3A_384 = arith.constant 224 : index
        %parallel_loop3A_385 = tpu.vector_load %arg11[%parallel_loop3A_383, %parallel_loop3A_384] {strides = array<i32>} : memref<32x384xf32, #tpu.memory_space<vmem>>, vector<1x16xf32>,
        %parallel_loop3A_386 = vector.shape_cast %parallel_loop3A_385 : vector<1x16xf32> to vector<16xf32>
        %parallel_loop3A_387 = vector.shape_cast %parallel_loop3A_382 : vector<16xf32> to vector<1x16xf32>
        tpu.vector_store %arg11[%parallel_loop3A_383, %parallel_loop3A_384], %parallel_loop3A_387 {strides = array<i32>} : memref<32x384xf32, #tpu.memory_space<vmem>>, vector<1x16xf32>,
        %parallel_loop3A_388 = arith.index_cast %parallel_loop3A_177 : i32 to index
        %parallel_loop3A_389 = arith.constant 128 : index
        %parallel_loop3A_390 = tpu.vector_load %arg7[%parallel_loop3A_388, %parallel_loop3A_389] {strides = array<i32>} : memref<32x384xf32, #tpu.memory_space<vmem>>, vector<1x16xf32>,
        %parallel_loop3A_391 = vector.shape_cast %parallel_loop3A_390 : vector<1x16xf32> to vector<16xf32>
        %parallel_loop3A_392 = arith.constant 15 : i32
        %parallel_loop3A_393 = vector.broadcast %parallel_loop3A_392 : i32 to vector<16xi32>
        %parallel_loop3A_394 = tpu.iota {dimensions = array<i32: 0>} : vector<16xi32>
        %parallel_loop3A_395 = arith.subi %parallel_loop3A_393, %parallel_loop3A_394 : vector<16xi32>
        %parallel_loop3A_396 = tpu.dynamic_gather %parallel_loop3A_391[%parallel_loop3A_395] in [0] : vector<16xf32>, vector<16xi32> -> vector<16xf32>
        %parallel_loop3A_397 = arith.index_cast %parallel_loop3A_177 : i32 to index
        %parallel_loop3A_398 = arith.constant 240 : index
        %parallel_loop3A_399 = tpu.vector_load %arg11[%parallel_loop3A_397, %parallel_loop3A_398] {strides = array<i32>} : memref<32x384xf32, #tpu.memory_space<vmem>>, vector<1x16xf32>,
        %parallel_loop3A_400 = vector.shape_cast %parallel_loop3A_399 : vector<1x16xf32> to vector<16xf32>
        %parallel_loop3A_401 = vector.shape_cast %parallel_loop3A_396 : vector<16xf32> to vector<1x16xf32>
        tpu.vector_store %arg11[%parallel_loop3A_397, %parallel_loop3A_398], %parallel_loop3A_401 {strides = array<i32>} : memref<32x384xf32, #tpu.memory_space<vmem>>, vector<1x16xf32>,
        %parallel_loop3A_402 = arith.index_cast %parallel_loop3A_177 : i32 to index
        %parallel_loop3A_403 = arith.constant 112 : index
        %parallel_loop3A_404 = tpu.vector_load %arg7[%parallel_loop3A_402, %parallel_loop3A_403] {strides = array<i32>} : memref<32x384xf32, #tpu.memory_space<vmem>>, vector<1x16xf32>,
        %parallel_loop3A_405 = vector.shape_cast %parallel_loop3A_404 : vector<1x16xf32> to vector<16xf32>
        %parallel_loop3A_406 = arith.constant 15 : i32
        %parallel_loop3A_407 = vector.broadcast %parallel_loop3A_406 : i32 to vector<16xi32>
        %parallel_loop3A_408 = tpu.iota {dimensions = array<i32: 0>} : vector<16xi32>
        %parallel_loop3A_409 = arith.subi %parallel_loop3A_407, %parallel_loop3A_408 : vector<16xi32>
        %parallel_loop3A_410 = tpu.dynamic_gather %parallel_loop3A_405[%parallel_loop3A_409] in [0] : vector<16xf32>, vector<16xi32> -> vector<16xf32>
        %parallel_loop3A_411 = arith.index_cast %parallel_loop3A_177 : i32 to index
        %parallel_loop3A_412 = arith.constant 256 : index
        %parallel_loop3A_413 = tpu.vector_load %arg11[%parallel_loop3A_411, %parallel_loop3A_412] {strides = array<i32>} : memref<32x384xf32, #tpu.memory_space<vmem>>, vector<1x16xf32>,
        %parallel_loop3A_414 = vector.shape_cast %parallel_loop3A_413 : vector<1x16xf32> to vector<16xf32>
        %parallel_loop3A_415 = vector.shape_cast %parallel_loop3A_410 : vector<16xf32> to vector<1x16xf32>
        tpu.vector_store %arg11[%parallel_loop3A_411, %parallel_loop3A_412], %parallel_loop3A_415 {strides = array<i32>} : memref<32x384xf32, #tpu.memory_space<vmem>>, vector<1x16xf32>,
        %parallel_loop3A_416 = arith.index_cast %parallel_loop3A_177 : i32 to index
        %parallel_loop3A_417 = arith.constant 96 : index
        %parallel_loop3A_418 = tpu.vector_load %arg7[%parallel_loop3A_416, %parallel_loop3A_417] {strides = array<i32>} : memref<32x384xf32, #tpu.memory_space<vmem>>, vector<1x16xf32>,
        %parallel_loop3A_419 = vector.shape_cast %parallel_loop3A_418 : vector<1x16xf32> to vector<16xf32>
        %parallel_loop3A_420 = arith.constant 15 : i32
        %parallel_loop3A_421 = vector.broadcast %parallel_loop3A_420 : i32 to vector<16xi32>
        %parallel_loop3A_422 = tpu.iota {dimensions = array<i32: 0>} : vector<16xi32>
        %parallel_loop3A_423 = arith.subi %parallel_loop3A_421, %parallel_loop3A_422 : vector<16xi32>
        %parallel_loop3A_424 = tpu.dynamic_gather %parallel_loop3A_419[%parallel_loop3A_423] in [0] : vector<16xf32>, vector<16xi32> -> vector<16xf32>
        %parallel_loop3A_425 = arith.index_cast %parallel_loop3A_177 : i32 to index
        %parallel_loop3A_426 = arith.constant 272 : index
        %parallel_loop3A_427 = tpu.vector_load %arg11[%parallel_loop3A_425, %parallel_loop3A_426] {strides = array<i32>} : memref<32x384xf32, #tpu.memory_space<vmem>>, vector<1x16xf32>,
        %parallel_loop3A_428 = vector.shape_cast %parallel_loop3A_427 : vector<1x16xf32> to vector<16xf32>
        %parallel_loop3A_429 = vector.shape_cast %parallel_loop3A_424 : vector<16xf32> to vector<1x16xf32>
        tpu.vector_store %arg11[%parallel_loop3A_425, %parallel_loop3A_426], %parallel_loop3A_429 {strides = array<i32>} : memref<32x384xf32, #tpu.memory_space<vmem>>, vector<1x16xf32>,
        %parallel_loop3A_430 = arith.index_cast %parallel_loop3A_177 : i32 to index
        %parallel_loop3A_431 = arith.constant 80 : index
        %parallel_loop3A_432 = tpu.vector_load %arg7[%parallel_loop3A_430, %parallel_loop3A_431] {strides = array<i32>} : memref<32x384xf32, #tpu.memory_space<vmem>>, vector<1x16xf32>,
        %parallel_loop3A_433 = vector.shape_cast %parallel_loop3A_432 : vector<1x16xf32> to vector<16xf32>
        %parallel_loop3A_434 = arith.constant 15 : i32
        %parallel_loop3A_435 = vector.broadcast %parallel_loop3A_434 : i32 to vector<16xi32>
        %parallel_loop3A_436 = tpu.iota {dimensions = array<i32: 0>} : vector<16xi32>
        %parallel_loop3A_437 = arith.subi %parallel_loop3A_435, %parallel_loop3A_436 : vector<16xi32>
        %parallel_loop3A_438 = tpu.dynamic_gather %parallel_loop3A_433[%parallel_loop3A_437] in [0] : vector<16xf32>, vector<16xi32> -> vector<16xf32>
        %parallel_loop3A_439 = arith.index_cast %parallel_loop3A_177 : i32 to index
        %parallel_loop3A_440 = arith.constant 288 : index
        %parallel_loop3A_441 = tpu.vector_load %arg11[%parallel_loop3A_439, %parallel_loop3A_440] {strides = array<i32>} : memref<32x384xf32, #tpu.memory_space<vmem>>, vector<1x16xf32>,
        %parallel_loop3A_442 = vector.shape_cast %parallel_loop3A_441 : vector<1x16xf32> to vector<16xf32>
        %parallel_loop3A_443 = vector.shape_cast %parallel_loop3A_438 : vector<16xf32> to vector<1x16xf32>
        tpu.vector_store %arg11[%parallel_loop3A_439, %parallel_loop3A_440], %parallel_loop3A_443 {strides = array<i32>} : memref<32x384xf32, #tpu.memory_space<vmem>>, vector<1x16xf32>,
        %parallel_loop3A_444 = arith.index_cast %parallel_loop3A_177 : i32 to index
        %parallel_loop3A_445 = arith.constant 64 : index
        %parallel_loop3A_446 = tpu.vector_load %arg7[%parallel_loop3A_444, %parallel_loop3A_445] {strides = array<i32>} : memref<32x384xf32, #tpu.memory_space<vmem>>, vector<1x16xf32>,
        %parallel_loop3A_447 = vector.shape_cast %parallel_loop3A_446 : vector<1x16xf32> to vector<16xf32>
        %parallel_loop3A_448 = arith.constant 15 : i32
        %parallel_loop3A_449 = vector.broadcast %parallel_loop3A_448 : i32 to vector<16xi32>
        %parallel_loop3A_450 = tpu.iota {dimensions = array<i32: 0>} : vector<16xi32>
        %parallel_loop3A_451 = arith.subi %parallel_loop3A_449, %parallel_loop3A_450 : vector<16xi32>
        %parallel_loop3A_452 = tpu.dynamic_gather %parallel_loop3A_447[%parallel_loop3A_451] in [0] : vector<16xf32>, vector<16xi32> -> vector<16xf32>
        %parallel_loop3A_453 = arith.index_cast %parallel_loop3A_177 : i32 to index
        %parallel_loop3A_454 = arith.constant 304 : index
        %parallel_loop3A_455 = tpu.vector_load %arg11[%parallel_loop3A_453, %parallel_loop3A_454] {strides = array<i32>} : memref<32x384xf32, #tpu.memory_space<vmem>>, vector<1x16xf32>,
        %parallel_loop3A_456 = vector.shape_cast %parallel_loop3A_455 : vector<1x16xf32> to vector<16xf32>
        %parallel_loop3A_457 = vector.shape_cast %parallel_loop3A_452 : vector<16xf32> to vector<1x16xf32>
        tpu.vector_store %arg11[%parallel_loop3A_453, %parallel_loop3A_454], %parallel_loop3A_457 {strides = array<i32>} : memref<32x384xf32, #tpu.memory_space<vmem>>, vector<1x16xf32>,
        %parallel_loop3A_458 = arith.index_cast %parallel_loop3A_177 : i32 to index
        %parallel_loop3A_459 = arith.constant 48 : index
        %parallel_loop3A_460 = tpu.vector_load %arg7[%parallel_loop3A_458, %parallel_loop3A_459] {strides = array<i32>} : memref<32x384xf32, #tpu.memory_space<vmem>>, vector<1x16xf32>,
        %parallel_loop3A_461 = vector.shape_cast %parallel_loop3A_460 : vector<1x16xf32> to vector<16xf32>
        %parallel_loop3A_462 = arith.constant 15 : i32
        %parallel_loop3A_463 = vector.broadcast %parallel_loop3A_462 : i32 to vector<16xi32>
        %parallel_loop3A_464 = tpu.iota {dimensions = array<i32: 0>} : vector<16xi32>
        %parallel_loop3A_465 = arith.subi %parallel_loop3A_463, %parallel_loop3A_464 : vector<16xi32>
        %parallel_loop3A_466 = tpu.dynamic_gather %parallel_loop3A_461[%parallel_loop3A_465] in [0] : vector<16xf32>, vector<16xi32> -> vector<16xf32>
        %parallel_loop3A_467 = arith.index_cast %parallel_loop3A_177 : i32 to index
        %parallel_loop3A_468 = arith.constant 320 : index
        %parallel_loop3A_469 = tpu.vector_load %arg11[%parallel_loop3A_467, %parallel_loop3A_468] {strides = array<i32>} : memref<32x384xf32, #tpu.memory_space<vmem>>, vector<1x16xf32>,
        %parallel_loop3A_470 = vector.shape_cast %parallel_loop3A_469 : vector<1x16xf32> to vector<16xf32>
        %parallel_loop3A_471 = vector.shape_cast %parallel_loop3A_466 : vector<16xf32> to vector<1x16xf32>
        tpu.vector_store %arg11[%parallel_loop3A_467, %parallel_loop3A_468], %parallel_loop3A_471 {strides = array<i32>} : memref<32x384xf32, #tpu.memory_space<vmem>>, vector<1x16xf32>,
        %parallel_loop3A_472 = arith.index_cast %parallel_loop3A_177 : i32 to index
        %parallel_loop3A_473 = arith.constant 32 : index
        %parallel_loop3A_474 = tpu.vector_load %arg7[%parallel_loop3A_472, %parallel_loop3A_473] {strides = array<i32>} : memref<32x384xf32, #tpu.memory_space<vmem>>, vector<1x16xf32>,
        %parallel_loop3A_475 = vector.shape_cast %parallel_loop3A_474 : vector<1x16xf32> to vector<16xf32>
        %parallel_loop3A_476 = arith.constant 15 : i32
        %parallel_loop3A_477 = vector.broadcast %parallel_loop3A_476 : i32 to vector<16xi32>
        %parallel_loop3A_478 = tpu.iota {dimensions = array<i32: 0>} : vector<16xi32>
        %parallel_loop3A_479 = arith.subi %parallel_loop3A_477, %parallel_loop3A_478 : vector<16xi32>
        %parallel_loop3A_480 = tpu.dynamic_gather %parallel_loop3A_475[%parallel_loop3A_479] in [0] : vector<16xf32>, vector<16xi32> -> vector<16xf32>
        %parallel_loop3A_481 = arith.index_cast %parallel_loop3A_177 : i32 to index
        %parallel_loop3A_482 = arith.constant 336 : index
        %parallel_loop3A_483 = tpu.vector_load %arg11[%parallel_loop3A_481, %parallel_loop3A_482] {strides = array<i32>} : memref<32x384xf32, #tpu.memory_space<vmem>>, vector<1x16xf32>,
        %parallel_loop3A_484 = vector.shape_cast %parallel_loop3A_483 : vector<1x16xf32> to vector<16xf32>
        %parallel_loop3A_485 = vector.shape_cast %parallel_loop3A_480 : vector<16xf32> to vector<1x16xf32>
        tpu.vector_store %arg11[%parallel_loop3A_481, %parallel_loop3A_482], %parallel_loop3A_485 {strides = array<i32>} : memref<32x384xf32, #tpu.memory_space<vmem>>, vector<1x16xf32>,
        %parallel_loop3A_486 = arith.index_cast %parallel_loop3A_177 : i32 to index
        %parallel_loop3A_487 = arith.constant 16 : index
        %parallel_loop3A_488 = tpu.vector_load %arg7[%parallel_loop3A_486, %parallel_loop3A_487] {strides = array<i32>} : memref<32x384xf32, #tpu.memory_space<vmem>>, vector<1x16xf32>,
        %parallel_loop3A_489 = vector.shape_cast %parallel_loop3A_488 : vector<1x16xf32> to vector<16xf32>
        %parallel_loop3A_490 = arith.constant 15 : i32
        %parallel_loop3A_491 = vector.broadcast %parallel_loop3A_490 : i32 to vector<16xi32>
        %parallel_loop3A_492 = tpu.iota {dimensions = array<i32: 0>} : vector<16xi32>
        %parallel_loop3A_493 = arith.subi %parallel_loop3A_491, %parallel_loop3A_492 : vector<16xi32>
        %parallel_loop3A_494 = tpu.dynamic_gather %parallel_loop3A_489[%parallel_loop3A_493] in [0] : vector<16xf32>, vector<16xi32> -> vector<16xf32>
        %parallel_loop3A_495 = arith.index_cast %parallel_loop3A_177 : i32 to index
        %parallel_loop3A_496 = arith.constant 352 : index
        %parallel_loop3A_497 = tpu.vector_load %arg11[%parallel_loop3A_495, %parallel_loop3A_496] {strides = array<i32>} : memref<32x384xf32, #tpu.memory_space<vmem>>, vector<1x16xf32>,
        %parallel_loop3A_498 = vector.shape_cast %parallel_loop3A_497 : vector<1x16xf32> to vector<16xf32>
        %parallel_loop3A_499 = vector.shape_cast %parallel_loop3A_494 : vector<16xf32> to vector<1x16xf32>
        tpu.vector_store %arg11[%parallel_loop3A_495, %parallel_loop3A_496], %parallel_loop3A_499 {strides = array<i32>} : memref<32x384xf32, #tpu.memory_space<vmem>>, vector<1x16xf32>,
        %parallel_loop3A_500 = arith.index_cast %parallel_loop3A_177 : i32 to index
        %parallel_loop3A_501 = arith.constant 0 : index
        %parallel_loop3A_502 = tpu.vector_load %arg7[%parallel_loop3A_500, %parallel_loop3A_501] {strides = array<i32>} : memref<32x384xf32, #tpu.memory_space<vmem>>, vector<1x16xf32>,
        %parallel_loop3A_503 = vector.shape_cast %parallel_loop3A_502 : vector<1x16xf32> to vector<16xf32>
        %parallel_loop3A_504 = arith.constant 15 : i32
        %parallel_loop3A_505 = vector.broadcast %parallel_loop3A_504 : i32 to vector<16xi32>
        %parallel_loop3A_506 = tpu.iota {dimensions = array<i32: 0>} : vector<16xi32>
        %parallel_loop3A_507 = arith.subi %parallel_loop3A_505, %parallel_loop3A_506 : vector<16xi32>
        %parallel_loop3A_508 = tpu.dynamic_gather %parallel_loop3A_503[%parallel_loop3A_507] in [0] : vector<16xf32>, vector<16xi32> -> vector<16xf32>
        %parallel_loop3A_509 = arith.index_cast %parallel_loop3A_177 : i32 to index
        %parallel_loop3A_510 = arith.constant 368 : index
        %parallel_loop3A_511 = tpu.vector_load %arg11[%parallel_loop3A_509, %parallel_loop3A_510] {strides = array<i32>} : memref<32x384xf32, #tpu.memory_space<vmem>>, vector<1x16xf32>,
        %parallel_loop3A_512 = vector.shape_cast %parallel_loop3A_511 : vector<1x16xf32> to vector<16xf32>
        %parallel_loop3A_513 = vector.shape_cast %parallel_loop3A_508 : vector<16xf32> to vector<1x16xf32>
        tpu.vector_store %arg11[%parallel_loop3A_509, %parallel_loop3A_510], %parallel_loop3A_513 {strides = array<i32>} : memref<32x384xf32, #tpu.memory_space<vmem>>, vector<1x16xf32>,
      } {sc.loop_unroll_factor = 1 : i64, sc.parallel_access}
      %dma_start3A_166 = arith.constant 0 : i32
      %dma_start3A_167 = tpu.memref_slice %arg3[%add3A_153, %dma_start3A_166] : memref<200704x384xf32, #tpu.memory_space<hbm>> -> memref<32x384xf32, #tpu.memory_space<hbm>>
      %dma_start3A_168 = arith.constant 0 : i32
      %dma_start3A_169 = tpu.memref_slice %arg3[%add3A_153, %dma_start3A_168] : memref<200704x384xf32, #tpu.memory_space<hbm>> -> memref<32x384xf32, #tpu.memory_space<hbm>>
      tpu.enqueue_dma source(%arg11 : memref<32x384xf32, #tpu.memory_space<vmem>>) target(%dma_start3A_169 : memref<32x384xf32, #tpu.memory_space<hbm>>) target_semaphore(%arg19 : memref<!tpu.dma_semaphore, #tpu.memory_space<semaphore_mem>>)
      %add3A_170 = arith.constant 4 : i32
      %add3A_171 = arith.addi %add3A_147, %add3A_170 : i32
      %lt3A_172 = arith.constant 196 : i32
      %lt3A_173 = arith.cmpi slt, %add3A_171, %lt3A_172 : i32
      %convert_element_type3A_174 = arith.extui %lt3A_173 : i1 to i32
      %cond3A_175 = arith.constant 0 : i32
      %cond3A_176 = arith.cmpi ne, %convert_element_type3A_174, %cond3A_175 : i32
      scf.if %cond3A_176 {
        %add3A_177 = arith.constant 4 : i32
        %add3A_178 = arith.addi %add3A_147, %add3A_177 : i32
        %mul3A_179 = arith.constant 32 : i32
        %mul3A_180 = arith.muli %add3A_178, %mul3A_179 : i32
        %add3A_181 = arith.addi %mul3A_2, %mul3A_180 : i32
        %dma_start3A_182 = arith.constant 0 : i32
        %dma_start3A_183 = tpu.memref_slice %arg2[%add3A_181, %dma_start3A_182] : memref<200704x384xf32, #tpu.memory_space<hbm>> -> memref<32x384xf32, #tpu.memory_space<hbm>>
        %dma_start3A_184 = arith.constant 0 : i32
        %dma_start3A_185 = tpu.memref_slice %arg2[%add3A_181, %dma_start3A_184] : memref<200704x384xf32, #tpu.memory_space<hbm>> -> memref<32x384xf32, #tpu.memory_space<hbm>>
        tpu.enqueue_dma source(%dma_start3A_185 : memref<32x384xf32, #tpu.memory_space<hbm>>) target(%arg7 : memref<32x384xf32, #tpu.memory_space<vmem>>) target_semaphore(%arg15 : memref<!tpu.dma_semaphore, #tpu.memory_space<semaphore_mem>>)
      } else {
      }
    }
    %scan3A_29 = arith.constant 49 : i32
    %add3A_30 = arith.constant 6144 : i32
    %add3A_31 = arith.addi %mul3A_2, %add3A_30 : i32
    %dma_wait3A = arith.constant 0 : i32
    %dma_wait3A_32 = tpu.memref_slice %arg3[%add3A_31, %dma_wait3A] : memref<200704x384xf32, #tpu.memory_space<hbm>> -> memref<32x384xf32, #tpu.memory_space<hbm>>
    %dma_wait3A_33 = arith.constant 0 : i32
    %dma_wait3A_34 = tpu.memref_slice %arg3[%add3A_31, %dma_wait3A_33] : memref<200704x384xf32, #tpu.memory_space<hbm>> -> memref<32x384xf32, #tpu.memory_space<hbm>>
    tpu.wait_dma2 semaphore(%arg16 : memref<!tpu.dma_semaphore, #tpu.memory_space<semaphore_mem>>) src(%arg8 : memref<32x384xf32, #tpu.memory_space<vmem>>) dst(%dma_wait3A_34 : memref<32x384xf32, #tpu.memory_space<hbm>>)
    %add3A_35 = arith.constant 6176 : i32
    %add3A_36 = arith.addi %mul3A_2, %add3A_35 : i32
    %dma_wait3A_37 = arith.constant 0 : i32
    %dma_wait3A_38 = tpu.memref_slice %arg3[%add3A_36, %dma_wait3A_37] : memref<200704x384xf32, #tpu.memory_space<hbm>> -> memref<32x384xf32, #tpu.memory_space<hbm>>
    %dma_wait3A_39 = arith.constant 0 : i32
    %dma_wait3A_40 = tpu.memref_slice %arg3[%add3A_36, %dma_wait3A_39] : memref<200704x384xf32, #tpu.memory_space<hbm>> -> memref<32x384xf32, #tpu.memory_space<hbm>>
    tpu.wait_dma2 semaphore(%arg17 : memref<!tpu.dma_semaphore, #tpu.memory_space<semaphore_mem>>) src(%arg9 : memref<32x384xf32, #tpu.memory_space<vmem>>) dst(%dma_wait3A_40 : memref<32x384xf32, #tpu.memory_space<hbm>>)
    %add3A_41 = arith.constant 6208 : i32
    %add3A_42 = arith.addi %mul3A_2, %add3A_41 : i32
    %dma_wait3A_43 = arith.constant 0 : i32
    %dma_wait3A_44 = tpu.memref_slice %arg3[%add3A_42, %dma_wait3A_43] : memref<200704x384xf32, #tpu.memory_space<hbm>> -> memref<32x384xf32, #tpu.memory_space<hbm>>
    %dma_wait3A_45 = arith.constant 0 : i32
    %dma_wait3A_46 = tpu.memref_slice %arg3[%add3A_42, %dma_wait3A_45] : memref<200704x384xf32, #tpu.memory_space<hbm>> -> memref<32x384xf32, #tpu.memory_space<hbm>>
    tpu.wait_dma2 semaphore(%arg18 : memref<!tpu.dma_semaphore, #tpu.memory_space<semaphore_mem>>) src(%arg10 : memref<32x384xf32, #tpu.memory_space<vmem>>) dst(%dma_wait3A_46 : memref<32x384xf32, #tpu.memory_space<hbm>>)
    %add3A_47 = arith.constant 6240 : i32
    %add3A_48 = arith.addi %mul3A_2, %add3A_47 : i32
    %dma_wait3A_49 = arith.constant 0 : i32
    %dma_wait3A_50 = tpu.memref_slice %arg3[%add3A_48, %dma_wait3A_49] : memref<200704x384xf32, #tpu.memory_space<hbm>> -> memref<32x384xf32, #tpu.memory_space<hbm>>
    %dma_wait3A_51 = arith.constant 0 : i32
    %dma_wait3A_52 = tpu.memref_slice %arg3[%add3A_48, %dma_wait3A_51] : memref<200704x384xf32, #tpu.memory_space<hbm>> -> memref<32x384xf32, #tpu.memory_space<hbm>>
    tpu.wait_dma2 semaphore(%arg19 : memref<!tpu.dma_semaphore, #tpu.memory_space<semaphore_mem>>) src(%arg11 : memref<32x384xf32, #tpu.memory_space<vmem>>) dst(%dma_wait3A_52 : memref<32x384xf32, #tpu.memory_space<hbm>>)
    return
  }
}

</mosaic_0001>

<sc_bundles>
// kernel: kernel.3.cloned.1.call-start
scs
__scs_entry_jumppad:
0x0: {  	(pc) =	sbr.rel $0x88, $3  }
0x1: {  	(tag) =	ssettag $0x0;
	lr =	simm.s32 $0x1  }
0x2: {  	[smem:$0x3FA0] =	sst lr;
	_ =	strace $0xD0000000  }
0x3: {  	_ = 	snop  }
0x4: {  	_ = 	snop  }
0x5: {  	_ = 	snop  }
0x6: {  	_ = 	snop  }
0x7: {  	_ = 	snop  }
__scs_overlays_trampoline_lowered:
0x8: {  	[smem:$0x3FAF] =	sst s0  }
0x9: {  	[smem:$0x3FB0] =	sst s1  }
0xa: {  	[smem:$0x3FB1] =	sst s2  }
0xb: {  	[smem:$0x3FB2] =	sst s3  }
0xc: {  	[smem:$0x3FB3] =	sst s4  }
0xd: {  	[smem:$0x3FB4] =	sst s5  }
0xe: {  	[smem:$0x3FB5] =	sst s6  }
0xf: {  	[smem:$0x3FB6] =	sst s7  }
0x10: {  	[smem:$0x3FB7] =	sst s8  }
0x11: {  	[smem:$0x3FB8] =	sst s9;
	s0 =	simm.s32 @!p0 $0x0  }
0x12: {  	s1 =	sld [smem:$0x3F9E];
	s0 =	simm.s32 @p0 $0x1  }
0x13: {  	[smem:$0x3FB9] =	sst s0;
	s0 =	simm.s32 @!p1 $0x0  }
0x14: {  	s2 =	sld [smem:$0x3F9D];
	s0 =	simm.s32 @p1 $0x1  }
0x15: {  	[smem:$0x3FBA] =	sst s0;
	s0 =	simm.s32 @!p2 $0x0  }
0x16: {  	s3 =	sld [smem:$0x3FDB];
	s0 =	simm.s32 @p2 $0x1  }
0x17: {  	s4 =	simm.s32 $0x1BF5;
	[smem:$0x3FBC] =	sst s0  }
0x18: {  	s0 =	sld [smem:$0x3F9F];
	_ =	swait.ge [sflag:s4], $0x0  }
0x19: {  	s7 =	sld [smem:$0x3FA0]  }
0x1a: {  	s8 =	sadd.s32 $0xFFFFE003, lr  }
0x1b: {  	s9 =	sadd.s32 $0xFFFFFEF7, lr;
	s5 =	simm.s32 $0xFFFFFFFF;
	p2 =	slt.u32 s8, $0xFFFFF086  }
0x1c: {  	p1 =	slt.u32 s9, $0xF7A;
	s5 =	simm.s32 @!p2 $0x0  }
0x1d: {  	s5 =	simm.s32 @p1 $0x1;
	p0 =	seq.s32 s7, s2  }
0x1e: {  	s7 =	smul.u32 @!p0 $0xF7A, s2;
	p2 =	seq.s32 @!p0 s5, $0x0  }
0x1f: {  	s9 =	smul.u32 $0xF7A, s1;
	s8 =	simm.s32 @!p0 $0x1BF5;
	p2 =	por !p2, p0  }
0x20: {  	[sflag:s8] =	ssyncset.s32 @!p0 $0xFFFFF086;
	s6 =	sadd.s32 @!p0 s3, s7;
	s7 =	simm.s32 @!p0 $0x108  }
0x21: {  	s3 =	sadd.s32 s3, s9;
	s6 =	sadd.s32 @!p0 $0x88, s6;
	s7 =	simm.s32 @p2 $0x1082  }
0x22: {  	[simem:s7], [sflag:s8] =	dma.local @!p0 [hbm:s6], $0xF7A  }
0x23: {  	s9 =	sor.u32 $0xD0000000, s2;
	s6 =	simm.s32 $0x108;
	_ =	swait.ge @!p0 [sflag:s8], $0x0  }
0x24: {  	s3 =	sadd.s32 $0x88, s3;
	s6 =	simm.s32 @!p1 $0x1082;
	[sflag:s4] =	ssyncset.s32 $0xFFFFF086  }
0x25: {  	[simem:s6], [sflag:s4] =	dma.local [hbm:s3], $0xF7A  }
0x26: {  	[smem:$0x3FA0] =	sst s1;
	(tag) =	ssettag s2;
	_ =	strace s9  }
0x27: {  	s1 =	sld [smem:$0x3FB0]  }
0x28: {  	s2 =	sld [smem:$0x3FB1]  }
0x29: {  	s4 =	sld [smem:$0x3FB3]  }
0x2a: {  	p0 =	seq.s32 s5, $0x0;
	s5 =	sld [smem:$0x3FB4]  }
0x2b: {  	s6 =	sld [smem:$0x3FB5]  }
0x2c: {  	s7 =	sld [smem:$0x3FB6]  }
0x2d: {  	s3 =	simm.s32 $0x108;
	s8 =	sld [smem:$0x3FB7]  }
0x2e: {  	s3 =	simm.s32 @!p0 $0x1082;
	s9 =	sld [smem:$0x3FB8]  }
0x2f: {  	lr =	sadd.s32 s0, s3;
	s0 =	sld [smem:$0x3FAF]  }
0x30: {  	s3 =	sld [smem:$0x3FB2]  }
0x31: {  	[smem:$0x3FBB] =	sst s10  }
0x32: {  	s10 =	sld [smem:$0x3FB9];
	_ =	sdelay $0x3  }
0x33: {  	p0 =	seq.s32 s10, $0x1;
	s10 =	sld [smem:$0x3FBB];
	_ =	sdelay $0x3  }
0x34: {  	[smem:$0x3FBB] =	sst s10  }
0x35: {  	s10 =	sld [smem:$0x3FBA];
	_ =	sdelay $0x3  }
0x36: {  	p1 =	seq.s32 s10, $0x1;
	s10 =	sld [smem:$0x3FBB];
	_ =	sdelay $0x3  }
0x37: {  	[smem:$0x3FBB] =	sst s10  }
0x38: {  	s10 =	sld [smem:$0x3FBC]  }
0x39: {  	_ = 	snop;
	(pc) =	sbr.ind lr, $3  }
0x3a: {  	_ = 	snop  }
0x3b: {  	_ = 	snop  }
0x3c: {  	p2 =	seq.s32 s10, $0x1;
	s10 =	sld [smem:$0x3FBB]  }
0x3d: {  	_ =	shalt  }
0x3e: {  	_ =	shalt  }
0x3f: {  	_ =	shalt  }
0x40: {  	_ =	shalt  }
0x41: {  	_ =	shalt  }
0x42: {  	_ =	shalt  }
0x43: {  	_ =	shalt  }
0x44: {  	_ =	shalt  }
0x45: {  	_ =	shalt  }
0x46: {  	_ =	shalt  }
0x47: {  	_ =	shalt  }
0x48: {  	_ =	shalt  }
0x49: {  	_ =	shalt  }
0x4a: {  	_ =	shalt  }
0x4b: {  	_ =	shalt  }
0x4c: {  	_ =	shalt  }
0x4d: {  	_ =	shalt  }
0x4e: {  	_ =	shalt  }
0x4f: {  	_ =	shalt  }
0x50: {  	_ =	shalt  }
0x51: {  	_ =	shalt  }
0x52: {  	_ =	shalt  }
0x53: {  	_ =	shalt  }
0x54: {  	_ =	shalt  }
0x55: {  	_ =	shalt  }
0x56: {  	_ =	shalt  }
0x57: {  	_ =	shalt  }
0x58: {  	_ =	shalt  }
0x59: {  	_ =	shalt  }
0x5a: {  	_ =	shalt  }
0x5b: {  	_ =	shalt  }
0x5c: {  	_ =	shalt  }
0x5d: {  	_ =	shalt  }
0x5e: {  	_ =	shalt  }
0x5f: {  	_ =	shalt  }
0x60: {  	_ =	shalt  }
0x61: {  	_ =	shalt  }
0x62: {  	_ =	shalt  }
0x63: {  	_ =	shalt  }
0x64: {  	_ =	shalt  }
0x65: {  	_ =	shalt  }
0x66: {  	_ =	shalt  }
0x67: {  	_ =	shalt  }
0x68: {  	_ =	shalt  }
0x69: {  	_ =	shalt  }
0x6a: {  	_ =	shalt  }
0x6b: {  	_ =	shalt  }
0x6c: {  	_ =	shalt  }
0x6d: {  	_ =	shalt  }
0x6e: {  	_ =	shalt  }
0x6f: {  	_ =	shalt  }
0x70: {  	_ =	shalt  }
0x71: {  	_ =	shalt  }
0x72: {  	_ =	shalt  }
0x73: {  	_ =	shalt  }
0x74: {  	_ =	shalt  }
0x75: {  	_ =	shalt  }
0x76: {  	_ =	shalt  }
0x77: {  	_ =	shalt  }
0x78: {  	_ =	shalt  }
0x79: {  	_ =	shalt  }
0x7a: {  	_ =	shalt  }
0x7b: {  	_ =	shalt  }
0x7c: {  	_ =	shalt  }
0x7d: {  	_ =	shalt  }
0x7e: {  	_ =	shalt  }
0x7f: {  	_ =	shalt  }
0x80: {  	_ =	shalt  }
0x81: {  	_ =	shalt  }
0x82: {  	_ =	shalt  }
0x83: {  	_ =	shalt  }
0x84: {  	_ =	shalt  }
0x85: {  	_ =	shalt  }
0x86: {  	_ =	shalt  }
0x87: {  	_ =	shalt  }
.Lfunc_end0:
.L_simem_size_0:
called_computation_lowered:
.L_overlay_start_0:
0x88: {  	s2 =	sld [smem:$0x3FD9]  }
0x89: {  	s3 =	sld [smem:$0x3FFE];
	_ =	sdelay $0x1  }
0x8a: {  	s1 =	srdreg.scid  }
0x8b: {  	s0 =	sand.u32 $0x1, s1  }
0x8c: {  	s18 =	sshll.u32 s0, $0xA;
	s2 =	sadd.s32 s3, s2  }
0x8d: {  	s2 =	sadd.s32 s2, s18  }
0x8e: {  	[smem:$0x3FC7] =	sst s2  }
0x8f: {  	_ = 	snop  }
0x90: {  	s2 =	sld [smem:$0x3FC9]  }
0x91: {  	s19 =	sld [smem:$0x3FD0];
	(tm) =	ssettm $0x1  }
0x92: {  	s4 =	sld [smem:$0x3FFB];
	_ =	sdelay $0x3  }
0x93: {  	_ =	strace s4  }
0x94: {  	s4 =	sld [smem:$0x3FFC];
	_ =	sdelay $0x3  }
0x95: {  	_ =	strace s4  }
0x96: {  	s4 =	sld [smem:$0x3FFD];
	_ =	sdelay $0x3  }
0x97: {  	_ =	strace s4  }
0x98: {  	_ =	strace $0x8FFFFFFF  }
0x99: {  	s20 =	sld [smem:$0x3FDB];
	_ =	sdelay $0x1  }
0x9a: {  	s5 =	simm.s32 $_scs_section_size  }
0x9b: {  	s6 =	simm.s32 $_size__tile_overlayer_lowered;
	s7 =	simm.s32 $_tile_overlayer_lowered  }
0x9c: {  	s23 =	simm.s32 $0x1BFF;
	s22 =	sshll.u32 s7, $0x1;
	s4 =	sadd.s32 s5, s20  }
0x9d: {  	s8 =	simm.s32 $0x0;
	s21 =	sshll.u32 s6, $0x1;
	s6 =	sadd.s32 s22, s4  }
0x9e: {  	[timem:s8], [sflag:s23] =	dma.local [hbm:s6], s21  }
0x9f: {  	_ =	swait.ge [sflag:s23], s21  }
0xa0: {  	s5 =	ssub.s32 $0x0, s21;
	[sflag:s23] =	ssyncset.done $0x0  }
0xa1: {  	[sflag:s23] =	ssyncadd.s32 s5;
	_ =	sdelay $0x1  }
0xa2: {  	s24 =	simm.s32 $0x1B8B  }
0xa3: {  	_ =	swait.ge [sflag:s24], $0x1  }
0xa4: {  	[sflag:s24] =	ssyncset.done $0x0  }
0xa5: {  	s25 =	simm.s32 $0x1B8E;
	[sflag:s24] =	ssyncadd.s32 $0xFFFFFFFF  }
0xa6: {  	s26 =	simm.s32 $execute0_lowered;
	[smem:$0x3FD2] =	sst s25  }
0xa7: {  	s5 =	sshll.u32 s26, $0x1;
	_ =	strace $0x80000046;
	[dreg:$0x1] =	wrdreg $0xFFFFFFFF  }
0xa8: {  	s28 =	simm.s32 $_size_execute0_lowered;
	s4 =	sadd.s32 s4, s5;
	[dreg:$0x0] =	wrdreg $0x0  }
0xa9: {  	s5 =	sshll.u32 s28, $0x1;
	[dreg:$0x2] =	wrdreg s4  }
0xaa: {  	[dreg:$0x3] =	wrdreg s5  }
0xab: {  	[dreg:$0x4] =	wrdreg $0xC0  }
0xac: {  	_ =	task [dreg:s8], $0x5FFFF  }
0xad: {  	[dreg:$0x1] =	wrdreg $0xFFFFFFFF  }
0xae: {  	[dreg:$0x0] =	wrdreg $0x60  }
0xaf: {  	[dreg:$0x2] =	wrdreg s2  }
0xb0: {  	[dreg:$0x3] =	wrdreg s19  }
0xb1: {  	[dreg:$0x4] =	wrdreg $0x9  }
0xb2: {  	_ =	task.clear_ibuf [dreg:s8], $0x5FFFF;
	_ =	strace $0x90000046  }
0xb3: {  	s29 =	simm.s32 $0x9;
	_ =	strace $0x80000048  }
0xb4: {  	_ =	swait.ge [sflag:s29], $0x1  }
0xb5: {  	[sflag:s29] =	ssyncadd.s32 $0xFFFFFFFF  }
0xb6: {  	_ =	strace $0x90000048  }
0xb7: {  	_ =	sfence  }
0xb8: {  	s30 =	sld [smem:$0x0];
	_ =	sdelay $0x2  }
0xb9: {  	s31 =	sshll.u32 s1, $0xD;
	s1 =	sshrl.u32 s1, $0x2  }
0xba: {  	s3 =	sand.u32 $0x4000, s31;
	s1 =	sadd.s32 s1, s30  }
0xbb: {  	s0 =	sor.u32 s3, s0;
	s1 =	sshll.u32 s1, $0x11  }
0xbc: {  	s0 =	sor.u32 s1, s0  }
0xbd: {  	s0 =	sadd.s32 $0x8F2B, s0  }
0xbe: {  	[sflag:s0] =	ssyncadd.remote.s32 $0x1  }
0xbf: {  	_ =	sfence.sel $0xFFFF  }
0xc0: {  	[dreg:$0x0] =	wrdreg $0xFFFFFFFF;
	(pc) =	sbr.abs _section_cstart, $3  }
0xc1: {  	[dreg:$0x1] =	wrdreg $0xFFFFFFFF  }
0xc2: {  	_ =	task.clear_ibuf [dreg:s8], $0x2FFFF;
	_ =	strace $0x9FFFFFFF  }
0xc3: {  	(tm) =	ssettm $0x7FFFFFFF  }
tec
execute0_lowered:
.L_overlay_start_1:
0x0: {  	(tag) =	ssettag $0x1  }
0x1: {  	s0 =	srdreg.scid;
	s3 =	rddreg [dreg:$0x0]  }
0x2: {  	s1 =	stileid.u32;
	s4 =	rddreg [dreg:$0x1]  }
0x3: {  	s5 =	simm.s32 $0x0;
	s20 =	simm.s32 $0x9000;
	s21 =	simm.s32 $0x1  }
0x4: {  	s22 =	simm.s32 $0xC000;
	s23 =	simm.s32 $0x2;
	s24 =	simm.s32 $0xF000  }
0x5: {  	s28 =	simm.s32 $0x4;
	s0 =	sand.u32 $0x1, s0;
	s1 =	sshll.u32 s1, $0x1  }
0x6: {  	s29 =	simm.s32 $0x15000;
	s1 =	sor.u32 s0, s1;
	s0 =	ssub.s32 $0x2, s0  }
0x7: {  	[smem:$0x7FF] =	sst s5;
	s2 =	smul.u32 $0x1880, s1;
	s7 =	sshrl.u32 s0, $0x1  }
0x8: {  	s18 =	simm.s32 $0x0;
	_ =	strace $0x80000047;
	s0 =	ssub.s32 s0, s7  }
0x9: {  	s1 =	sshrl.u32 s2, $0x3;
	s10 =	sadd.s32 $0x80, s2;
	s11 =	sor.u32 $0x20, s2  }
0xa: {  	s12 =	sadd.s32 $0xA0, s2;
	s13 =	sor.u32 $0x40, s2;
	s6 =	smul.u32 $0xC00, s1  }
0xb: {  	s14 =	sadd.s32 $0xC0, s2;
	s0 =	smax.u32 s0, $0x1;
	s1 =	smul.u32 $0x180, s1  }
0xc: {  	s15 =	sor.u32 $0x60, s2;
	s16 =	sadd.s32 $0xE0, s2;
	[dreg:$0x7] =	wrdreg s0  }
.Ltmp0:
0xd: {  	s6 =	sshrl.u32 s6, $0x3;
	s25 =	sadd.s32 s3, s1;
	(pc) =	sbr.rel .LBB2_1-.Ltmp0, $4  }
0xe: {  	v0 =	vlaneseq.u32;
	s26 =	sadd.s32 s3, s6;
	[dreg:$0x3] =	wrdreg s25;
	s30 =	sadd.s32 $0x600, s25  }
0xf: {  	v0 =	vmul.u32 $0xFFFFFFFF, v0;
	s0 =	simm.s32 $0x8;
	[dreg:$0x4] =	wrdreg s30;
	s31 =	sadd.s32 $0xC00, s26  }
0x10: {  	s25 =	simm.s32 $0x3;
	s1 =	sadd.s32 $0x1200, s26;
	[dreg:$0x5] =	wrdreg s31  }
0x11: {  	v0 =	vadd.s32 $0xF, v0;
	s26 =	simm.s32 $0x12000;
	[dreg:$0x6] =	wrdreg s1;
	s1 =	simm.s32 $0x7  }
.LBB2_12:
0x12: {  	s6 =	simm.s32 $0x5  }
0x13: {  	_ =	swait.ge [sflag:s6], $0x3000  }
0x14: {  	[sflag:s6] =	ssyncset.done $0x0  }
0x15: {  	s30 =	simm.s32 $0x6;
	[sflag:s6] =	ssyncadd.s32 $0xFFFFD000  }
0x16: {  	_ =	swait.ge [sflag:s30], $0x3000  }
0x17: {  	[sflag:s30] =	ssyncset.done $0x0  }
0x18: {  	[sflag:s30] =	ssyncadd.s32 $0xFFFFD000  }
0x19: {  	_ =	swait.ge [sflag:s1], $0x3000  }
0x1a: {  	[sflag:s1] =	ssyncset.done $0x0  }
0x1b: {  	[sflag:s1] =	ssyncadd.s32 $0xFFFFD000  }
0x1c: {  	_ =	swait.ge [sflag:s0], $0x3000  }
0x1d: {  	s18 =	sadd.s32 $0x1, s18;
	s31 =	rddreg [dreg:$0x7]  }
0x1e: {  	p0 =	sne.s32 s18, s31  }
.Ltmp1:
0x1f: {  	_ = 	snop;
	(pc) =	sbr.rel @!p0 .LBB2_13-.Ltmp1, $3  }
0x20: {  	_ =	sdelay $0x1  }
0x21: {  	[sflag:s0] =	ssyncset.done $0x0  }
0x22: {  	[sflag:s0] =	ssyncadd.s32 $0xFFFFD000  }
.LBB2_1:
0x23: {  	s6 =	rddreg [dreg:$0x3]  }
0x24: {  	[tilespmem:s5], [sflag:$0x1] =	stream.linear.gather [hbm4b:s6+s5], $0x3000, $0x38;
	[tilespmem:$0x18000] =	vst v63  }
0x25: {  	s17 =	rddreg [dreg:$0x4];
	s7 =	simm.s32 $0x3000  }
0x26: {  	[tilespmem:s7], [sflag:$0x2] =	stream.linear.gather [hbm4b:s17+s5], $0x3000, $0x38;
	[tilespmem:$0x18000] =	vst v63  }
0x27: {  	s19 =	rddreg [dreg:$0x5];
	s30 =	simm.s32 $0x6000  }
0x28: {  	[tilespmem:s30], [sflag:$0x3] =	stream.linear.gather [hbm4b:s19+s5], $0x3000, $0x38;
	[tilespmem:$0x18000] =	vst v63  }
0x29: {  	s31 =	rddreg [dreg:$0x6];
	s19 =	simm.s32 $0x0  }
0x2a: {  	[tilespmem:s20], [sflag:$0x4] =	stream.linear.gather [hbm4b:s31+s5], $0x3000, $0x38;
	[tilespmem:$0x18000] =	vst v63  }
.LBB2_2:
0x2b: {  	_ =	swait.ge [sflag:s21], $0x3000  }
0x2c: {  	p0 =	seq.s32 s19, $0x0;
	[sflag:s21] =	ssyncset.done $0x0  }
0x2d: {  	s7 =	simm.s32 $0x0;
	s6 =	simm.s32 @!p0 $0x5;
	[sflag:s21] =	ssyncadd.s32 $0xFFFFD000  }
0x2e: {  	s17 =	simm.s32 $0x0;
	s7 =	smul.u32 $0xC00, s7;
	_ =	swait.ge @!p0 [sflag:s6], $0x3000  }
0x2f: {  	s8 =	sand.u32 $0x380, s17;
	[sflag:s6] =	ssyncset.done @!p0 $0x0  }
0x30: {  	s9 =	sor.u32 s8, s7;
	[sflag:s6] =	ssyncadd.s32 @!p0 $0xFFFFD000  }
0x31: {  	v1 =	vld [tilespmem:s9+$0x0]  }
0x32: {  	v2 =	vld [tilespmem:s9+$0x870]  }
0x33: {  	v3 =	vld [tilespmem:s9+$0x860]  }
0x34: {  	v4 =	vld [tilespmem:s9+$0x850]  }
0x35: {  	v5 =	vld [tilespmem:s9+$0x840]  }
0x36: {  	v6 =	vld [tilespmem:s9+$0x830]  }
0x37: {  	v7 =	vld [tilespmem:s9+$0x820];
	v1 =	vperm.xlane v1, v0  }
0x38: {  	v2 =	vperm.xlane v2, v0  }
0x39: {  	[tilespmem:s9+$0xC870] =	vst v1;
	v1 =	vperm.xlane v3, v0  }
0x3a: {  	v8 =	vld [tilespmem:s9+$0x810];
	[tilespmem:s9+$0xC000] =	vst v2;
	v3 =	vperm.xlane v4, v0  }
0x3b: {  	v2 =	vld [tilespmem:s9+$0x800];
	v4 =	vperm.xlane v5, v0;
	[tilespmem:s9+$0xC010] =	vst v1  }
0x3c: {  	v5 =	vperm.xlane v6, v0;
	v6 =	vperm.xlane v7, v0;
	v1 =	vld [tilespmem:s9+$0x470];
	[tilespmem:s9+$0xC020] =	vst v3  }
0x3d: {  	v3 =	vld [tilespmem:s9+$0x460];
	[tilespmem:s9+$0xC030] =	vst v4  }
0x3e: {  	[tilespmem:s9+$0xC050] =	vst v6;
	v6 =	vld [tilespmem:s9+$0x430]  }
0x3f: {  	v4 =	vld [tilespmem:s9+$0x450];
	[tilespmem:s9+$0xC040] =	vst v5;
	v5 =	vperm.xlane v8, v0  }
0x40: {  	v7 =	vld [tilespmem:s9+$0x440];
	v2 =	vperm.xlane v2, v0  }
0x41: {  	v8 =	vld [tilespmem:s9+$0x420];
	[tilespmem:s9+$0xC060] =	vst v5;
	v1 =	vperm.xlane v1, v0  }
0x42: {  	v9 =	vld [tilespmem:s9+$0x410];
	[tilespmem:s9+$0xC070] =	vst v2;
	v2 =	vperm.xlane v3, v0  }
0x43: {  	v5 =	vld [tilespmem:s9+$0x400];
	v6 =	vperm.xlane v6, v0;
	[tilespmem:s9+$0xC400] =	vst v1  }
0x44: {  	v3 =	vld [tilespmem:s9+$0x70];
	v1 =	vperm.xlane v4, v0;
	[tilespmem:s9+$0xC410] =	vst v2  }
0x45: {  	v4 =	vperm.xlane v7, v0;
	v2 =	vld [tilespmem:s9+$0x60];
	[tilespmem:s9+$0xC440] =	vst v6  }
0x46: {  	s7 =	sshll.u32 s19, $0x7;
	v6 =	vperm.xlane v8, v0;
	[tilespmem:s9+$0xC420] =	vst v1;
	v1 =	vld [tilespmem:s9+$0x50]  }
0x47: {  	s30 =	simm.s32 $0x0;
	s8 =	sadd.s32 s2, s7;
	s6 =	simm.s32 $0x2;
	v7 =	vperm.xlane v9, v0;
	[tilespmem:s9+$0xC430] =	vst v4;
	v4 =	vld [tilespmem:s9+$0x40]  }
.LBB2_3:
0x48: {  	p1 =	sne.s32 s6, $0x1F;
	s30 =	smul.u32 $0xC00, s30;
	[tilespmem:s9+$0xC450] =	vst v6;
	v5 =	vperm.xlane v5, v0;
	v6 =	vld [tilespmem:s9+$0x30];
	s17 =	sadd.s32 $0x80, s17  }
0x49: {  	s31 =	sand.u32 $0x380, s17;
	[tilespmem:s9+$0xC460] =	vst v7;
	v3 =	vperm.xlane v3, v0;
	v7 =	vld [tilespmem:s9+$0x20]  }
0x4a: {  	s30 =	sor.u32 s31, s30;
	[tilespmem:s9+$0xC470] =	vst v5;
	v2 =	vperm.xlane v2, v0;
	v5 =	vld [tilespmem:s9+$0x10]  }
0x4b: {  	v8 =	vld [tilespmem:s30+$0x0];
	[tilespmem:s9+$0xC800] =	vst v3;
	v1 =	vperm.xlane v1, v0  }
0x4c: {  	v3 =	vld [tilespmem:s30+$0x870];
	[tilespmem:s9+$0xC810] =	vst v2;
	v2 =	vperm.xlane v4, v0  }
0x4d: {  	v4 =	vld [tilespmem:s30+$0x860];
	[tilespmem:s9+$0xC820] =	vst v1;
	v1 =	vperm.xlane v6, v0  }
0x4e: {  	v6 =	vld [tilespmem:s30+$0x850];
	[tilespmem:s9+$0xC830] =	vst v2;
	v2 =	vperm.xlane v7, v0  }
0x4f: {  	v7 =	vld [tilespmem:s30+$0x840];
	[tilespmem:s9+$0xC840] =	vst v1;
	v1 =	vperm.xlane v5, v0  }
0x50: {  	v5 =	vld [tilespmem:s30+$0x830];
	v8 =	vperm.xlane v8, v0;
	[tilespmem:s9+$0xC850] =	vst v2  }
0x51: {  	v2 =	vperm.xlane v3, v0;
	v3 =	vld [tilespmem:s30+$0x820];
	[tilespmem:s9+$0xC860] =	vst v1;
	s9 =	smov.u32 s30  }
0x52: {  	v1 =	vperm.xlane v4, v0;
	v4 =	vld [tilespmem:s9+$0x810];
	[tilespmem:s9+$0xC870] =	vst v8  }
0x53: {  	[tilespmem:s9+$0xC000] =	vst v2;
	v2 =	vperm.xlane v6, v0;
	v6 =	vld [tilespmem:s9+$0x800]  }
0x54: {  	[tilespmem:s9+$0xC010] =	vst v1;
	v1 =	vperm.xlane v7, v0;
	v7 =	vld [tilespmem:s9+$0x470]  }
0x55: {  	[tilespmem:s9+$0xC020] =	vst v2;
	v2 =	vperm.xlane v5, v0;
	v5 =	vld [tilespmem:s9+$0x460]  }
0x56: {  	[tilespmem:s9+$0xC030] =	vst v1;
	v1 =	vperm.xlane v3, v0;
	v3 =	vld [tilespmem:s9+$0x450]  }
0x57: {  	[tilespmem:s9+$0xC040] =	vst v2;
	v2 =	vperm.xlane v4, v0;
	v4 =	vld [tilespmem:s9+$0x440]  }
0x58: {  	[tilespmem:s9+$0xC050] =	vst v1;
	v1 =	vperm.xlane v6, v0;
	v6 =	vld [tilespmem:s9+$0x430]  }
0x59: {  	[tilespmem:s9+$0xC060] =	vst v2;
	v2 =	vperm.xlane v7, v0;
	v7 =	vld [tilespmem:s9+$0x420]  }
0x5a: {  	[tilespmem:s9+$0xC070] =	vst v1;
	v1 =	vperm.xlane v5, v0;
	v8 =	vld [tilespmem:s9+$0x410]  }
.Ltmp2:
0x5b: {  	[tilespmem:s9+$0xC400] =	vst v2;
	v2 =	vperm.xlane v3, v0;
	v5 =	vld [tilespmem:s9+$0x400];
	(pc) =	sbr.rel @p1 .LBB2_3-.Ltmp2, $4  }
0x5c: {  	[tilespmem:s9+$0xC410] =	vst v1;
	v1 =	vperm.xlane v4, v0;
	v3 =	vld [tilespmem:s9+$0x70]  }
0x5d: {  	[tilespmem:s9+$0xC420] =	vst v2;
	v4 =	vperm.xlane v6, v0;
	v2 =	vld [tilespmem:s9+$0x60]  }
0x5e: {  	[tilespmem:s9+$0xC430] =	vst v1;
	v6 =	vperm.xlane v7, v0;
	v1 =	vld [tilespmem:s9+$0x50]  }
0x5f: {  	s30 =	sshrl.u32 s6, $0x3;
	s6 =	sadd.s32 $0x1, s6;
	[tilespmem:s9+$0xC440] =	vst v4;
	v7 =	vperm.xlane v8, v0;
	v4 =	vld [tilespmem:s9+$0x40]  }
0x60: {  	[tilespmem:s9+$0xC450] =	vst v6;
	v6 =	vld [tilespmem:s9+$0x30];
	v5 =	vperm.xlane v5, v0;
	s6 =	smul.u32 $0xC00, s30;
	s17 =	sadd.s32 $0x80, s17  }
0x61: {  	[tilespmem:s9+$0xC460] =	vst v7;
	v7 =	vld [tilespmem:s9+$0x20];
	s17 =	sand.u32 $0x380, s17;
	v3 =	vperm.xlane v3, v0  }
0x62: {  	[tilespmem:s9+$0xC470] =	vst v5;
	s6 =	sor.u32 s17, s6;
	v2 =	vperm.xlane v2, v0;
	v5 =	vld [tilespmem:s9+$0x10]  }
0x63: {  	v8 =	vld [tilespmem:s6+$0x0];
	[tilespmem:s9+$0xC800] =	vst v3;
	v1 =	vperm.xlane v1, v0  }
0x64: {  	v3 =	vld [tilespmem:s6+$0x870];
	[tilespmem:s9+$0xC810] =	vst v2;
	v2 =	vperm.xlane v4, v0  }
0x65: {  	v4 =	vld [tilespmem:s6+$0x860];
	[tilespmem:s9+$0xC820] =	vst v1;
	v1 =	vperm.xlane v6, v0  }
0x66: {  	v6 =	vld [tilespmem:s6+$0x850];
	[tilespmem:s9+$0xC830] =	vst v2;
	v2 =	vperm.xlane v7, v0  }
0x67: {  	v7 =	vld [tilespmem:s6+$0x840];
	[tilespmem:s9+$0xC840] =	vst v1;
	v1 =	vperm.xlane v5, v0  }
0x68: {  	v5 =	vld [tilespmem:s6+$0x830];
	v8 =	vperm.xlane v8, v0;
	[tilespmem:s9+$0xC850] =	vst v2  }
0x69: {  	v2 =	vperm.xlane v3, v0;
	v3 =	vld [tilespmem:s6+$0x820];
	[tilespmem:s9+$0xC860] =	vst v1  }
0x6a: {  	v1 =	vperm.xlane v4, v0;
	v4 =	vld [tilespmem:s6+$0x810];
	[tilespmem:s6+$0xC870] =	vst v8  }
0x6b: {  	[tilespmem:s6+$0xC000] =	vst v2;
	v2 =	vperm.xlane v6, v0;
	v6 =	vld [tilespmem:s6+$0x800]  }
0x6c: {  	[tilespmem:s6+$0xC010] =	vst v1;
	v1 =	vperm.xlane v7, v0;
	v7 =	vld [tilespmem:s6+$0x470]  }
0x6d: {  	[tilespmem:s6+$0xC020] =	vst v2;
	v2 =	vperm.xlane v5, v0;
	v5 =	vld [tilespmem:s6+$0x460]  }
0x6e: {  	[tilespmem:s6+$0xC030] =	vst v1;
	v1 =	vperm.xlane v3, v0;
	v3 =	vld [tilespmem:s6+$0x450]  }
0x6f: {  	[tilespmem:s6+$0xC040] =	vst v2;
	v2 =	vperm.xlane v4, v0;
	v4 =	vld [tilespmem:s6+$0x440]  }
0x70: {  	[tilespmem:s6+$0xC050] =	vst v1;
	v1 =	vperm.xlane v6, v0;
	v6 =	vld [tilespmem:s6+$0x430]  }
0x71: {  	[tilespmem:s6+$0xC060] =	vst v2;
	v2 =	vperm.xlane v7, v0;
	v7 =	vld [tilespmem:s6+$0x420]  }
0x72: {  	[tilespmem:s6+$0xC070] =	vst v1;
	v1 =	vperm.xlane v5, v0;
	v5 =	vld [tilespmem:s6+$0x410]  }
0x73: {  	[tilespmem:s6+$0xC400] =	vst v2;
	v2 =	vperm.xlane v3, v0;
	v3 =	vld [tilespmem:s6+$0x400]  }
0x74: {  	[tilespmem:s6+$0xC410] =	vst v1;
	v1 =	vperm.xlane v4, v0;
	v4 =	vld [tilespmem:s6+$0x70]  }
0x75: {  	[tilespmem:s6+$0xC420] =	vst v2;
	v2 =	vperm.xlane v6, v0;
	v6 =	vld [tilespmem:s6+$0x60]  }
0x76: {  	[tilespmem:s6+$0xC430] =	vst v1;
	v1 =	vperm.xlane v7, v0;
	v7 =	vld [tilespmem:s6+$0x50]  }
0x77: {  	[tilespmem:s6+$0xC440] =	vst v2;
	v2 =	vperm.xlane v5, v0;
	v5 =	vld [tilespmem:s6+$0x40]  }
0x78: {  	[tilespmem:s6+$0xC450] =	vst v1;
	v1 =	vperm.xlane v3, v0;
	v3 =	vld [tilespmem:s6+$0x30]  }
0x79: {  	[tilespmem:s6+$0xC460] =	vst v2;
	v2 =	vperm.xlane v4, v0;
	v4 =	vld [tilespmem:s6+$0x20]  }
0x7a: {  	[tilespmem:s6+$0xC470] =	vst v1;
	v1 =	vperm.xlane v6, v0;
	v6 =	vld [tilespmem:s6+$0x10]  }
0x7b: {  	[tilespmem:s6+$0xC800] =	vst v2;
	v2 =	vperm.xlane v7, v0  }
0x7c: {  	[tilespmem:s6+$0xC810] =	vst v1;
	v1 =	vperm.xlane v5, v0  }
0x7d: {  	[tilespmem:s6+$0xC820] =	vst v2;
	v2 =	vperm.xlane v3, v0  }
0x7e: {  	s8 =	sshrl.u32 s8, $0x3;
	p1 =	seq.s32 s19, $0x30;
	[tilespmem:s6+$0xC830] =	vst v1;
	v1 =	vperm.xlane v4, v0  }
0x7f: {  	s8 =	smul.u32 $0x180, s8;
	s9 =	sadd.s32 @!p1 s7, s10;
	[tilespmem:s6+$0xC840] =	vst v2;
	v2 =	vperm.xlane v6, v0  }
0x80: {  	s9 =	sshrl.u32 @!p1 s9, $0x3;
	[tilespmem:s6+$0xC850] =	vst v1  }
0x81: {  	s31 =	sadd.s32 s4, s8;
	s8 =	smul.u32 @!p1 $0x180, s9;
	[tilespmem:s6+$0xC860] =	vst v2  }
0x82: {  	[hbm4b:s31+s5] =	stream.linear.scatter [tilespmem:s22], [sflag:$0x5], $0x3000, $0x38;
	[tilespmem:$0x18000] =	vst v63  }
0x83: {  	s6 =	sadd.s32 @!p1 s3, s8;
	s8 =	simm.s32 @!p1 $0x0  }
0x84: {  	[tilespmem:s8], [sflag:$0x1] =	stream.linear.gather @!p1 [hbm4b:s6+s8], $0x3000, $0x38;
	[tilespmem:$0x18000] =	vst v63  }
0x85: {  	_ =	swait.ge [sflag:s23], $0x3000  }
0x86: {  	[sflag:s23] =	ssyncset.done $0x0  }
0x87: {  	s9 =	simm.s32 $0x0;
	s6 =	simm.s32 @!p0 $0x6;
	[sflag:s23] =	ssyncadd.s32 $0xFFFFD000  }
0x88: {  	s17 =	simm.s32 $0x0;
	s8 =	smul.u32 $0xC00, s9;
	_ =	swait.ge @!p0 [sflag:s6], $0x3000  }
0x89: {  	s31 =	sand.u32 $0x380, s17;
	[sflag:s6] =	ssyncset.done @!p0 $0x0  }
0x8a: {  	s9 =	sor.u32 s31, s8;
	[sflag:s6] =	ssyncadd.s32 @!p0 $0xFFFFD000  }
0x8b: {  	v1 =	vld [tilespmem:s9+$0x3000]  }
0x8c: {  	v2 =	vld [tilespmem:s9+$0x3870]  }
0x8d: {  	v3 =	vld [tilespmem:s9+$0x3860]  }
0x8e: {  	v4 =	vld [tilespmem:s9+$0x3850]  }
0x8f: {  	v5 =	vld [tilespmem:s9+$0x3840]  }
0x90: {  	v6 =	vld [tilespmem:s9+$0x3830]  }
0x91: {  	v7 =	vld [tilespmem:s9+$0x3820];
	v1 =	vperm.xlane v1, v0  }
0x92: {  	v2 =	vperm.xlane v2, v0  }
0x93: {  	[tilespmem:s9+$0xF870] =	vst v1;
	v1 =	vperm.xlane v3, v0  }
0x94: {  	v8 =	vld [tilespmem:s9+$0x3810];
	[tilespmem:s9+$0xF000] =	vst v2;
	v3 =	vperm.xlane v4, v0  }
0x95: {  	v2 =	vld [tilespmem:s9+$0x3800];
	v4 =	vperm.xlane v5, v0;
	[tilespmem:s9+$0xF010] =	vst v1  }
0x96: {  	v5 =	vperm.xlane v6, v0;
	v6 =	vperm.xlane v7, v0;
	v1 =	vld [tilespmem:s9+$0x3470];
	[tilespmem:s9+$0xF020] =	vst v3  }
0x97: {  	v3 =	vld [tilespmem:s9+$0x3460];
	[tilespmem:s9+$0xF030] =	vst v4  }
0x98: {  	[tilespmem:s9+$0xF050] =	vst v6;
	v6 =	vld [tilespmem:s9+$0x3430]  }
0x99: {  	v4 =	vld [tilespmem:s9+$0x3450];
	[tilespmem:s9+$0xF040] =	vst v5;
	v5 =	vperm.xlane v8, v0  }
0x9a: {  	v7 =	vld [tilespmem:s9+$0x3440];
	v2 =	vperm.xlane v2, v0  }
0x9b: {  	v8 =	vld [tilespmem:s9+$0x3420];
	[tilespmem:s9+$0xF060] =	vst v5;
	v1 =	vperm.xlane v1, v0  }
0x9c: {  	v9 =	vld [tilespmem:s9+$0x3410];
	[tilespmem:s9+$0xF070] =	vst v2;
	v2 =	vperm.xlane v3, v0  }
0x9d: {  	v5 =	vld [tilespmem:s9+$0x3400];
	v6 =	vperm.xlane v6, v0;
	[tilespmem:s9+$0xF400] =	vst v1  }
0x9e: {  	v3 =	vld [tilespmem:s9+$0x3070];
	v1 =	vperm.xlane v4, v0;
	[tilespmem:s9+$0xF410] =	vst v2  }
0x9f: {  	v4 =	vperm.xlane v7, v0;
	v2 =	vld [tilespmem:s9+$0x3060];
	[tilespmem:s9+$0xF440] =	vst v6  }
0xa0: {  	v6 =	vperm.xlane v8, v0;
	[tilespmem:s9+$0xF420] =	vst v1;
	v1 =	vld [tilespmem:s9+$0x3050]  }
0xa1: {  	s30 =	simm.s32 $0x0;
	s8 =	sadd.s32 s7, s11;
	s6 =	simm.s32 $0x2;
	v7 =	vperm.xlane v9, v0;
	[tilespmem:s9+$0xF430] =	vst v4;
	v4 =	vld [tilespmem:s9+$0x3040]  }
.LBB2_5:
0xa2: {  	p2 =	sne.s32 s6, $0x1F;
	s30 =	smul.u32 $0xC00, s30;
	[tilespmem:s9+$0xF450] =	vst v6;
	v5 =	vperm.xlane v5, v0;
	v6 =	vld [tilespmem:s9+$0x3030];
	s17 =	sadd.s32 $0x80, s17  }
0xa3: {  	s31 =	sand.u32 $0x380, s17;
	[tilespmem:s9+$0xF460] =	vst v7;
	v3 =	vperm.xlane v3, v0;
	v7 =	vld [tilespmem:s9+$0x3020]  }
0xa4: {  	s30 =	sor.u32 s31, s30;
	[tilespmem:s9+$0xF470] =	vst v5;
	v2 =	vperm.xlane v2, v0;
	v5 =	vld [tilespmem:s9+$0x3010]  }
0xa5: {  	v8 =	vld [tilespmem:s30+$0x3000];
	[tilespmem:s9+$0xF800] =	vst v3;
	v1 =	vperm.xlane v1, v0  }
0xa6: {  	v3 =	vld [tilespmem:s30+$0x3870];
	[tilespmem:s9+$0xF810] =	vst v2;
	v2 =	vperm.xlane v4, v0  }
0xa7: {  	v4 =	vld [tilespmem:s30+$0x3860];
	[tilespmem:s9+$0xF820] =	vst v1;
	v1 =	vperm.xlane v6, v0  }
0xa8: {  	v6 =	vld [tilespmem:s30+$0x3850];
	[tilespmem:s9+$0xF830] =	vst v2;
	v2 =	vperm.xlane v7, v0  }
0xa9: {  	v7 =	vld [tilespmem:s30+$0x3840];
	[tilespmem:s9+$0xF840] =	vst v1;
	v1 =	vperm.xlane v5, v0  }
0xaa: {  	v5 =	vld [tilespmem:s30+$0x3830];
	v8 =	vperm.xlane v8, v0;
	[tilespmem:s9+$0xF850] =	vst v2  }
0xab: {  	v2 =	vperm.xlane v3, v0;
	v3 =	vld [tilespmem:s30+$0x3820];
	[tilespmem:s9+$0xF860] =	vst v1;
	s9 =	smov.u32 s30  }
0xac: {  	v1 =	vperm.xlane v4, v0;
	v4 =	vld [tilespmem:s9+$0x3810];
	[tilespmem:s9+$0xF870] =	vst v8  }
0xad: {  	[tilespmem:s9+$0xF000] =	vst v2;
	v2 =	vperm.xlane v6, v0;
	v6 =	vld [tilespmem:s9+$0x3800]  }
0xae: {  	[tilespmem:s9+$0xF010] =	vst v1;
	v1 =	vperm.xlane v7, v0;
	v7 =	vld [tilespmem:s9+$0x3470]  }
0xaf: {  	[tilespmem:s9+$0xF020] =	vst v2;
	v2 =	vperm.xlane v5, v0;
	v5 =	vld [tilespmem:s9+$0x3460]  }
0xb0: {  	[tilespmem:s9+$0xF030] =	vst v1;
	v1 =	vperm.xlane v3, v0;
	v3 =	vld [tilespmem:s9+$0x3450]  }
0xb1: {  	[tilespmem:s9+$0xF040] =	vst v2;
	v2 =	vperm.xlane v4, v0;
	v4 =	vld [tilespmem:s9+$0x3440]  }
0xb2: {  	[tilespmem:s9+$0xF050] =	vst v1;
	v1 =	vperm.xlane v6, v0;
	v6 =	vld [tilespmem:s9+$0x3430]  }
0xb3: {  	[tilespmem:s9+$0xF060] =	vst v2;
	v2 =	vperm.xlane v7, v0;
	v7 =	vld [tilespmem:s9+$0x3420]  }
0xb4: {  	[tilespmem:s9+$0xF070] =	vst v1;
	v1 =	vperm.xlane v5, v0;
	v8 =	vld [tilespmem:s9+$0x3410]  }
.Ltmp3:
0xb5: {  	[tilespmem:s9+$0xF400] =	vst v2;
	v2 =	vperm.xlane v3, v0;
	v5 =	vld [tilespmem:s9+$0x3400];
	(pc) =	sbr.rel @p2 .LBB2_5-.Ltmp3, $4  }
0xb6: {  	[tilespmem:s9+$0xF410] =	vst v1;
	v1 =	vperm.xlane v4, v0;
	v3 =	vld [tilespmem:s9+$0x3070]  }
0xb7: {  	[tilespmem:s9+$0xF420] =	vst v2;
	v4 =	vperm.xlane v6, v0;
	v2 =	vld [tilespmem:s9+$0x3060]  }
0xb8: {  	[tilespmem:s9+$0xF430] =	vst v1;
	v6 =	vperm.xlane v7, v0;
	v1 =	vld [tilespmem:s9+$0x3050]  }
0xb9: {  	s30 =	sshrl.u32 s6, $0x3;
	s6 =	sadd.s32 $0x1, s6;
	[tilespmem:s9+$0xF440] =	vst v4;
	v7 =	vperm.xlane v8, v0;
	v4 =	vld [tilespmem:s9+$0x3040]  }
0xba: {  	[tilespmem:s9+$0xF450] =	vst v6;
	v6 =	vld [tilespmem:s9+$0x3030];
	v5 =	vperm.xlane v5, v0;
	s6 =	smul.u32 $0xC00, s30;
	s17 =	sadd.s32 $0x80, s17  }
0xbb: {  	[tilespmem:s9+$0xF460] =	vst v7;
	v7 =	vld [tilespmem:s9+$0x3020];
	s17 =	sand.u32 $0x380, s17;
	v3 =	vperm.xlane v3, v0  }
0xbc: {  	[tilespmem:s9+$0xF470] =	vst v5;
	s6 =	sor.u32 s17, s6;
	v2 =	vperm.xlane v2, v0;
	v5 =	vld [tilespmem:s9+$0x3010]  }
0xbd: {  	v8 =	vld [tilespmem:s6+$0x3000];
	[tilespmem:s9+$0xF800] =	vst v3;
	v1 =	vperm.xlane v1, v0  }
0xbe: {  	v3 =	vld [tilespmem:s6+$0x3870];
	[tilespmem:s9+$0xF810] =	vst v2;
	v2 =	vperm.xlane v4, v0  }
0xbf: {  	v4 =	vld [tilespmem:s6+$0x3860];
	[tilespmem:s9+$0xF820] =	vst v1;
	v1 =	vperm.xlane v6, v0  }
0xc0: {  	v6 =	vld [tilespmem:s6+$0x3850];
	[tilespmem:s9+$0xF830] =	vst v2;
	v2 =	vperm.xlane v7, v0  }
0xc1: {  	v7 =	vld [tilespmem:s6+$0x3840];
	[tilespmem:s9+$0xF840] =	vst v1;
	v1 =	vperm.xlane v5, v0  }
0xc2: {  	v5 =	vld [tilespmem:s6+$0x3830];
	v8 =	vperm.xlane v8, v0;
	[tilespmem:s9+$0xF850] =	vst v2  }
0xc3: {  	v2 =	vperm.xlane v3, v0;
	v3 =	vld [tilespmem:s6+$0x3820];
	[tilespmem:s9+$0xF860] =	vst v1  }
0xc4: {  	v1 =	vperm.xlane v4, v0;
	v4 =	vld [tilespmem:s6+$0x3810];
	[tilespmem:s6+$0xF870] =	vst v8  }
0xc5: {  	[tilespmem:s6+$0xF000] =	vst v2;
	v2 =	vperm.xlane v6, v0;
	v6 =	vld [tilespmem:s6+$0x3800]  }
0xc6: {  	[tilespmem:s6+$0xF010] =	vst v1;
	v1 =	vperm.xlane v7, v0;
	v7 =	vld [tilespmem:s6+$0x3470]  }
0xc7: {  	[tilespmem:s6+$0xF020] =	vst v2;
	v2 =	vperm.xlane v5, v0;
	v5 =	vld [tilespmem:s6+$0x3460]  }
0xc8: {  	[tilespmem:s6+$0xF030] =	vst v1;
	v1 =	vperm.xlane v3, v0;
	v3 =	vld [tilespmem:s6+$0x3450]  }
0xc9: {  	[tilespmem:s6+$0xF040] =	vst v2;
	v2 =	vperm.xlane v4, v0;
	v4 =	vld [tilespmem:s6+$0x3440]  }
0xca: {  	[tilespmem:s6+$0xF050] =	vst v1;
	v1 =	vperm.xlane v6, v0;
	v6 =	vld [tilespmem:s6+$0x3430]  }
0xcb: {  	[tilespmem:s6+$0xF060] =	vst v2;
	v2 =	vperm.xlane v7, v0;
	v7 =	vld [tilespmem:s6+$0x3420]  }
0xcc: {  	[tilespmem:s6+$0xF070] =	vst v1;
	v1 =	vperm.xlane v5, v0;
	v5 =	vld [tilespmem:s6+$0x3410]  }
0xcd: {  	[tilespmem:s6+$0xF400] =	vst v2;
	v2 =	vperm.xlane v3, v0;
	v3 =	vld [tilespmem:s6+$0x3400]  }
0xce: {  	[tilespmem:s6+$0xF410] =	vst v1;
	v1 =	vperm.xlane v4, v0;
	v4 =	vld [tilespmem:s6+$0x3070]  }
0xcf: {  	[tilespmem:s6+$0xF420] =	vst v2;
	v2 =	vperm.xlane v6, v0;
	v6 =	vld [tilespmem:s6+$0x3060]  }
0xd0: {  	[tilespmem:s6+$0xF430] =	vst v1;
	v1 =	vperm.xlane v7, v0;
	v7 =	vld [tilespmem:s6+$0x3050]  }
0xd1: {  	[tilespmem:s6+$0xF440] =	vst v2;
	v2 =	vperm.xlane v5, v0;
	v5 =	vld [tilespmem:s6+$0x3040]  }
0xd2: {  	[tilespmem:s6+$0xF450] =	vst v1;
	v1 =	vperm.xlane v3, v0;
	v3 =	vld [tilespmem:s6+$0x3030]  }
0xd3: {  	[tilespmem:s6+$0xF460] =	vst v2;
	v2 =	vperm.xlane v4, v0;
	v4 =	vld [tilespmem:s6+$0x3020]  }
0xd4: {  	[tilespmem:s6+$0xF470] =	vst v1;
	v1 =	vperm.xlane v6, v0;
	v6 =	vld [tilespmem:s6+$0x3010]  }
0xd5: {  	[tilespmem:s6+$0xF800] =	vst v2;
	v2 =	vperm.xlane v7, v0  }
0xd6: {  	[tilespmem:s6+$0xF810] =	vst v1;
	v1 =	vperm.xlane v5, v0  }
0xd7: {  	[tilespmem:s6+$0xF820] =	vst v2;
	v2 =	vperm.xlane v3, v0  }
0xd8: {  	s8 =	sshrl.u32 s8, $0x3;
	[tilespmem:s6+$0xF830] =	vst v1;
	v1 =	vperm.xlane v4, v0  }
0xd9: {  	s8 =	smul.u32 $0x180, s8;
	s9 =	sadd.s32 @!p1 s7, s12;
	[tilespmem:s6+$0xF840] =	vst v2;
	v2 =	vperm.xlane v6, v0  }
0xda: {  	s9 =	sshrl.u32 @!p1 s9, $0x3;
	[tilespmem:s6+$0xF850] =	vst v1  }
0xdb: {  	s31 =	sadd.s32 s4, s8;
	s8 =	smul.u32 @!p1 $0x180, s9;
	[tilespmem:s6+$0xF860] =	vst v2  }
0xdc: {  	[hbm4b:s31+s5] =	stream.linear.scatter [tilespmem:s24], [sflag:$0x6], $0x3000, $0x38;
	[tilespmem:$0x18000] =	vst v63  }
0xdd: {  	s9 =	simm.s32 @!p1 $0x3000;
	s6 =	sadd.s32 @!p1 s3, s8;
	s8 =	simm.s32 @!p1 $0x0  }
0xde: {  	[tilespmem:s9], [sflag:$0x2] =	stream.linear.gather @!p1 [hbm4b:s6+s8], $0x3000, $0x38;
	[tilespmem:$0x18000] =	vst v63  }
0xdf: {  	_ =	swait.ge [sflag:s25], $0x3000  }
0xe0: {  	[sflag:s25] =	ssyncset.done $0x0  }
0xe1: {  	s6 =	simm.s32 @!p0 $0x7;
	s9 =	simm.s32 $0x0;
	[sflag:s25] =	ssyncadd.s32 $0xFFFFD000  }
0xe2: {  	s17 =	simm.s32 $0x0;
	s8 =	smul.u32 $0xC00, s9;
	_ =	swait.ge @!p0 [sflag:s6], $0x3000  }
0xe3: {  	s31 =	sand.u32 $0x380, s17;
	[sflag:s6] =	ssyncset.done @!p0 $0x0  }
0xe4: {  	s9 =	sor.u32 s31, s8;
	[sflag:s6] =	ssyncadd.s32 @!p0 $0xFFFFD000  }
0xe5: {  	v1 =	vld [tilespmem:s9+$0x6000]  }
0xe6: {  	v2 =	vld [tilespmem:s9+$0x6870]  }
0xe7: {  	v3 =	vld [tilespmem:s9+$0x6860]  }
0xe8: {  	v4 =	vld [tilespmem:s9+$0x6850]  }
0xe9: {  	v5 =	vld [tilespmem:s9+$0x6840]  }
0xea: {  	v6 =	vld [tilespmem:s9+$0x6830]  }
0xeb: {  	v7 =	vld [tilespmem:s9+$0x6820];
	v1 =	vperm.xlane v1, v0  }
0xec: {  	v2 =	vperm.xlane v2, v0  }
0xed: {  	[tilespmem:s9+$0x12870] =	vst v1;
	v1 =	vperm.xlane v3, v0  }
0xee: {  	v8 =	vld [tilespmem:s9+$0x6810];
	[tilespmem:s9+$0x12000] =	vst v2;
	v3 =	vperm.xlane v4, v0  }
0xef: {  	v2 =	vld [tilespmem:s9+$0x6800];
	v4 =	vperm.xlane v5, v0;
	[tilespmem:s9+$0x12010] =	vst v1  }
0xf0: {  	v5 =	vperm.xlane v6, v0;
	v6 =	vperm.xlane v7, v0;
	v1 =	vld [tilespmem:s9+$0x6470];
	[tilespmem:s9+$0x12020] =	vst v3  }
0xf1: {  	v3 =	vld [tilespmem:s9+$0x6460];
	[tilespmem:s9+$0x12030] =	vst v4  }
0xf2: {  	[tilespmem:s9+$0x12050] =	vst v6;
	v6 =	vld [tilespmem:s9+$0x6430]  }
0xf3: {  	v4 =	vld [tilespmem:s9+$0x6450];
	[tilespmem:s9+$0x12040] =	vst v5;
	v5 =	vperm.xlane v8, v0  }
0xf4: {  	v7 =	vld [tilespmem:s9+$0x6440];
	v2 =	vperm.xlane v2, v0  }
0xf5: {  	v8 =	vld [tilespmem:s9+$0x6420];
	[tilespmem:s9+$0x12060] =	vst v5;
	v1 =	vperm.xlane v1, v0  }
0xf6: {  	v9 =	vld [tilespmem:s9+$0x6410];
	[tilespmem:s9+$0x12070] =	vst v2;
	v2 =	vperm.xlane v3, v0  }
0xf7: {  	v5 =	vld [tilespmem:s9+$0x6400];
	v6 =	vperm.xlane v6, v0;
	[tilespmem:s9+$0x12400] =	vst v1  }
0xf8: {  	v3 =	vld [tilespmem:s9+$0x6070];
	v1 =	vperm.xlane v4, v0;
	[tilespmem:s9+$0x12410] =	vst v2  }
0xf9: {  	v4 =	vperm.xlane v7, v0;
	v2 =	vld [tilespmem:s9+$0x6060];
	[tilespmem:s9+$0x12440] =	vst v6  }
0xfa: {  	v6 =	vperm.xlane v8, v0;
	[tilespmem:s9+$0x12420] =	vst v1;
	v1 =	vld [tilespmem:s9+$0x6050]  }
0xfb: {  	s30 =	simm.s32 $0x0;
	s8 =	sadd.s32 s7, s13;
	s6 =	simm.s32 $0x2;
	v7 =	vperm.xlane v9, v0;
	[tilespmem:s9+$0x12430] =	vst v4;
	v4 =	vld [tilespmem:s9+$0x6040]  }
.LBB2_7:
0xfc: {  	p2 =	sne.s32 s6, $0x1F;
	s30 =	smul.u32 $0xC00, s30;
	[tilespmem:s9+$0x12450] =	vst v6;
	v5 =	vperm.xlane v5, v0;
	v6 =	vld [tilespmem:s9+$0x6030];
	s17 =	sadd.s32 $0x80, s17  }
0xfd: {  	s31 =	sand.u32 $0x380, s17;
	[tilespmem:s9+$0x12460] =	vst v7;
	v3 =	vperm.xlane v3, v0;
	v7 =	vld [tilespmem:s9+$0x6020]  }
0xfe: {  	s30 =	sor.u32 s31, s30;
	[tilespmem:s9+$0x12470] =	vst v5;
	v2 =	vperm.xlane v2, v0;
	v5 =	vld [tilespmem:s9+$0x6010]  }
0xff: {  	v8 =	vld [tilespmem:s30+$0x6000];
	[tilespmem:s9+$0x12800] =	vst v3;
	v1 =	vperm.xlane v1, v0  }
0x100: {  	v3 =	vld [tilespmem:s30+$0x6870];
	[tilespmem:s9+$0x12810] =	vst v2;
	v2 =	vperm.xlane v4, v0  }
0x101: {  	v4 =	vld [tilespmem:s30+$0x6860];
	[tilespmem:s9+$0x12820] =	vst v1;
	v1 =	vperm.xlane v6, v0  }
0x102: {  	v6 =	vld [tilespmem:s30+$0x6850];
	[tilespmem:s9+$0x12830] =	vst v2;
	v2 =	vperm.xlane v7, v0  }
0x103: {  	v7 =	vld [tilespmem:s30+$0x6840];
	[tilespmem:s9+$0x12840] =	vst v1;
	v1 =	vperm.xlane v5, v0  }
0x104: {  	v5 =	vld [tilespmem:s30+$0x6830];
	v8 =	vperm.xlane v8, v0;
	[tilespmem:s9+$0x12850] =	vst v2  }
0x105: {  	v2 =	vperm.xlane v3, v0;
	v3 =	vld [tilespmem:s30+$0x6820];
	[tilespmem:s9+$0x12860] =	vst v1;
	s9 =	smov.u32 s30  }
0x106: {  	v1 =	vperm.xlane v4, v0;
	v4 =	vld [tilespmem:s9+$0x6810];
	[tilespmem:s9+$0x12870] =	vst v8  }
0x107: {  	[tilespmem:s9+$0x12000] =	vst v2;
	v2 =	vperm.xlane v6, v0;
	v6 =	vld [tilespmem:s9+$0x6800]  }
0x108: {  	[tilespmem:s9+$0x12010] =	vst v1;
	v1 =	vperm.xlane v7, v0;
	v7 =	vld [tilespmem:s9+$0x6470]  }
0x109: {  	[tilespmem:s9+$0x12020] =	vst v2;
	v2 =	vperm.xlane v5, v0;
	v5 =	vld [tilespmem:s9+$0x6460]  }
0x10a: {  	[tilespmem:s9+$0x12030] =	vst v1;
	v1 =	vperm.xlane v3, v0;
	v3 =	vld [tilespmem:s9+$0x6450]  }
0x10b: {  	[tilespmem:s9+$0x12040] =	vst v2;
	v2 =	vperm.xlane v4, v0;
	v4 =	vld [tilespmem:s9+$0x6440]  }
0x10c: {  	[tilespmem:s9+$0x12050] =	vst v1;
	v1 =	vperm.xlane v6, v0;
	v6 =	vld [tilespmem:s9+$0x6430]  }
0x10d: {  	[tilespmem:s9+$0x12060] =	vst v2;
	v2 =	vperm.xlane v7, v0;
	v7 =	vld [tilespmem:s9+$0x6420]  }
0x10e: {  	[tilespmem:s9+$0x12070] =	vst v1;
	v1 =	vperm.xlane v5, v0;
	v8 =	vld [tilespmem:s9+$0x6410]  }
.Ltmp4:
0x10f: {  	[tilespmem:s9+$0x12400] =	vst v2;
	v2 =	vperm.xlane v3, v0;
	v5 =	vld [tilespmem:s9+$0x6400];
	(pc) =	sbr.rel @p2 .LBB2_7-.Ltmp4, $4  }
0x110: {  	[tilespmem:s9+$0x12410] =	vst v1;
	v1 =	vperm.xlane v4, v0;
	v3 =	vld [tilespmem:s9+$0x6070]  }
0x111: {  	[tilespmem:s9+$0x12420] =	vst v2;
	v4 =	vperm.xlane v6, v0;
	v2 =	vld [tilespmem:s9+$0x6060]  }
0x112: {  	[tilespmem:s9+$0x12430] =	vst v1;
	v6 =	vperm.xlane v7, v0;
	v1 =	vld [tilespmem:s9+$0x6050]  }
0x113: {  	s30 =	sshrl.u32 s6, $0x3;
	s6 =	sadd.s32 $0x1, s6;
	[tilespmem:s9+$0x12440] =	vst v4;
	v7 =	vperm.xlane v8, v0;
	v4 =	vld [tilespmem:s9+$0x6040]  }
0x114: {  	[tilespmem:s9+$0x12450] =	vst v6;
	v6 =	vld [tilespmem:s9+$0x6030];
	v5 =	vperm.xlane v5, v0;
	s6 =	smul.u32 $0xC00, s30;
	s17 =	sadd.s32 $0x80, s17  }
0x115: {  	[tilespmem:s9+$0x12460] =	vst v7;
	v7 =	vld [tilespmem:s9+$0x6020];
	s17 =	sand.u32 $0x380, s17;
	v3 =	vperm.xlane v3, v0  }
0x116: {  	[tilespmem:s9+$0x12470] =	vst v5;
	s6 =	sor.u32 s17, s6;
	v2 =	vperm.xlane v2, v0;
	v5 =	vld [tilespmem:s9+$0x6010]  }
0x117: {  	v8 =	vld [tilespmem:s6+$0x6000];
	[tilespmem:s9+$0x12800] =	vst v3;
	v1 =	vperm.xlane v1, v0  }
0x118: {  	v3 =	vld [tilespmem:s6+$0x6870];
	[tilespmem:s9+$0x12810] =	vst v2;
	v2 =	vperm.xlane v4, v0  }
0x119: {  	v4 =	vld [tilespmem:s6+$0x6860];
	[tilespmem:s9+$0x12820] =	vst v1;
	v1 =	vperm.xlane v6, v0  }
0x11a: {  	v6 =	vld [tilespmem:s6+$0x6850];
	[tilespmem:s9+$0x12830] =	vst v2;
	v2 =	vperm.xlane v7, v0  }
0x11b: {  	v7 =	vld [tilespmem:s6+$0x6840];
	[tilespmem:s9+$0x12840] =	vst v1;
	v1 =	vperm.xlane v5, v0  }
0x11c: {  	v5 =	vld [tilespmem:s6+$0x6830];
	v8 =	vperm.xlane v8, v0;
	[tilespmem:s9+$0x12850] =	vst v2  }
0x11d: {  	v2 =	vperm.xlane v3, v0;
	v3 =	vld [tilespmem:s6+$0x6820];
	[tilespmem:s9+$0x12860] =	vst v1  }
0x11e: {  	v1 =	vperm.xlane v4, v0;
	v4 =	vld [tilespmem:s6+$0x6810];
	[tilespmem:s6+$0x12870] =	vst v8  }
0x11f: {  	[tilespmem:s6+$0x12000] =	vst v2;
	v2 =	vperm.xlane v6, v0;
	v6 =	vld [tilespmem:s6+$0x6800]  }
0x120: {  	[tilespmem:s6+$0x12010] =	vst v1;
	v1 =	vperm.xlane v7, v0;
	v7 =	vld [tilespmem:s6+$0x6470]  }
0x121: {  	[tilespmem:s6+$0x12020] =	vst v2;
	v2 =	vperm.xlane v5, v0;
	v5 =	vld [tilespmem:s6+$0x6460]  }
0x122: {  	[tilespmem:s6+$0x12030] =	vst v1;
	v1 =	vperm.xlane v3, v0;
	v3 =	vld [tilespmem:s6+$0x6450]  }
0x123: {  	[tilespmem:s6+$0x12040] =	vst v2;
	v2 =	vperm.xlane v4, v0;
	v4 =	vld [tilespmem:s6+$0x6440]  }
0x124: {  	[tilespmem:s6+$0x12050] =	vst v1;
	v1 =	vperm.xlane v6, v0;
	v6 =	vld [tilespmem:s6+$0x6430]  }
0x125: {  	[tilespmem:s6+$0x12060] =	vst v2;
	v2 =	vperm.xlane v7, v0;
	v7 =	vld [tilespmem:s6+$0x6420]  }
0x126: {  	[tilespmem:s6+$0x12070] =	vst v1;
	v1 =	vperm.xlane v5, v0;
	v5 =	vld [tilespmem:s6+$0x6410]  }
0x127: {  	[tilespmem:s6+$0x12400] =	vst v2;
	v2 =	vperm.xlane v3, v0;
	v3 =	vld [tilespmem:s6+$0x6400]  }
0x128: {  	[tilespmem:s6+$0x12410] =	vst v1;
	v1 =	vperm.xlane v4, v0;
	v4 =	vld [tilespmem:s6+$0x6070]  }
0x129: {  	[tilespmem:s6+$0x12420] =	vst v2;
	v2 =	vperm.xlane v6, v0;
	v6 =	vld [tilespmem:s6+$0x6060]  }
0x12a: {  	[tilespmem:s6+$0x12430] =	vst v1;
	v1 =	vperm.xlane v7, v0;
	v7 =	vld [tilespmem:s6+$0x6050]  }
0x12b: {  	[tilespmem:s6+$0x12440] =	vst v2;
	v2 =	vperm.xlane v5, v0;
	v5 =	vld [tilespmem:s6+$0x6040]  }
0x12c: {  	[tilespmem:s6+$0x12450] =	vst v1;
	v1 =	vperm.xlane v3, v0;
	v3 =	vld [tilespmem:s6+$0x6030]  }
0x12d: {  	[tilespmem:s6+$0x12460] =	vst v2;
	v2 =	vperm.xlane v4, v0;
	v4 =	vld [tilespmem:s6+$0x6020]  }
0x12e: {  	[tilespmem:s6+$0x12470] =	vst v1;
	v1 =	vperm.xlane v6, v0;
	v6 =	vld [tilespmem:s6+$0x6010]  }
0x12f: {  	[tilespmem:s6+$0x12800] =	vst v2;
	v2 =	vperm.xlane v7, v0  }
0x130: {  	[tilespmem:s6+$0x12810] =	vst v1;
	v1 =	vperm.xlane v5, v0  }
0x131: {  	[tilespmem:s6+$0x12820] =	vst v2;
	v2 =	vperm.xlane v3, v0  }
0x132: {  	s8 =	sshrl.u32 s8, $0x3;
	[tilespmem:s6+$0x12830] =	vst v1;
	v1 =	vperm.xlane v4, v0  }
0x133: {  	s8 =	smul.u32 $0x180, s8;
	s9 =	sadd.s32 @!p1 s7, s14;
	[tilespmem:s6+$0x12840] =	vst v2;
	v2 =	vperm.xlane v6, v0  }
0x134: {  	s9 =	sshrl.u32 @!p1 s9, $0x3;
	[tilespmem:s6+$0x12850] =	vst v1  }
0x135: {  	s31 =	sadd.s32 s4, s8;
	s8 =	smul.u32 @!p1 $0x180, s9;
	[tilespmem:s6+$0x12860] =	vst v2  }
0x136: {  	[hbm4b:s31+s5] =	stream.linear.scatter [tilespmem:s26], [sflag:$0x7], $0x3000, $0x38;
	[tilespmem:$0x18000] =	vst v63  }
0x137: {  	s9 =	simm.s32 @!p1 $0x6000;
	s6 =	sadd.s32 @!p1 s3, s8;
	s8 =	simm.s32 @!p1 $0x0  }
0x138: {  	[tilespmem:s9], [sflag:$0x3] =	stream.linear.gather @!p1 [hbm4b:s6+s8], $0x3000, $0x38;
	[tilespmem:$0x18000] =	vst v63  }
0x139: {  	_ =	swait.ge [sflag:s28], $0x3000  }
0x13a: {  	[sflag:s28] =	ssyncset.done $0x0  }
0x13b: {  	s6 =	simm.s32 @!p0 $0x8;
	s9 =	simm.s32 $0x0;
	[sflag:s28] =	ssyncadd.s32 $0xFFFFD000  }
0x13c: {  	s17 =	simm.s32 $0x0;
	s8 =	smul.u32 $0xC00, s9;
	_ =	swait.ge @!p0 [sflag:s6], $0x3000  }
0x13d: {  	s31 =	sand.u32 $0x380, s17;
	[sflag:s6] =	ssyncset.done @!p0 $0x0  }
0x13e: {  	s9 =	sor.u32 s31, s8;
	[sflag:s6] =	ssyncadd.s32 @!p0 $0xFFFFD000  }
0x13f: {  	v1 =	vld [tilespmem:s9+$0x9000]  }
0x140: {  	v2 =	vld [tilespmem:s9+$0x9870]  }
0x141: {  	v3 =	vld [tilespmem:s9+$0x9860]  }
0x142: {  	v4 =	vld [tilespmem:s9+$0x9850]  }
0x143: {  	v5 =	vld [tilespmem:s9+$0x9840]  }
0x144: {  	v6 =	vld [tilespmem:s9+$0x9830]  }
0x145: {  	v7 =	vld [tilespmem:s9+$0x9820];
	v1 =	vperm.xlane v1, v0  }
0x146: {  	v2 =	vperm.xlane v2, v0  }
0x147: {  	[tilespmem:s9+$0x15870] =	vst v1;
	v1 =	vperm.xlane v3, v0  }
0x148: {  	v8 =	vld [tilespmem:s9+$0x9810];
	[tilespmem:s9+$0x15000] =	vst v2;
	v3 =	vperm.xlane v4, v0  }
0x149: {  	v2 =	vld [tilespmem:s9+$0x9800];
	v4 =	vperm.xlane v5, v0;
	[tilespmem:s9+$0x15010] =	vst v1  }
0x14a: {  	v5 =	vperm.xlane v6, v0;
	v6 =	vperm.xlane v7, v0;
	v1 =	vld [tilespmem:s9+$0x9470];
	[tilespmem:s9+$0x15020] =	vst v3  }
0x14b: {  	v3 =	vld [tilespmem:s9+$0x9460];
	[tilespmem:s9+$0x15030] =	vst v4  }
0x14c: {  	[tilespmem:s9+$0x15050] =	vst v6;
	v6 =	vld [tilespmem:s9+$0x9430]  }
0x14d: {  	v4 =	vld [tilespmem:s9+$0x9450];
	[tilespmem:s9+$0x15040] =	vst v5;
	v5 =	vperm.xlane v8, v0  }
0x14e: {  	v7 =	vld [tilespmem:s9+$0x9440];
	v2 =	vperm.xlane v2, v0  }
0x14f: {  	v8 =	vld [tilespmem:s9+$0x9420];
	[tilespmem:s9+$0x15060] =	vst v5;
	v1 =	vperm.xlane v1, v0  }
0x150: {  	v9 =	vld [tilespmem:s9+$0x9410];
	[tilespmem:s9+$0x15070] =	vst v2;
	v2 =	vperm.xlane v3, v0  }
0x151: {  	v5 =	vld [tilespmem:s9+$0x9400];
	v6 =	vperm.xlane v6, v0;
	[tilespmem:s9+$0x15400] =	vst v1  }
0x152: {  	v3 =	vld [tilespmem:s9+$0x9070];
	v1 =	vperm.xlane v4, v0;
	[tilespmem:s9+$0x15410] =	vst v2  }
0x153: {  	v4 =	vperm.xlane v7, v0;
	v2 =	vld [tilespmem:s9+$0x9060];
	[tilespmem:s9+$0x15440] =	vst v6  }
0x154: {  	v6 =	vperm.xlane v8, v0;
	[tilespmem:s9+$0x15420] =	vst v1;
	v1 =	vld [tilespmem:s9+$0x9050]  }
0x155: {  	s30 =	simm.s32 $0x0;
	s8 =	sadd.s32 s7, s15;
	s6 =	simm.s32 $0x2;
	v7 =	vperm.xlane v9, v0;
	[tilespmem:s9+$0x15430] =	vst v4;
	v4 =	vld [tilespmem:s9+$0x9040]  }
.LBB2_9:
0x156: {  	p0 =	sne.s32 s6, $0x1F;
	s30 =	smul.u32 $0xC00, s30;
	[tilespmem:s9+$0x15450] =	vst v6;
	v5 =	vperm.xlane v5, v0;
	v6 =	vld [tilespmem:s9+$0x9030];
	s17 =	sadd.s32 $0x80, s17  }
0x157: {  	s31 =	sand.u32 $0x380, s17;
	[tilespmem:s9+$0x15460] =	vst v7;
	v3 =	vperm.xlane v3, v0;
	v7 =	vld [tilespmem:s9+$0x9020]  }
0x158: {  	s30 =	sor.u32 s31, s30;
	[tilespmem:s9+$0x15470] =	vst v5;
	v2 =	vperm.xlane v2, v0;
	v5 =	vld [tilespmem:s9+$0x9010]  }
0x159: {  	v8 =	vld [tilespmem:s30+$0x9000];
	[tilespmem:s9+$0x15800] =	vst v3;
	v1 =	vperm.xlane v1, v0  }
0x15a: {  	v3 =	vld [tilespmem:s30+$0x9870];
	[tilespmem:s9+$0x15810] =	vst v2;
	v2 =	vperm.xlane v4, v0  }
0x15b: {  	v4 =	vld [tilespmem:s30+$0x9860];
	[tilespmem:s9+$0x15820] =	vst v1;
	v1 =	vperm.xlane v6, v0  }
0x15c: {  	v6 =	vld [tilespmem:s30+$0x9850];
	[tilespmem:s9+$0x15830] =	vst v2;
	v2 =	vperm.xlane v7, v0  }
0x15d: {  	v7 =	vld [tilespmem:s30+$0x9840];
	[tilespmem:s9+$0x15840] =	vst v1;
	v1 =	vperm.xlane v5, v0  }
0x15e: {  	v5 =	vld [tilespmem:s30+$0x9830];
	v8 =	vperm.xlane v8, v0;
	[tilespmem:s9+$0x15850] =	vst v2  }
0x15f: {  	v2 =	vperm.xlane v3, v0;
	v3 =	vld [tilespmem:s30+$0x9820];
	[tilespmem:s9+$0x15860] =	vst v1;
	s9 =	smov.u32 s30  }
0x160: {  	v1 =	vperm.xlane v4, v0;
	v4 =	vld [tilespmem:s9+$0x9810];
	[tilespmem:s9+$0x15870] =	vst v8  }
0x161: {  	[tilespmem:s9+$0x15000] =	vst v2;
	v2 =	vperm.xlane v6, v0;
	v6 =	vld [tilespmem:s9+$0x9800]  }
0x162: {  	[tilespmem:s9+$0x15010] =	vst v1;
	v1 =	vperm.xlane v7, v0;
	v7 =	vld [tilespmem:s9+$0x9470]  }
0x163: {  	[tilespmem:s9+$0x15020] =	vst v2;
	v2 =	vperm.xlane v5, v0;
	v5 =	vld [tilespmem:s9+$0x9460]  }
0x164: {  	[tilespmem:s9+$0x15030] =	vst v1;
	v1 =	vperm.xlane v3, v0;
	v3 =	vld [tilespmem:s9+$0x9450]  }
0x165: {  	[tilespmem:s9+$0x15040] =	vst v2;
	v2 =	vperm.xlane v4, v0;
	v4 =	vld [tilespmem:s9+$0x9440]  }
0x166: {  	[tilespmem:s9+$0x15050] =	vst v1;
	v1 =	vperm.xlane v6, v0;
	v6 =	vld [tilespmem:s9+$0x9430]  }
0x167: {  	[tilespmem:s9+$0x15060] =	vst v2;
	v2 =	vperm.xlane v7, v0;
	v7 =	vld [tilespmem:s9+$0x9420]  }
0x168: {  	[tilespmem:s9+$0x15070] =	vst v1;
	v1 =	vperm.xlane v5, v0;
	v8 =	vld [tilespmem:s9+$0x9410]  }
.Ltmp5:
0x169: {  	[tilespmem:s9+$0x15400] =	vst v2;
	v2 =	vperm.xlane v3, v0;
	v5 =	vld [tilespmem:s9+$0x9400];
	(pc) =	sbr.rel @p0 .LBB2_9-.Ltmp5, $4  }
0x16a: {  	[tilespmem:s9+$0x15410] =	vst v1;
	v1 =	vperm.xlane v4, v0;
	v3 =	vld [tilespmem:s9+$0x9070]  }
0x16b: {  	[tilespmem:s9+$0x15420] =	vst v2;
	v4 =	vperm.xlane v6, v0;
	v2 =	vld [tilespmem:s9+$0x9060]  }
0x16c: {  	[tilespmem:s9+$0x15430] =	vst v1;
	v6 =	vperm.xlane v7, v0;
	v1 =	vld [tilespmem:s9+$0x9050]  }
0x16d: {  	s30 =	sshrl.u32 s6, $0x3;
	s6 =	sadd.s32 $0x1, s6;
	[tilespmem:s9+$0x15440] =	vst v4;
	v7 =	vperm.xlane v8, v0;
	v4 =	vld [tilespmem:s9+$0x9040]  }
0x16e: {  	[tilespmem:s9+$0x15450] =	vst v6;
	v43 =	vld [tilespmem:s9+$0x9030];
	v5 =	vperm.xlane v5, v0;
	s6 =	smul.u32 $0xC00, s30;
	s17 =	sadd.s32 $0x80, s17  }
0x16f: {  	v44 =	vld [tilespmem:s9+$0x9020];
	[tilespmem:s9+$0x15460] =	vst v7;
	s17 =	sand.u32 $0x380, s17;
	v3 =	vperm.xlane v3, v0  }
0x170: {  	v45 =	vld [tilespmem:s9+$0x9010];
	[tilespmem:s9+$0x15470] =	vst v5;
	s6 =	sor.u32 s17, s6;
	v2 =	vperm.xlane v2, v0  }
0x171: {  	v8 =	vld [tilespmem:s6+$0x9000];
	[tilespmem:s9+$0x15800] =	vst v3;
	v1 =	vperm.xlane v1, v0  }
0x172: {  	v3 =	vld [tilespmem:s6+$0x9870];
	[tilespmem:s9+$0x15810] =	vst v2;
	v2 =	vperm.xlane v4, v0  }
0x173: {  	v46 =	vld [tilespmem:s6+$0x9860];
	[tilespmem:s9+$0x15820] =	vst v1;
	v1 =	vperm.xlane v43, v0  }
0x174: {  	v47 =	vld [tilespmem:s6+$0x9850];
	[tilespmem:s9+$0x15830] =	vst v2;
	v2 =	vperm.xlane v44, v0  }
0x175: {  	v48 =	vld [tilespmem:s6+$0x9840];
	[tilespmem:s9+$0x15840] =	vst v1;
	v1 =	vperm.xlane v45, v0  }
0x176: {  	v49 =	vld [tilespmem:s6+$0x9830];
	v8 =	vperm.xlane v8, v0;
	[tilespmem:s9+$0x15850] =	vst v2  }
0x177: {  	v2 =	vperm.xlane v3, v0;
	v3 =	vld [tilespmem:s6+$0x9820];
	[tilespmem:s9+$0x15860] =	vst v1  }
0x178: {  	v50 =	vld [tilespmem:s6+$0x9810];
	v1 =	vperm.xlane v46, v0;
	[tilespmem:s6+$0x15870] =	vst v8  }
0x179: {  	v51 =	vld [tilespmem:s6+$0x9800];
	[tilespmem:s6+$0x15000] =	vst v2;
	v2 =	vperm.xlane v47, v0  }
0x17a: {  	v52 =	vld [tilespmem:s6+$0x9470];
	[tilespmem:s6+$0x15010] =	vst v1;
	v1 =	vperm.xlane v48, v0  }
0x17b: {  	v53 =	vld [tilespmem:s6+$0x9460];
	[tilespmem:s6+$0x15020] =	vst v2;
	v2 =	vperm.xlane v49, v0  }
0x17c: {  	[tilespmem:s6+$0x15030] =	vst v1;
	v1 =	vperm.xlane v3, v0;
	v3 =	vld [tilespmem:s6+$0x9450]  }
0x17d: {  	v54 =	vld [tilespmem:s6+$0x9440];
	[tilespmem:s6+$0x15040] =	vst v2;
	v2 =	vperm.xlane v50, v0  }
0x17e: {  	v55 =	vld [tilespmem:s6+$0x9430];
	[tilespmem:s6+$0x15050] =	vst v1;
	v1 =	vperm.xlane v51, v0  }
0x17f: {  	v56 =	vld [tilespmem:s6+$0x9420];
	[tilespmem:s6+$0x15060] =	vst v2;
	v2 =	vperm.xlane v52, v0  }
0x180: {  	v57 =	vld [tilespmem:s6+$0x9410];
	[tilespmem:s6+$0x15070] =	vst v1;
	v1 =	vperm.xlane v53, v0  }
0x181: {  	[tilespmem:s6+$0x15400] =	vst v2;
	v2 =	vperm.xlane v3, v0;
	v3 =	vld [tilespmem:s6+$0x9400]  }
0x182: {  	v58 =	vld [tilespmem:s6+$0x9070];
	[tilespmem:s6+$0x15410] =	vst v1;
	v1 =	vperm.xlane v54, v0  }
0x183: {  	v59 =	vld [tilespmem:s6+$0x9060];
	[tilespmem:s6+$0x15420] =	vst v2;
	v2 =	vperm.xlane v55, v0  }
0x184: {  	v60 =	vld [tilespmem:s6+$0x9050];
	[tilespmem:s6+$0x15430] =	vst v1;
	v1 =	vperm.xlane v56, v0  }
0x185: {  	v61 =	vld [tilespmem:s6+$0x9040];
	[tilespmem:s6+$0x15440] =	vst v2;
	v2 =	vperm.xlane v57, v0  }
0x186: {  	[tilespmem:s6+$0x15450] =	vst v1;
	v1 =	vperm.xlane v3, v0;
	v3 =	vld [tilespmem:s6+$0x9030]  }
0x187: {  	v62 =	vld [tilespmem:s6+$0x9020];
	[tilespmem:s6+$0x15460] =	vst v2;
	v2 =	vperm.xlane v58, v0  }
0x188: {  	v63 =	vld [tilespmem:s6+$0x9010];
	[tilespmem:s6+$0x15470] =	vst v1;
	v1 =	vperm.xlane v59, v0  }
0x189: {  	[tilespmem:s6+$0x15800] =	vst v2;
	v2 =	vperm.xlane v60, v0  }
0x18a: {  	[tilespmem:s6+$0x15810] =	vst v1;
	v1 =	vperm.xlane v61, v0  }
0x18b: {  	[tilespmem:s6+$0x15820] =	vst v2;
	v2 =	vperm.xlane v3, v0  }
.Ltmp6:
0x18c: {  	s8 =	sshrl.u32 s8, $0x3;
	[tilespmem:s6+$0x15830] =	vst v1;
	v1 =	vperm.xlane v62, v0;
	(pc) =	sbr.rel @p1 .LBB2_12-.Ltmp6, $4  }
0x18d: {  	s8 =	smul.u32 $0x180, s8;
	[tilespmem:s6+$0x15840] =	vst v2;
	v2 =	vperm.xlane v63, v0  }
0x18e: {  	[tilespmem:s6+$0x15850] =	vst v1  }
0x18f: {  	s31 =	sadd.s32 s4, s8;
	[tilespmem:s6+$0x15860] =	vst v2  }
0x190: {  	[hbm4b:s31+s5] =	stream.linear.scatter [tilespmem:s29], [sflag:$0x8], $0x3000, $0x38;
	[tilespmem:$0x18000] =	vst v63  }
0x191: {  	s6 =	sadd.s32 s7, s16  }
.Ltmp7:
0x192: {  	s6 =	sshrl.u32 s6, $0x3;
	(pc) =	sbr.rel .LBB2_2-.Ltmp7, $3  }
0x193: {  	s6 =	smul.u32 $0x180, s6;
	_ =	sdelay $0x1  }
0x194: {  	s19 =	sadd.s32 $0x1, s19;
	s6 =	sadd.s32 s3, s6  }
0x195: {  	[tilespmem:s20], [sflag:$0x4] =	stream.linear.gather [hbm4b:s6+s5], $0x3000, $0x38;
	[tilespmem:$0x18000] =	vst v63  }
.LBB2_13:
0x196: {  	_ =	sfence.sel $0x180000  }
0x197: {  	[bflag:$0x0] =	sbarrier.arrive $0xFFFF  }
0x198: {  	_ =	strace $0x90000047  }
0x199: {  	s0 =	stileid.u32;
	[bflag:$0x2] =	sbarrier.arrive $0xFFFF  }
0x19a: {  	p0 =	sne.s32 s0, $0x0;
	s0 =	rddreg [dreg:$0x2]  }
0x19b: {  	s0 =	sadd.s32 @!p0 $0x100000, s0  }
0x19c: {  	[sflag:s0] =	ssyncadd.tile.s32 @!p0 $0x1;
	_ =	shalt  }
.Lfunc_end2:
_tile_overlayer_lowered:
.L_overlay_start_2:
0x19d: {  	(tag) =	ssettag $0x2  }
0x19e: {  	s0 =	rddreg [dreg:$0x0];
	s2 =	stileid.u32  }
0x19f: {  	s1 =	rddreg [dreg:$0x1];
	p0 =	sne.s32 s2, $0x0  }
0x1a0: {  	s3 =	rddreg [dreg:$0x2];
	[bflag:$0x3] =	sbarrier.arrive $0xFFFF;
	s2 =	simm.s32 @!p0 $0x1C09  }
0x1a1: {  	[timem:s3], [sflag:s2] =	dma.local @!p0 [hbm:s0], s1  }
0x1a2: {  	s0 =	simm.s32 @!p0 $0x9  }
0x1a3: {  	_ =	swait.ge @!p0 [sflag:s0], s1  }
0x1a4: {  	s1 =	ssub.s32 @!p0 $0x0, s1;
	[sflag:s0] =	ssyncset.done @!p0 $0x0  }
0x1a5: {  	[sflag:s0] =	ssyncadd.s32 @!p0 s1  }
0x1a6: {  	[bflag:$0x3] =	sbarrier.arrive $0xFFFF  }
0x1a7: {  	_ =	shalt  }

</sc_bundles>
